<compile_context>
chip_gen: v7x
topology: tpu7x:2x2x1
jax: 0.10.2.dev20260603
libtpu: 0.0.44.dev20260713+nightly
codegen_flags: <defaults>
</compile_context>

<pallas_src>
import functools

import jax
import jax.numpy as jnp
from jax import lax
from jax.experimental import pallas as pl
from jax.experimental.pallas import tpu as pltpu
from jax.experimental.pallas import tpu_sc as plsc

N = 10000
E = 320000
D = 128
H = 128
G = 128
C = 10

NC = 2
NS = 16
NW = NC * NS

CH = 128
K = 80
K2 = K // 2
EPW = CH * K
E_PAD = EPW * NW
ACC_ROWS = 10240
PAD_DST = 10112
ZROWS_PER_SUB = ACC_ROWS // NS
WROWS_PER_SUB = 624
WTAIL = N - NS * WROWS_PER_SUB

_mesh = plsc.VectorSubcoreMesh(core_axis_name="c", subcore_axis_name="s")

NBUF = 2


@functools.partial(
    pl.kernel,
    mesh=_mesh,
    out_type=jax.ShapeDtypeStruct((NC, N, H), jnp.float32),
    scratch_types=[
        pltpu.VMEM((K2, CH), jnp.int32),
        pltpu.VMEM((K2, CH), jnp.int32),
        pltpu.VMEM((NBUF, CH, H), jnp.float32),
        pltpu.SemaphoreType.DMA,
        pltpu.SemaphoreType.DMA,
        pltpu.VMEM_SHARED((ACC_ROWS, H), jnp.float32),
    ],
)
def _sc_aggregate(h_hbm, src_hbm, dst_hbm, out_hbm, sidx, didx, rows,
                  sem0, sem1, acc):
    c = lax.axis_index("c")
    s = lax.axis_index("s")
    w = c * NS + s
    sems = (sem0, sem1)

    @pl.loop(0, CH)
    def _(i):
        @pl.loop(0, H // 16)
        def _(j):
            rows[0, i, pl.ds(j * 16, 16)] = jnp.zeros((16,), jnp.float32)

    @pl.loop(0, ZROWS_PER_SUB // CH)
    def _(t):
        pltpu.sync_copy(rows.at[0], acc.at[pl.ds(s * ZROWS_PER_SUB + t * CH, CH)])

    plsc.subcore_barrier()

    @pl.loop(0, 2)
    def _(hh):
        pltpu.sync_copy(src_hbm.at[w, pl.ds(hh * K2, K2)], sidx)
        pltpu.sync_copy(dst_hbm.at[w, pl.ds(hh * K2, K2)], didx)

        for b in range(NBUF):
            pltpu.async_copy(h_hbm.at[sidx.at[b]], rows.at[b], sems[b])

        @pl.loop(0, K2, step=NBUF)
        def _(k):
            for b in range(NBUF):
                pltpu.make_async_copy(h_hbm.at[sidx.at[b]], rows.at[b],
                                      sems[b]).wait()
                pltpu.sync_copy(rows.at[b], acc.at[didx.at[k + b]], add=True)

                @pl.when(k + b + NBUF < K2)
                def _():
                    pltpu.async_copy(h_hbm.at[sidx.at[k + b + NBUF]],
                                     rows.at[b], sems[b])

    plsc.subcore_barrier()

    pltpu.sync_copy(
        acc.at[pl.ds(s * WROWS_PER_SUB, WROWS_PER_SUB)],
        out_hbm.at[c, pl.ds(s * WROWS_PER_SUB, WROWS_PER_SUB)],
    )

    @pl.when(s == 0)
    def _():
        pltpu.sync_copy(
            acc.at[pl.ds(NS * WROWS_PER_SUB, WTAIL)],
            out_hbm.at[c, pl.ds(NS * WROWS_PER_SUB, WTAIL)],
        )


BLK = 2000
NBLK = N // BLK


def _mm1_body(h_ref, p0_ref, p1_ref, w1_ref, b1_ref, z_ref, ssum_ref, ssq_ref):
    i = pl.program_id(0)
    z = h_ref[...] + p0_ref[...] + p1_ref[...]
    z = jnp.dot(z, w1_ref[...], preferred_element_type=jnp.float32,
                precision=lax.Precision.HIGHEST) + b1_ref[...]
    z_ref[...] = z

    @pl.when(i == 0)
    def _():
        ssum_ref[...] = jnp.zeros_like(ssum_ref)
        ssq_ref[...] = jnp.zeros_like(ssq_ref)

    ssum_ref[...] += jnp.sum(z, axis=0, keepdims=True)
    ssq_ref[...] += jnp.sum(z * z, axis=0, keepdims=True)


_tc_mm1 = pl.pallas_call(
    _mm1_body,
    grid=(NBLK,),
    in_specs=[
        pl.BlockSpec((BLK, H), lambda i: (i, 0)),
        pl.BlockSpec((BLK, H), lambda i: (i, 0)),
        pl.BlockSpec((BLK, H), lambda i: (i, 0)),
        pl.BlockSpec((H, H), lambda i: (0, 0)),
        pl.BlockSpec((1, H), lambda i: (0, 0)),
    ],
    out_specs=[
        pl.BlockSpec((BLK, H), lambda i: (i, 0)),
        pl.BlockSpec((1, H), lambda i: (0, 0)),
        pl.BlockSpec((1, H), lambda i: (0, 0)),
    ],
    out_shape=[
        jax.ShapeDtypeStruct((N, H), jnp.float32),
        jax.ShapeDtypeStruct((1, H), jnp.float32),
        jax.ShapeDtypeStruct((1, H), jnp.float32),
    ],
)


def _mm2_body(z_ref, ssum_ref, ssq_ref, batch_ref, g_ref, be_ref, w2_ref,
              b2_ref, hout_ref, pool_ref):
    i = pl.program_id(0)
    mean = ssum_ref[...] * (1.0 / N)
    var = ssq_ref[...] * (1.0 / N) - mean * mean
    z = (z_ref[...] - mean) * lax.rsqrt(var + 1e-5) * g_ref[...] + be_ref[...]
    z = jnp.maximum(z, 0.0)
    z = jnp.dot(z, w2_ref[...], preferred_element_type=jnp.float32,
                precision=lax.Precision.HIGHEST) + b2_ref[...]
    z = jnp.maximum(z, 0.0)
    hout_ref[...] = z
    gids = lax.broadcasted_iota(jnp.int32, (G, BLK), 0)
    sel = (batch_ref[0] == gids).astype(jnp.float32)

    @pl.when(i == 0)
    def _():
        pool_ref[...] = jnp.zeros_like(pool_ref)

    pool_ref[...] += jnp.dot(sel, z, preferred_element_type=jnp.float32,
                             precision=lax.Precision.HIGHEST)


_tc_mm2 = pl.pallas_call(
    _mm2_body,
    grid=(NBLK,),
    in_specs=[
        pl.BlockSpec((BLK, H), lambda i: (i, 0)),
        pl.BlockSpec((1, H), lambda i: (0, 0)),
        pl.BlockSpec((1, H), lambda i: (0, 0)),
        pl.BlockSpec((1, 1, BLK), lambda i: (i, 0, 0)),
        pl.BlockSpec((1, H), lambda i: (0, 0)),
        pl.BlockSpec((1, H), lambda i: (0, 0)),
        pl.BlockSpec((H, H), lambda i: (0, 0)),
        pl.BlockSpec((1, H), lambda i: (0, 0)),
    ],
    out_specs=[
        pl.BlockSpec((BLK, H), lambda i: (i, 0)),
        pl.BlockSpec((G, H), lambda i: (0, 0)),
    ],
    out_shape=[
        jax.ShapeDtypeStruct((N, H), jnp.float32),
        jax.ShapeDtypeStruct((G, H), jnp.float32),
    ],
)


def _readout_body(p0_ref, p1_ref, p2_ref, w1_ref, b1_ref, w2_ref, b2_ref,
                  out_ref):
    hg = jnp.concatenate([p0_ref[...], p1_ref[...], p2_ref[...]], axis=1)
    hg = jnp.dot(hg, w1_ref[...], preferred_element_type=jnp.float32,
                 precision=lax.Precision.HIGHEST) + b1_ref[...]
    hg = jnp.maximum(hg, 0.0)
    out_ref[...] = jnp.dot(hg, w2_ref[...], preferred_element_type=jnp.float32,
                           precision=lax.Precision.HIGHEST) + b2_ref[...]


_tc_readout = pl.pallas_call(
    _readout_body,
    out_shape=jax.ShapeDtypeStruct((G, H), jnp.float32),
)


def kernel(x, edge_index, batch,
           W1_0, b1_0, gamma_0, beta_0, W2_0, b2_0,
           W1_1, b1_1, gamma_1, beta_1, W2_1, b2_1,
           W1_2, b1_2, gamma_2, beta_2, W2_2, b2_2,
           lin1_W, lin1_b, lin2_W, lin2_b):
    src = edge_index[0]
    dst = edge_index[1]
    pad = E_PAD - E
    src3 = jnp.concatenate([src, jnp.zeros((pad,), jnp.int32)]).reshape(NW, K, CH)
    dst3 = jnp.concatenate([dst, jnp.full((pad,), PAD_DST, jnp.int32)]).reshape(NW, K, CH)
    batch3 = batch.reshape(NBLK, 1, BLK)

    layer_params = [
        (W1_0, b1_0, gamma_0, beta_0, W2_0, b2_0),
        (W1_1, b1_1, gamma_1, beta_1, W2_1, b2_1),
        (W1_2, b1_2, gamma_2, beta_2, W2_2, b2_2),
    ]

    h = x
    pools = []
    for (w1, b1, gamma, beta, w2, b2) in layer_params:
        parts = _sc_aggregate(h, src3, dst3)
        z, ssum, ssq = _tc_mm1(h, parts[0], parts[1], w1, b1.reshape(1, H))
        h, pool = _tc_mm2(z, ssum, ssq, batch3, gamma.reshape(1, H),
                          beta.reshape(1, H), w2, b2.reshape(1, H))
        pools.append(pool)

    lin2_Wp = jnp.pad(lin2_W, ((0, 0), (0, H - C)))
    lin2_bp = jnp.pad(lin2_b, (0, H - C)).reshape(1, H)
    out = _tc_readout(pools[0], pools[1], pools[2],
                      lin1_W, lin1_b.reshape(1, H * 3), lin2_Wp, lin2_bp)
    return out[:, :C]

# --- scband reference (transcript-rebuilt; emitter-appended) ---
"""Pipeline reference for scband-ginmodel-64046552318029 (READ-ONLY COPY).

The authoritative reference and input builder live on the scoring server;
editing this copy changes nothing except your own understanding.
"""

import jax, jax.numpy as jnp
import numpy as np

N = 10000
E = 320000
D = 128
H = 128
L = 3
C = 10
G = 128

def setup_inputs(seed: int = 0):
    key = jax.random.key(seed)
    ks = jax.random.split(key, 40)
    inp = {}
    inp["x"] = jax.random.normal(ks[0], (N, D), dtype=jnp.float32)
    inp["edge_index"] = jax.random.randint(ks[1], (2, E), 0, N, dtype=jnp.int32)
    inp["batch"] = jnp.sort(jax.random.randint(ks[2], (N,), 0, G, dtype=jnp.int32))
    k = 3
    for i in range(L):
        din = D if i == 0 else H
        inp[f"W1_{i}"] = jax.random.normal(ks[k], (din, H), dtype=jnp.float32) * (1.0 / np.sqrt(din)); k += 1
        inp[f"b1_{i}"] = jnp.zeros((H,), jnp.float32)
        inp[f"gamma_{i}"] = jnp.ones((H,), jnp.float32)
        inp[f"beta_{i}"] = jnp.zeros((H,), jnp.float32)
        inp[f"W2_{i}"] = jax.random.normal(ks[k], (H, H), dtype=jnp.float32) * (1.0 / np.sqrt(H)); k += 1
        inp[f"b2_{i}"] = jnp.zeros((H,), jnp.float32)
    inp["lin1_W"] = jax.random.normal(ks[k], (H * L, H * L), dtype=jnp.float32) * (1.0 / np.sqrt(H * L)); k += 1
    inp["lin1_b"] = jnp.zeros((H * L,), jnp.float32)
    inp["lin2_W"] = jax.random.normal(ks[k], (H * L, C), dtype=jnp.float32) * (1.0 / np.sqrt(H * L)); k += 1
    inp["lin2_b"] = jnp.zeros((C,), jnp.float32)
    return inp

def reference(x, edge_index, batch,
              W1_0, b1_0, gamma_0, beta_0, W2_0, b2_0,
              W1_1, b1_1, gamma_1, beta_1, W2_1, b2_1,
              W1_2, b1_2, gamma_2, beta_2, W2_2, b2_2,
              lin1_W, lin1_b, lin2_W, lin2_b):
    kw = dict(locals())
    x = kw["x"]
    edge_index = kw["edge_index"]
    batch = kw["batch"]
    src = edge_index[0]
    dst = edge_index[1]
    embs = []
    h = x
    for i in range(L):
        # GINConv: nn((1+eps)*x + sum_{j in N(i)} x_j), eps=0
        agg = jnp.zeros((h.shape[0], h.shape[1]), h.dtype).at[dst].add(h[src])
        z = h + agg
        z = z @ kw[f"W1_{i}"] + kw[f"b1_{i}"]
        mean = jnp.mean(z, axis=0)
        var = jnp.var(z, axis=0)
        z = (z - mean) / jnp.sqrt(var + 1e-5) * kw[f"gamma_{i}"] + kw[f"beta_{i}"]
        z = jax.nn.relu(z)
        z = z @ kw[f"W2_{i}"] + kw[f"b2_{i}"]
        z = jax.nn.relu(z)
        embs.append(z)
        h = z
    pooled = [jax.ops.segment_sum(e, batch, num_segments=G) for e in embs]
    hg = jnp.concatenate(pooled, axis=1)
    hg = jax.nn.relu(hg @ kw["lin1_W"] + kw["lin1_b"])
    out = hg @ kw["lin2_W"] + kw["lin2_b"]
    return out

if __name__ == "__main__":
    import jax
    _d = setup_inputs()
    print(jax.jit(kernel)(*tuple(_d.values())))

</pallas_src>

<mosaic_0001>
#map = affine_map<(d0, d1) -> (0, 0)>
#map1 = affine_map<(d0, d1) -> (0, 0, 0)>
module attributes {stable_mosaic.version = 14 : i64} {
  func.func @_sc_aggregate(%arg0: i32, %arg1: i32, %arg2: memref<10000x128xf32, #tpu.memory_space<hbm>>, %arg3: memref<32x80x128xi32, #tpu.memory_space<hbm>>, %arg4: memref<32x80x128xi32, #tpu.memory_space<hbm>>, %arg5: memref<2x10000x128xf32, #tpu.memory_space<hbm>>, %arg6: memref<40x128xi32, #tpu.memory_space<vmem>>, %arg7: memref<40x128xi32, #tpu.memory_space<vmem>>, %arg8: memref<2x128x128xf32, #tpu.memory_space<vmem>>, %arg9: memref<!tpu.dma_semaphore, #tpu.memory_space<semaphore_mem>>, %arg10: memref<!tpu.dma_semaphore, #tpu.memory_space<semaphore_mem>>, %arg11: memref<10240x128xf32, #tpu.memory_space<vmem_shared>>) attributes {dimension_semantics = [#tpu.dimension_semantics<core_parallel>, #tpu.dimension_semantics<subcore_parallel>], iteration_bounds = array<i64: 2, 16>, scalar_prefetch = 0 : i64, scratch_operands = 6 : i64, tpu.core_type = #tpu.core_type<sc_vector_subcore>, window_params = [{transform_indices = #map}, {transform_indices = #map1}, {transform_indices = #map1}, {transform_indices = #map1}]} {
    %mul3A = arith.constant 16 : i32
    %mul3A_0 = arith.muli %arg0, %mul3A : i32
    %add3A = arith.addi %mul3A_0, %arg1 : i32
    %scan3A = arith.constant 0 : i32
    %scan3A_1 = arith.constant 128 : i32
    %scan3A_2 = arith.addi %scan3A, %scan3A_1 : i32
    %scan3A_3 = arith.constant 1 : i32
    scf.for %scan3A_22 = %scan3A to %scan3A_2 step %scan3A_3  : i32 {
      %mul3A_23 = arith.constant 1 : i32
      %mul3A_24 = arith.muli %scan3A_22, %mul3A_23 : i32
      %add3A_25 = arith.constant 0 : i32
      %add3A_26 = arith.addi %add3A_25, %mul3A_24 : i32
      %scan3A_27 = arith.constant 0 : i32
      %scan3A_28 = arith.constant 8 : i32
      %scan3A_29 = arith.addi %scan3A_27, %scan3A_28 : i32
      %scan3A_30 = arith.constant 1 : i32
      scf.for %scan3A_32 = %scan3A_27 to %scan3A_29 step %scan3A_30  : i32 {
        %mul3A_33 = arith.constant 1 : i32
        %mul3A_34 = arith.muli %scan3A_32, %mul3A_33 : i32
        %add3A_35 = arith.constant 0 : i32
        %add3A_36 = arith.addi %add3A_35, %mul3A_34 : i32
        %broadcast_in_dim3A = arith.constant 0.000000e+00 : f32
        %broadcast_in_dim3A_37 = vector.broadcast %broadcast_in_dim3A : f32 to vector<16xf32>
        %mul3A_38 = arith.constant 16 : i32
        %mul3A_39 = arith.muli %add3A_36, %mul3A_38 : i32
        %swap3A = arith.constant 0 : i32
        %swap3A_40 = arith.index_cast %swap3A : i32 to index
        %swap3A_41 = arith.index_cast %add3A_26 : i32 to index
        %swap3A_42 = arith.index_cast %mul3A_39 : i32 to index
        %swap3A_43 = tpu.vector_load %arg8[%swap3A_40, %swap3A_41, %swap3A_42] {strides = array<i32>} : memref<2x128x128xf32, #tpu.memory_space<vmem>>, vector<1x1x16xf32>,
        %swap3A_44 = vector.shape_cast %swap3A_43 : vector<1x1x16xf32> to vector<16xf32>
        %swap3A_45 = vector.shape_cast %broadcast_in_dim3A_37 : vector<16xf32> to vector<1x1x16xf32>
        tpu.vector_store %arg8[%swap3A_40, %swap3A_41, %swap3A_42], %swap3A_45 {strides = array<i32>} : memref<2x128x128xf32, #tpu.memory_space<vmem>>, vector<1x1x16xf32>,
      }
      %scan3A_31 = arith.constant 8 : i32
    }
    %scan3A_4 = arith.constant 128 : i32
    %scan3A_5 = arith.constant 0 : i32
    %scan3A_6 = arith.constant 5 : i32
    %scan3A_7 = arith.addi %scan3A_5, %scan3A_6 : i32
    %scan3A_8 = arith.constant 1 : i32
    scf.for %scan3A_22 = %scan3A_5 to %scan3A_7 step %scan3A_8  : i32 {
      %mul3A_23 = arith.constant 1 : i32
      %mul3A_24 = arith.muli %scan3A_22, %mul3A_23 : i32
      %add3A_25 = arith.constant 0 : i32
      %add3A_26 = arith.addi %add3A_25, %mul3A_24 : i32
      %mul3A_27 = arith.constant 640 : i32
      %mul3A_28 = arith.muli %arg1, %mul3A_27 : i32
      %mul3A_29 = arith.constant 128 : i32
      %mul3A_30 = arith.muli %add3A_26, %mul3A_29 : i32
      %add3A_31 = arith.addi %mul3A_28, %mul3A_30 : i32
      %run_scoped3A = arith.constant 0 : i32
      "tpu.region"() ({
        %run_scoped3A_32 = tpu.sem_alloc : memref<!tpu.dma_semaphore, #tpu.memory_space<semaphore_mem>>
        %dma_start3A = arith.constant 0 : i32
        %dma_start3A_33 = arith.constant 0 : i32
        %dma_start3A_34 = tpu.memref_slice %arg8[%run_scoped3A, %dma_start3A, %dma_start3A_33] : memref<2x128x128xf32, #tpu.memory_space<vmem>> -> memref<1x128x128xf32, #tpu.memory_space<vmem>>
        %dma_start3A_35 = tpu.memref_squeeze %dma_start3A_34 : memref<1x128x128xf32, #tpu.memory_space<vmem>> -> memref<128x128xf32, #tpu.memory_space<vmem>>
        %dma_start3A_36 = arith.constant 0 : i32
        %dma_start3A_37 = tpu.memref_slice %arg11[%add3A_31, %dma_start3A_36] : memref<10240x128xf32, #tpu.memory_space<vmem_shared>> -> memref<128x128xf32, #tpu.memory_space<vmem_shared>>
        %dma_start3A_38 = arith.constant 0 : i32
        %dma_start3A_39 = tpu.memref_slice %arg11[%add3A_31, %dma_start3A_38] : memref<10240x128xf32, #tpu.memory_space<vmem_shared>> -> memref<128x128xf32, #tpu.memory_space<vmem_shared>>
        %dma_start3A_40 = arith.constant 0 : i32
        %dma_start3A_41 = arith.constant 0 : i32
        %dma_start3A_42 = tpu.memref_slice %arg8[%run_scoped3A, %dma_start3A_40, %dma_start3A_41] : memref<2x128x128xf32, #tpu.memory_space<vmem>> -> memref<1x128x128xf32, #tpu.memory_space<vmem>>
        %dma_start3A_43 = tpu.memref_squeeze %dma_start3A_42 : memref<1x128x128xf32, #tpu.memory_space<vmem>> -> memref<128x128xf32, #tpu.memory_space<vmem>>
        tpu.enqueue_dma source(%dma_start3A_43 : memref<128x128xf32, #tpu.memory_space<vmem>>) target(%dma_start3A_39 : memref<128x128xf32, #tpu.memory_space<vmem_shared>>) target_semaphore(%run_scoped3A_32 : memref<!tpu.dma_semaphore, #tpu.memory_space<semaphore_mem>>)
        %dma_wait3A = arith.constant 0 : i32
        %dma_wait3A_44 = arith.constant 0 : i32
        %dma_wait3A_45 = tpu.memref_slice %arg8[%run_scoped3A, %dma_wait3A, %dma_wait3A_44] : memref<2x128x128xf32, #tpu.memory_space<vmem>> -> memref<1x128x128xf32, #tpu.memory_space<vmem>>
        %dma_wait3A_46 = tpu.memref_squeeze %dma_wait3A_45 : memref<1x128x128xf32, #tpu.memory_space<vmem>> -> memref<128x128xf32, #tpu.memory_space<vmem>>
        %dma_wait3A_47 = arith.constant 0 : i32
        %dma_wait3A_48 = tpu.memref_slice %arg11[%add3A_31, %dma_wait3A_47] : memref<10240x128xf32, #tpu.memory_space<vmem_shared>> -> memref<128x128xf32, #tpu.memory_space<vmem_shared>>
        %dma_wait3A_49 = arith.constant 0 : i32
        %dma_wait3A_50 = tpu.memref_slice %arg11[%add3A_31, %dma_wait3A_49] : memref<10240x128xf32, #tpu.memory_space<vmem_shared>> -> memref<128x128xf32, #tpu.memory_space<vmem_shared>>
        %dma_wait3A_51 = arith.constant 0 : i32
        %dma_wait3A_52 = arith.constant 0 : i32
        %dma_wait3A_53 = tpu.memref_slice %arg8[%run_scoped3A, %dma_wait3A_51, %dma_wait3A_52] : memref<2x128x128xf32, #tpu.memory_space<vmem>> -> memref<1x128x128xf32, #tpu.memory_space<vmem>>
        %dma_wait3A_54 = tpu.memref_squeeze %dma_wait3A_53 : memref<1x128x128xf32, #tpu.memory_space<vmem>> -> memref<128x128xf32, #tpu.memory_space<vmem>>
        tpu.wait_dma2 semaphore(%run_scoped3A_32 : memref<!tpu.dma_semaphore, #tpu.memory_space<semaphore_mem>>) src(%dma_wait3A_54 : memref<128x128xf32, #tpu.memory_space<vmem>>) dst(%dma_wait3A_50 : memref<128x128xf32, #tpu.memory_space<vmem_shared>>)
        tpu.yield
      }) : () -> ()
    }
    %scan3A_9 = arith.constant 5 : i32
    %barrier3A = arith.constant 0 : index
    tpu.barrier barrier_id(%barrier3A)
    %scan3A_10 = arith.constant 0 : i32
    %scan3A_11 = arith.constant 2 : i32
    %scan3A_12 = arith.addi %scan3A_10, %scan3A_11 : i32
    %scan3A_13 = arith.constant 1 : i32
    scf.for %scan3A_22 = %scan3A_10 to %scan3A_12 step %scan3A_13  : i32 {
      %mul3A_23 = arith.constant 1 : i32
      %mul3A_24 = arith.muli %scan3A_22, %mul3A_23 : i32
      %add3A_25 = arith.constant 0 : i32
      %add3A_26 = arith.addi %add3A_25, %mul3A_24 : i32
      %mul3A_27 = arith.constant 40 : i32
      %mul3A_28 = arith.muli %add3A_26, %mul3A_27 : i32
      "tpu.region"() ({
        %run_scoped3A = tpu.sem_alloc : memref<!tpu.dma_semaphore, #tpu.memory_space<semaphore_mem>>
        %dma_start3A_59 = arith.constant 0 : i32
        %dma_start3A_60 = tpu.memref_slice %arg3[%add3A, %mul3A_28, %dma_start3A_59] : memref<32x80x128xi32, #tpu.memory_space<hbm>> -> memref<1x40x128xi32, #tpu.memory_space<hbm>>
        %dma_start3A_61 = tpu.memref_squeeze %dma_start3A_60 : memref<1x40x128xi32, #tpu.memory_space<hbm>> -> memref<40x128xi32, #tpu.memory_space<hbm>>
        %dma_start3A_62 = arith.constant 0 : i32
        %dma_start3A_63 = tpu.memref_slice %arg3[%add3A, %mul3A_28, %dma_start3A_62] : memref<32x80x128xi32, #tpu.memory_space<hbm>> -> memref<1x40x128xi32, #tpu.memory_space<hbm>>
        %dma_start3A_64 = tpu.memref_squeeze %dma_start3A_63 : memref<1x40x128xi32, #tpu.memory_space<hbm>> -> memref<40x128xi32, #tpu.memory_space<hbm>>
        tpu.enqueue_dma source(%dma_start3A_64 : memref<40x128xi32, #tpu.memory_space<hbm>>) target(%arg6 : memref<40x128xi32, #tpu.memory_space<vmem>>) target_semaphore(%run_scoped3A : memref<!tpu.dma_semaphore, #tpu.memory_space<semaphore_mem>>)
        %dma_wait3A = arith.constant 0 : i32
        %dma_wait3A_65 = tpu.memref_slice %arg3[%add3A, %mul3A_28, %dma_wait3A] : memref<32x80x128xi32, #tpu.memory_space<hbm>> -> memref<1x40x128xi32, #tpu.memory_space<hbm>>
        %dma_wait3A_66 = tpu.memref_squeeze %dma_wait3A_65 : memref<1x40x128xi32, #tpu.memory_space<hbm>> -> memref<40x128xi32, #tpu.memory_space<hbm>>
        %dma_wait3A_67 = arith.constant 0 : i32
        %dma_wait3A_68 = tpu.memref_slice %arg3[%add3A, %mul3A_28, %dma_wait3A_67] : memref<32x80x128xi32, #tpu.memory_space<hbm>> -> memref<1x40x128xi32, #tpu.memory_space<hbm>>
        %dma_wait3A_69 = tpu.memref_squeeze %dma_wait3A_68 : memref<1x40x128xi32, #tpu.memory_space<hbm>> -> memref<40x128xi32, #tpu.memory_space<hbm>>
        tpu.wait_dma2 semaphore(%run_scoped3A : memref<!tpu.dma_semaphore, #tpu.memory_space<semaphore_mem>>) src(%dma_wait3A_69 : memref<40x128xi32, #tpu.memory_space<hbm>>) dst(%arg6 : memref<40x128xi32, #tpu.memory_space<vmem>>)
        tpu.yield
      }) : () -> ()
      %mul3A_29 = arith.constant 40 : i32
      %mul3A_30 = arith.muli %add3A_26, %mul3A_29 : i32
      "tpu.region"() ({
        %run_scoped3A = tpu.sem_alloc : memref<!tpu.dma_semaphore, #tpu.memory_space<semaphore_mem>>
        %dma_start3A_59 = arith.constant 0 : i32
        %dma_start3A_60 = tpu.memref_slice %arg4[%add3A, %mul3A_30, %dma_start3A_59] : memref<32x80x128xi32, #tpu.memory_space<hbm>> -> memref<1x40x128xi32, #tpu.memory_space<hbm>>
        %dma_start3A_61 = tpu.memref_squeeze %dma_start3A_60 : memref<1x40x128xi32, #tpu.memory_space<hbm>> -> memref<40x128xi32, #tpu.memory_space<hbm>>
        %dma_start3A_62 = arith.constant 0 : i32
        %dma_start3A_63 = tpu.memref_slice %arg4[%add3A, %mul3A_30, %dma_start3A_62] : memref<32x80x128xi32, #tpu.memory_space<hbm>> -> memref<1x40x128xi32, #tpu.memory_space<hbm>>
        %dma_start3A_64 = tpu.memref_squeeze %dma_start3A_63 : memref<1x40x128xi32, #tpu.memory_space<hbm>> -> memref<40x128xi32, #tpu.memory_space<hbm>>
        tpu.enqueue_dma source(%dma_start3A_64 : memref<40x128xi32, #tpu.memory_space<hbm>>) target(%arg7 : memref<40x128xi32, #tpu.memory_space<vmem>>) target_semaphore(%run_scoped3A : memref<!tpu.dma_semaphore, #tpu.memory_space<semaphore_mem>>)
        %dma_wait3A = arith.constant 0 : i32
        %dma_wait3A_65 = tpu.memref_slice %arg4[%add3A, %mul3A_30, %dma_wait3A] : memref<32x80x128xi32, #tpu.memory_space<hbm>> -> memref<1x40x128xi32, #tpu.memory_space<hbm>>
        %dma_wait3A_66 = tpu.memref_squeeze %dma_wait3A_65 : memref<1x40x128xi32, #tpu.memory_space<hbm>> -> memref<40x128xi32, #tpu.memory_space<hbm>>
        %dma_wait3A_67 = arith.constant 0 : i32
        %dma_wait3A_68 = tpu.memref_slice %arg4[%add3A, %mul3A_30, %dma_wait3A_67] : memref<32x80x128xi32, #tpu.memory_space<hbm>> -> memref<1x40x128xi32, #tpu.memory_space<hbm>>
        %dma_wait3A_69 = tpu.memref_squeeze %dma_wait3A_68 : memref<1x40x128xi32, #tpu.memory_space<hbm>> -> memref<40x128xi32, #tpu.memory_space<hbm>>
        tpu.wait_dma2 semaphore(%run_scoped3A : memref<!tpu.dma_semaphore, #tpu.memory_space<semaphore_mem>>) src(%dma_wait3A_69 : memref<40x128xi32, #tpu.memory_space<hbm>>) dst(%arg7 : memref<40x128xi32, #tpu.memory_space<vmem>>)
        tpu.yield
      }) : () -> ()
      %dma_start3A = arith.constant 0 : i32
      %dma_start3A_31 = arith.constant 0 : i32
      %dma_start3A_32 = arith.constant 0 : i32
      %dma_start3A_33 = arith.constant 0 : i32
      %dma_start3A_34 = tpu.memref_slice %arg8[%dma_start3A_31, %dma_start3A_32, %dma_start3A_33] : memref<2x128x128xf32, #tpu.memory_space<vmem>> -> memref<1x128x128xf32, #tpu.memory_space<vmem>>
      %dma_start3A_35 = tpu.memref_squeeze %dma_start3A_34 : memref<1x128x128xf32, #tpu.memory_space<vmem>> -> memref<128x128xf32, #tpu.memory_space<vmem>>
      %dma_start3A_36 = arith.constant 0 : i32
      %dma_start3A_37 = tpu.memref_slice %arg6[%dma_start3A, %dma_start3A_36] : memref<40x128xi32, #tpu.memory_space<vmem>> -> memref<1x128xi32, #tpu.memory_space<vmem>>
      %dma_start3A_38 = tpu.memref_squeeze %dma_start3A_37 : memref<1x128xi32, #tpu.memory_space<vmem>> -> memref<128xi32, #tpu.memory_space<vmem>>
      %dma_start3A_39 = arith.constant 0 : i32
      %dma_start3A_40 = arith.constant 0 : i32
      %dma_start3A_41 = tpu.memref_slice %arg2[%dma_start3A_39, %dma_start3A_40] : memref<10000x128xf32, #tpu.memory_space<hbm>> -> memref<10000x128xf32, #tpu.memory_space<hbm>>
      tpu.enqueue_indirect_dma source(%dma_start3A_41 : memref<10000x128xf32, #tpu.memory_space<hbm>>) target(%dma_start3A_35 : memref<128x128xf32, #tpu.memory_space<vmem>>) offsets(%dma_start3A_38 : memref<128xi32, #tpu.memory_space<vmem>>) semaphore(%arg9 : memref<!tpu.dma_semaphore, #tpu.memory_space<semaphore_mem>>)
      %dma_start3A_42 = arith.constant 1 : i32
      %dma_start3A_43 = arith.constant 1 : i32
      %dma_start3A_44 = arith.constant 0 : i32
      %dma_start3A_45 = arith.constant 0 : i32
      %dma_start3A_46 = tpu.memref_slice %arg8[%dma_start3A_43, %dma_start3A_44, %dma_start3A_45] : memref<2x128x128xf32, #tpu.memory_space<vmem>> -> memref<1x128x128xf32, #tpu.memory_space<vmem>>
      %dma_start3A_47 = tpu.memref_squeeze %dma_start3A_46 : memref<1x128x128xf32, #tpu.memory_space<vmem>> -> memref<128x128xf32, #tpu.memory_space<vmem>>
      %dma_start3A_48 = arith.constant 0 : i32
      %dma_start3A_49 = tpu.memref_slice %arg6[%dma_start3A_42, %dma_start3A_48] : memref<40x128xi32, #tpu.memory_space<vmem>> -> memref<1x128xi32, #tpu.memory_space<vmem>>
      %dma_start3A_50 = tpu.memref_squeeze %dma_start3A_49 : memref<1x128xi32, #tpu.memory_space<vmem>> -> memref<128xi32, #tpu.memory_space<vmem>>
      %dma_start3A_51 = arith.constant 0 : i32
      %dma_start3A_52 = arith.constant 0 : i32
      %dma_start3A_53 = tpu.memref_slice %arg2[%dma_start3A_51, %dma_start3A_52] : memref<10000x128xf32, #tpu.memory_space<hbm>> -> memref<10000x128xf32, #tpu.memory_space<hbm>>
      tpu.enqueue_indirect_dma source(%dma_start3A_53 : memref<10000x128xf32, #tpu.memory_space<hbm>>) target(%dma_start3A_47 : memref<128x128xf32, #tpu.memory_space<vmem>>) offsets(%dma_start3A_50 : memref<128xi32, #tpu.memory_space<vmem>>) semaphore(%arg10 : memref<!tpu.dma_semaphore, #tpu.memory_space<semaphore_mem>>)
      %scan3A_54 = arith.constant 0 : i32
      %scan3A_55 = arith.constant 20 : i32
      %scan3A_56 = arith.addi %scan3A_54, %scan3A_55 : i32
      %scan3A_57 = arith.constant 1 : i32
      scf.for %scan3A_59 = %scan3A_54 to %scan3A_56 step %scan3A_57  : i32 {
        %mul3A_60 = arith.constant 2 : i32
        %mul3A_61 = arith.muli %scan3A_59, %mul3A_60 : i32
        %add3A_62 = arith.constant 0 : i32
        %add3A_63 = arith.addi %add3A_62, %mul3A_61 : i32
        %dma_wait3A = arith.constant 0 : i32
        %dma_wait3A_64 = arith.constant 0 : i32
        %dma_wait3A_65 = arith.constant 0 : i32
        %dma_wait3A_66 = arith.constant 0 : i32
        %dma_wait3A_67 = tpu.memref_slice %arg8[%dma_wait3A_64, %dma_wait3A_65, %dma_wait3A_66] : memref<2x128x128xf32, #tpu.memory_space<vmem>> -> memref<1x128x128xf32, #tpu.memory_space<vmem>>
        %dma_wait3A_68 = tpu.memref_squeeze %dma_wait3A_67 : memref<1x128x128xf32, #tpu.memory_space<vmem>> -> memref<128x128xf32, #tpu.memory_space<vmem>>
        %dma_wait3A_69 = arith.constant 0 : i32
        %dma_wait3A_70 = tpu.memref_slice %arg6[%dma_wait3A, %dma_wait3A_69] : memref<40x128xi32, #tpu.memory_space<vmem>> -> memref<1x128xi32, #tpu.memory_space<vmem>>
        %dma_wait3A_71 = tpu.memref_squeeze %dma_wait3A_70 : memref<1x128xi32, #tpu.memory_space<vmem>> -> memref<128xi32, #tpu.memory_space<vmem>>
        %dma_wait3A_72 = arith.constant 0 : i32
        %dma_wait3A_73 = arith.constant 0 : i32
        %dma_wait3A_74 = tpu.memref_slice %arg2[%dma_wait3A_72, %dma_wait3A_73] : memref<10000x128xf32, #tpu.memory_space<hbm>> -> memref<10000x128xf32, #tpu.memory_space<hbm>>
        tpu.wait_indirect_dma semaphore(%arg9 : memref<!tpu.dma_semaphore, #tpu.memory_space<semaphore_mem>>) src(%dma_wait3A_74 : memref<10000x128xf32, #tpu.memory_space<hbm>>) dst(%dma_wait3A_68 : memref<128x128xf32, #tpu.memory_space<vmem>>)
        %add3A_75 = arith.constant 0 : i32
        %add3A_76 = arith.addi %add3A_63, %add3A_75 : i32
        %run_scoped3A = arith.constant 0 : i32
        "tpu.region"() ({
          %run_scoped3A_109 = tpu.sem_alloc : memref<!tpu.dma_semaphore, #tpu.memory_space<semaphore_mem>>
          %dma_start3A_110 = arith.constant 0 : i32
          %dma_start3A_111 = arith.constant 0 : i32
          %dma_start3A_112 = tpu.memref_slice %arg8[%run_scoped3A, %dma_start3A_110, %dma_start3A_111] : memref<2x128x128xf32, #tpu.memory_space<vmem>> -> memref<1x128x128xf32, #tpu.memory_space<vmem>>
          %dma_start3A_113 = tpu.memref_squeeze %dma_start3A_112 : memref<1x128x128xf32, #tpu.memory_space<vmem>> -> memref<128x128xf32, #tpu.memory_space<vmem>>
          %dma_start3A_114 = arith.constant 0 : i32
          %dma_start3A_115 = tpu.memref_slice %arg7[%add3A_76, %dma_start3A_114] : memref<40x128xi32, #tpu.memory_space<vmem>> -> memref<1x128xi32, #tpu.memory_space<vmem>>
          %dma_start3A_116 = tpu.memref_squeeze %dma_start3A_115 : memref<1x128xi32, #tpu.memory_space<vmem>> -> memref<128xi32, #tpu.memory_space<vmem>>
          %dma_start3A_117 = arith.constant 0 : i32
          %dma_start3A_118 = arith.constant 0 : i32
          %dma_start3A_119 = tpu.memref_slice %arg11[%dma_start3A_117, %dma_start3A_118] : memref<10240x128xf32, #tpu.memory_space<vmem_shared>> -> memref<10240x128xf32, #tpu.memory_space<vmem_shared>>
          tpu.enqueue_indirect_dma source(%dma_start3A_113 : memref<128x128xf32, #tpu.memory_space<vmem>>) target(%dma_start3A_119 : memref<10240x128xf32, #tpu.memory_space<vmem_shared>>) offsets(%dma_start3A_116 : memref<128xi32, #tpu.memory_space<vmem>>) semaphore(%run_scoped3A_109 : memref<!tpu.dma_semaphore, #tpu.memory_space<semaphore_mem>>) {add = true}
          %dma_wait3A_120 = arith.constant 0 : i32
          %dma_wait3A_121 = arith.constant 0 : i32
          %dma_wait3A_122 = tpu.memref_slice %arg8[%run_scoped3A, %dma_wait3A_120, %dma_wait3A_121] : memref<2x128x128xf32, #tpu.memory_space<vmem>> -> memref<1x128x128xf32, #tpu.memory_space<vmem>>
          %dma_wait3A_123 = tpu.memref_squeeze %dma_wait3A_122 : memref<1x128x128xf32, #tpu.memory_space<vmem>> -> memref<128x128xf32, #tpu.memory_space<vmem>>
          %dma_wait3A_124 = arith.constant 0 : i32
          %dma_wait3A_125 = tpu.memref_slice %arg7[%add3A_76, %dma_wait3A_124] : memref<40x128xi32, #tpu.memory_space<vmem>> -> memref<1x128xi32, #tpu.memory_space<vmem>>
          %dma_wait3A_126 = tpu.memref_squeeze %dma_wait3A_125 : memref<1x128xi32, #tpu.memory_space<vmem>> -> memref<128xi32, #tpu.memory_space<vmem>>
          %dma_wait3A_127 = arith.constant 0 : i32
          %dma_wait3A_128 = arith.constant 0 : i32
          %dma_wait3A_129 = tpu.memref_slice %arg11[%dma_wait3A_127, %dma_wait3A_128] : memref<10240x128xf32, #tpu.memory_space<vmem_shared>> -> memref<10240x128xf32, #tpu.memory_space<vmem_shared>>
          tpu.wait_indirect_dma semaphore(%run_scoped3A_109 : memref<!tpu.dma_semaphore, #tpu.memory_space<semaphore_mem>>) src(%dma_wait3A_123 : memref<128x128xf32, #tpu.memory_space<vmem>>) dst(%dma_wait3A_129 : memref<10240x128xf32, #tpu.memory_space<vmem_shared>>)
          tpu.yield
        }) : () -> ()
        %add3A_77 = arith.constant 0 : i32
        %add3A_78 = arith.addi %add3A_63, %add3A_77 : i32
        %add3A_79 = arith.constant 2 : i32
        %add3A_80 = arith.addi %add3A_78, %add3A_79 : i32
        %lt3A = arith.constant 40 : i32
        %lt3A_81 = arith.cmpi slt, %add3A_80, %lt3A : i32
        %convert_element_type3A_82 = arith.extui %lt3A_81 : i1 to i32
        %cond3A_83 = arith.constant 0 : i32
        %cond3A_84 = arith.cmpi ne, %convert_element_type3A_82, %cond3A_83 : i32
        scf.if %cond3A_84 {
          %add3A_109 = arith.constant 0 : i32
          %add3A_110 = arith.addi %add3A_63, %add3A_109 : i32
          %add3A_111 = arith.constant 2 : i32
          %add3A_112 = arith.addi %add3A_110, %add3A_111 : i32
          %dma_start3A_113 = arith.constant 0 : i32
          %dma_start3A_114 = arith.constant 0 : i32
          %dma_start3A_115 = arith.constant 0 : i32
          %dma_start3A_116 = tpu.memref_slice %arg8[%dma_start3A_113, %dma_start3A_114, %dma_start3A_115] : memref<2x128x128xf32, #tpu.memory_space<vmem>> -> memref<1x128x128xf32, #tpu.memory_space<vmem>>
          %dma_start3A_117 = tpu.memref_squeeze %dma_start3A_116 : memref<1x128x128xf32, #tpu.memory_space<vmem>> -> memref<128x128xf32, #tpu.memory_space<vmem>>
          %dma_start3A_118 = arith.constant 0 : i32
          %dma_start3A_119 = tpu.memref_slice %arg6[%add3A_112, %dma_start3A_118] : memref<40x128xi32, #tpu.memory_space<vmem>> -> memref<1x128xi32, #tpu.memory_space<vmem>>
          %dma_start3A_120 = tpu.memref_squeeze %dma_start3A_119 : memref<1x128xi32, #tpu.memory_space<vmem>> -> memref<128xi32, #tpu.memory_space<vmem>>
          %dma_start3A_121 = arith.constant 0 : i32
          %dma_start3A_122 = arith.constant 0 : i32
          %dma_start3A_123 = tpu.memref_slice %arg2[%dma_start3A_121, %dma_start3A_122] : memref<10000x128xf32, #tpu.memory_space<hbm>> -> memref<10000x128xf32, #tpu.memory_space<hbm>>
          tpu.enqueue_indirect_dma source(%dma_start3A_123 : memref<10000x128xf32, #tpu.memory_space<hbm>>) target(%dma_start3A_117 : memref<128x128xf32, #tpu.memory_space<vmem>>) offsets(%dma_start3A_120 : memref<128xi32, #tpu.memory_space<vmem>>) semaphore(%arg9 : memref<!tpu.dma_semaphore, #tpu.memory_space<semaphore_mem>>)
        } else {
        }
        %dma_wait3A_85 = arith.constant 1 : i32
        %dma_wait3A_86 = arith.constant 1 : i32
        %dma_wait3A_87 = arith.constant 0 : i32
        %dma_wait3A_88 = arith.constant 0 : i32
        %dma_wait3A_89 = tpu.memref_slice %arg8[%dma_wait3A_86, %dma_wait3A_87, %dma_wait3A_88] : memref<2x128x128xf32, #tpu.memory_space<vmem>> -> memref<1x128x128xf32, #tpu.memory_space<vmem>>
        %dma_wait3A_90 = tpu.memref_squeeze %dma_wait3A_89 : memref<1x128x128xf32, #tpu.memory_space<vmem>> -> memref<128x128xf32, #tpu.memory_space<vmem>>
        %dma_wait3A_91 = arith.constant 0 : i32
        %dma_wait3A_92 = tpu.memref_slice %arg6[%dma_wait3A_85, %dma_wait3A_91] : memref<40x128xi32, #tpu.memory_space<vmem>> -> memref<1x128xi32, #tpu.memory_space<vmem>>
        %dma_wait3A_93 = tpu.memref_squeeze %dma_wait3A_92 : memref<1x128xi32, #tpu.memory_space<vmem>> -> memref<128xi32, #tpu.memory_space<vmem>>
        %dma_wait3A_94 = arith.constant 0 : i32
        %dma_wait3A_95 = arith.constant 0 : i32
        %dma_wait3A_96 = tpu.memref_slice %arg2[%dma_wait3A_94, %dma_wait3A_95] : memref<10000x128xf32, #tpu.memory_space<hbm>> -> memref<10000x128xf32, #tpu.memory_space<hbm>>
        tpu.wait_indirect_dma semaphore(%arg10 : memref<!tpu.dma_semaphore, #tpu.memory_space<semaphore_mem>>) src(%dma_wait3A_96 : memref<10000x128xf32, #tpu.memory_space<hbm>>) dst(%dma_wait3A_90 : memref<128x128xf32, #tpu.memory_space<vmem>>)
        %add3A_97 = arith.constant 1 : i32
        %add3A_98 = arith.addi %add3A_63, %add3A_97 : i32
        %run_scoped3A_99 = arith.constant 1 : i32
        "tpu.region"() ({
          %run_scoped3A_109 = tpu.sem_alloc : memref<!tpu.dma_semaphore, #tpu.memory_space<semaphore_mem>>
          %dma_start3A_110 = arith.constant 0 : i32
          %dma_start3A_111 = arith.constant 0 : i32
          %dma_start3A_112 = tpu.memref_slice %arg8[%run_scoped3A_99, %dma_start3A_110, %dma_start3A_111] : memref<2x128x128xf32, #tpu.memory_space<vmem>> -> memref<1x128x128xf32, #tpu.memory_space<vmem>>
          %dma_start3A_113 = tpu.memref_squeeze %dma_start3A_112 : memref<1x128x128xf32, #tpu.memory_space<vmem>> -> memref<128x128xf32, #tpu.memory_space<vmem>>
          %dma_start3A_114 = arith.constant 0 : i32
          %dma_start3A_115 = tpu.memref_slice %arg7[%add3A_98, %dma_start3A_114] : memref<40x128xi32, #tpu.memory_space<vmem>> -> memref<1x128xi32, #tpu.memory_space<vmem>>
          %dma_start3A_116 = tpu.memref_squeeze %dma_start3A_115 : memref<1x128xi32, #tpu.memory_space<vmem>> -> memref<128xi32, #tpu.memory_space<vmem>>
          %dma_start3A_117 = arith.constant 0 : i32
          %dma_start3A_118 = arith.constant 0 : i32
          %dma_start3A_119 = tpu.memref_slice %arg11[%dma_start3A_117, %dma_start3A_118] : memref<10240x128xf32, #tpu.memory_space<vmem_shared>> -> memref<10240x128xf32, #tpu.memory_space<vmem_shared>>
          tpu.enqueue_indirect_dma source(%dma_start3A_113 : memref<128x128xf32, #tpu.memory_space<vmem>>) target(%dma_start3A_119 : memref<10240x128xf32, #tpu.memory_space<vmem_shared>>) offsets(%dma_start3A_116 : memref<128xi32, #tpu.memory_space<vmem>>) semaphore(%run_scoped3A_109 : memref<!tpu.dma_semaphore, #tpu.memory_space<semaphore_mem>>) {add = true}
          %dma_wait3A_120 = arith.constant 0 : i32
          %dma_wait3A_121 = arith.constant 0 : i32
          %dma_wait3A_122 = tpu.memref_slice %arg8[%run_scoped3A_99, %dma_wait3A_120, %dma_wait3A_121] : memref<2x128x128xf32, #tpu.memory_space<vmem>> -> memref<1x128x128xf32, #tpu.memory_space<vmem>>
          %dma_wait3A_123 = tpu.memref_squeeze %dma_wait3A_122 : memref<1x128x128xf32, #tpu.memory_space<vmem>> -> memref<128x128xf32, #tpu.memory_space<vmem>>
          %dma_wait3A_124 = arith.constant 0 : i32
          %dma_wait3A_125 = tpu.memref_slice %arg7[%add3A_98, %dma_wait3A_124] : memref<40x128xi32, #tpu.memory_space<vmem>> -> memref<1x128xi32, #tpu.memory_space<vmem>>
          %dma_wait3A_126 = tpu.memref_squeeze %dma_wait3A_125 : memref<1x128xi32, #tpu.memory_space<vmem>> -> memref<128xi32, #tpu.memory_space<vmem>>
          %dma_wait3A_127 = arith.constant 0 : i32
          %dma_wait3A_128 = arith.constant 0 : i32
          %dma_wait3A_129 = tpu.memref_slice %arg11[%dma_wait3A_127, %dma_wait3A_128] : memref<10240x128xf32, #tpu.memory_space<vmem_shared>> -> memref<10240x128xf32, #tpu.memory_space<vmem_shared>>
          tpu.wait_indirect_dma semaphore(%run_scoped3A_109 : memref<!tpu.dma_semaphore, #tpu.memory_space<semaphore_mem>>) src(%dma_wait3A_123 : memref<128x128xf32, #tpu.memory_space<vmem>>) dst(%dma_wait3A_129 : memref<10240x128xf32, #tpu.memory_space<vmem_shared>>)
          tpu.yield
        }) : () -> ()
        %add3A_100 = arith.constant 1 : i32
        %add3A_101 = arith.addi %add3A_63, %add3A_100 : i32
        %add3A_102 = arith.constant 2 : i32
        %add3A_103 = arith.addi %add3A_101, %add3A_102 : i32
        %lt3A_104 = arith.constant 40 : i32
        %lt3A_105 = arith.cmpi slt, %add3A_103, %lt3A_104 : i32
        %convert_element_type3A_106 = arith.extui %lt3A_105 : i1 to i32
        %cond3A_107 = arith.constant 0 : i32
        %cond3A_108 = arith.cmpi ne, %convert_element_type3A_106, %cond3A_107 : i32
        scf.if %cond3A_108 {
          %add3A_109 = arith.constant 1 : i32
          %add3A_110 = arith.addi %add3A_63, %add3A_109 : i32
          %add3A_111 = arith.constant 2 : i32
          %add3A_112 = arith.addi %add3A_110, %add3A_111 : i32
          %dma_start3A_113 = arith.constant 1 : i32
          %dma_start3A_114 = arith.constant 0 : i32
          %dma_start3A_115 = arith.constant 0 : i32
          %dma_start3A_116 = tpu.memref_slice %arg8[%dma_start3A_113, %dma_start3A_114, %dma_start3A_115] : memref<2x128x128xf32, #tpu.memory_space<vmem>> -> memref<1x128x128xf32, #tpu.memory_space<vmem>>
          %dma_start3A_117 = tpu.memref_squeeze %dma_start3A_116 : memref<1x128x128xf32, #tpu.memory_space<vmem>> -> memref<128x128xf32, #tpu.memory_space<vmem>>
          %dma_start3A_118 = arith.constant 0 : i32
          %dma_start3A_119 = tpu.memref_slice %arg6[%add3A_112, %dma_start3A_118] : memref<40x128xi32, #tpu.memory_space<vmem>> -> memref<1x128xi32, #tpu.memory_space<vmem>>
          %dma_start3A_120 = tpu.memref_squeeze %dma_start3A_119 : memref<1x128xi32, #tpu.memory_space<vmem>> -> memref<128xi32, #tpu.memory_space<vmem>>
          %dma_start3A_121 = arith.constant 0 : i32
          %dma_start3A_122 = arith.constant 0 : i32
          %dma_start3A_123 = tpu.memref_slice %arg2[%dma_start3A_121, %dma_start3A_122] : memref<10000x128xf32, #tpu.memory_space<hbm>> -> memref<10000x128xf32, #tpu.memory_space<hbm>>
          tpu.enqueue_indirect_dma source(%dma_start3A_123 : memref<10000x128xf32, #tpu.memory_space<hbm>>) target(%dma_start3A_117 : memref<128x128xf32, #tpu.memory_space<vmem>>) offsets(%dma_start3A_120 : memref<128xi32, #tpu.memory_space<vmem>>) semaphore(%arg10 : memref<!tpu.dma_semaphore, #tpu.memory_space<semaphore_mem>>)
        } else {
        }
      }
      %scan3A_58 = arith.constant 20 : i32
    }
    %scan3A_14 = arith.constant 2 : i32
    %barrier3A_15 = arith.constant 0 : index
    tpu.barrier barrier_id(%barrier3A_15)
    %mul3A_16 = arith.constant 624 : i32
    %mul3A_17 = arith.muli %arg1, %mul3A_16 : i32
    %mul3A_18 = arith.constant 624 : i32
    %mul3A_19 = arith.muli %arg1, %mul3A_18 : i32
    "tpu.region"() ({
      %run_scoped3A = tpu.sem_alloc : memref<!tpu.dma_semaphore, #tpu.memory_space<semaphore_mem>>
      %dma_start3A = arith.constant 0 : i32
      %dma_start3A_22 = tpu.memref_slice %arg5[%arg0, %mul3A_19, %dma_start3A] : memref<2x10000x128xf32, #tpu.memory_space<hbm>> -> memref<1x624x128xf32, #tpu.memory_space<hbm>>
      %dma_start3A_23 = tpu.memref_squeeze %dma_start3A_22 : memref<1x624x128xf32, #tpu.memory_space<hbm>> -> memref<624x128xf32, #tpu.memory_space<hbm>>
      %dma_start3A_24 = arith.constant 0 : i32
      %dma_start3A_25 = tpu.memref_slice %arg11[%mul3A_17, %dma_start3A_24] : memref<10240x128xf32, #tpu.memory_space<vmem_shared>> -> memref<624x128xf32, #tpu.memory_space<vmem_shared>>
      tpu.enqueue_dma source(%dma_start3A_25 : memref<624x128xf32, #tpu.memory_space<vmem_shared>>) target(%dma_start3A_23 : memref<624x128xf32, #tpu.memory_space<hbm>>) target_semaphore(%run_scoped3A : memref<!tpu.dma_semaphore, #tpu.memory_space<semaphore_mem>>)
      %dma_wait3A = arith.constant 0 : i32
      %dma_wait3A_26 = tpu.memref_slice %arg5[%arg0, %mul3A_19, %dma_wait3A] : memref<2x10000x128xf32, #tpu.memory_space<hbm>> -> memref<1x624x128xf32, #tpu.memory_space<hbm>>
      %dma_wait3A_27 = tpu.memref_squeeze %dma_wait3A_26 : memref<1x624x128xf32, #tpu.memory_space<hbm>> -> memref<624x128xf32, #tpu.memory_space<hbm>>
      %dma_wait3A_28 = arith.constant 0 : i32
      %dma_wait3A_29 = tpu.memref_slice %arg11[%mul3A_17, %dma_wait3A_28] : memref<10240x128xf32, #tpu.memory_space<vmem_shared>> -> memref<624x128xf32, #tpu.memory_space<vmem_shared>>
      tpu.wait_dma2 semaphore(%run_scoped3A : memref<!tpu.dma_semaphore, #tpu.memory_space<semaphore_mem>>) src(%dma_wait3A_29 : memref<624x128xf32, #tpu.memory_space<vmem_shared>>) dst(%dma_wait3A_27 : memref<624x128xf32, #tpu.memory_space<hbm>>)
      tpu.yield
    }) : () -> ()
    %eq3A = arith.constant 0 : i32
    %eq3A_20 = arith.cmpi eq, %arg1, %eq3A : i32
    %convert_element_type3A = arith.extui %eq3A_20 : i1 to i32
    %cond3A = arith.constant 0 : i32
    %cond3A_21 = arith.cmpi ne, %convert_element_type3A, %cond3A : i32
    scf.if %cond3A_21 {
      "tpu.region"() ({
        %run_scoped3A = tpu.sem_alloc : memref<!tpu.dma_semaphore, #tpu.memory_space<semaphore_mem>>
        %dma_start3A = arith.constant 9984 : i32
        %dma_start3A_22 = arith.constant 0 : i32
        %dma_start3A_23 = tpu.memref_slice %arg5[%arg0, %dma_start3A, %dma_start3A_22] : memref<2x10000x128xf32, #tpu.memory_space<hbm>> -> memref<1x16x128xf32, #tpu.memory_space<hbm>>
        %dma_start3A_24 = tpu.memref_squeeze %dma_start3A_23 : memref<1x16x128xf32, #tpu.memory_space<hbm>> -> memref<16x128xf32, #tpu.memory_space<hbm>>
        %dma_start3A_25 = arith.constant 9984 : i32
        %dma_start3A_26 = arith.constant 0 : i32
        %dma_start3A_27 = tpu.memref_slice %arg11[%dma_start3A_25, %dma_start3A_26] : memref<10240x128xf32, #tpu.memory_space<vmem_shared>> -> memref<16x128xf32, #tpu.memory_space<vmem_shared>>
        tpu.enqueue_dma source(%dma_start3A_27 : memref<16x128xf32, #tpu.memory_space<vmem_shared>>) target(%dma_start3A_24 : memref<16x128xf32, #tpu.memory_space<hbm>>) target_semaphore(%run_scoped3A : memref<!tpu.dma_semaphore, #tpu.memory_space<semaphore_mem>>)
        %dma_wait3A = arith.constant 9984 : i32
        %dma_wait3A_28 = arith.constant 0 : i32
        %dma_wait3A_29 = tpu.memref_slice %arg5[%arg0, %dma_wait3A, %dma_wait3A_28] : memref<2x10000x128xf32, #tpu.memory_space<hbm>> -> memref<1x16x128xf32, #tpu.memory_space<hbm>>
        %dma_wait3A_30 = tpu.memref_squeeze %dma_wait3A_29 : memref<1x16x128xf32, #tpu.memory_space<hbm>> -> memref<16x128xf32, #tpu.memory_space<hbm>>
        %dma_wait3A_31 = arith.constant 9984 : i32
        %dma_wait3A_32 = arith.constant 0 : i32
        %dma_wait3A_33 = tpu.memref_slice %arg11[%dma_wait3A_31, %dma_wait3A_32] : memref<10240x128xf32, #tpu.memory_space<vmem_shared>> -> memref<16x128xf32, #tpu.memory_space<vmem_shared>>
        tpu.wait_dma2 semaphore(%run_scoped3A : memref<!tpu.dma_semaphore, #tpu.memory_space<semaphore_mem>>) src(%dma_wait3A_33 : memref<16x128xf32, #tpu.memory_space<vmem_shared>>) dst(%dma_wait3A_30 : memref<16x128xf32, #tpu.memory_space<hbm>>)
        tpu.yield
      }) : () -> ()
    } else {
    }
    return
  }
}

#map = affine_map<(d0, d1) -> (0, 0)>
#map1 = affine_map<(d0, d1) -> (0, 0, 0)>
module attributes {stable_mosaic.version = 14 : i64} {
  func.func @_sc_aggregate(%arg0: i32, %arg1: i32, %arg2: memref<10000x128xf32, #tpu.memory_space<hbm>>, %arg3: memref<32x80x128xi32, #tpu.memory_space<hbm>>, %arg4: memref<32x80x128xi32, #tpu.memory_space<hbm>>, %arg5: memref<2x10000x128xf32, #tpu.memory_space<hbm>>, %arg6: memref<40x128xi32, #tpu.memory_space<vmem>>, %arg7: memref<40x128xi32, #tpu.memory_space<vmem>>, %arg8: memref<2x128x128xf32, #tpu.memory_space<vmem>>, %arg9: memref<!tpu.dma_semaphore, #tpu.memory_space<semaphore_mem>>, %arg10: memref<!tpu.dma_semaphore, #tpu.memory_space<semaphore_mem>>, %arg11: memref<10240x128xf32, #tpu.memory_space<vmem_shared>>) attributes {dimension_semantics = [#tpu.dimension_semantics<core_parallel>, #tpu.dimension_semantics<subcore_parallel>], iteration_bounds = array<i64: 2, 16>, scalar_prefetch = 0 : i64, scratch_operands = 6 : i64, tpu.core_type = #tpu.core_type<sc_vector_subcore>, window_params = [{transform_indices = #map}, {transform_indices = #map1}, {transform_indices = #map1}, {transform_indices = #map1}]} {
    %mul3A = arith.constant 16 : i32
    %mul3A_0 = arith.muli %arg0, %mul3A : i32
    %add3A = arith.addi %mul3A_0, %arg1 : i32
    %scan3A = arith.constant 0 : i32
    %scan3A_1 = arith.constant 128 : i32
    %scan3A_2 = arith.addi %scan3A, %scan3A_1 : i32
    %scan3A_3 = arith.constant 1 : i32
    scf.for %scan3A_22 = %scan3A to %scan3A_2 step %scan3A_3  : i32 {
      %mul3A_23 = arith.constant 1 : i32
      %mul3A_24 = arith.muli %scan3A_22, %mul3A_23 : i32
      %add3A_25 = arith.constant 0 : i32
      %add3A_26 = arith.addi %add3A_25, %mul3A_24 : i32
      %scan3A_27 = arith.constant 0 : i32
      %scan3A_28 = arith.constant 8 : i32
      %scan3A_29 = arith.addi %scan3A_27, %scan3A_28 : i32
      %scan3A_30 = arith.constant 1 : i32
      scf.for %scan3A_32 = %scan3A_27 to %scan3A_29 step %scan3A_30  : i32 {
        %mul3A_33 = arith.constant 1 : i32
        %mul3A_34 = arith.muli %scan3A_32, %mul3A_33 : i32
        %add3A_35 = arith.constant 0 : i32
        %add3A_36 = arith.addi %add3A_35, %mul3A_34 : i32
        %broadcast_in_dim3A = arith.constant 0.000000e+00 : f32
        %broadcast_in_dim3A_37 = vector.broadcast %broadcast_in_dim3A : f32 to vector<16xf32>
        %mul3A_38 = arith.constant 16 : i32
        %mul3A_39 = arith.muli %add3A_36, %mul3A_38 : i32
        %swap3A = arith.constant 0 : i32
        %swap3A_40 = arith.index_cast %swap3A : i32 to index
        %swap3A_41 = arith.index_cast %add3A_26 : i32 to index
        %swap3A_42 = arith.index_cast %mul3A_39 : i32 to index
        %swap3A_43 = tpu.vector_load %arg8[%swap3A_40, %swap3A_41, %swap3A_42] {strides = array<i32>} : memref<2x128x128xf32, #tpu.memory_space<vmem>>, vector<1x1x16xf32>,
        %swap3A_44 = vector.shape_cast %swap3A_43 : vector<1x1x16xf32> to vector<16xf32>
        %swap3A_45 = vector.shape_cast %broadcast_in_dim3A_37 : vector<16xf32> to vector<1x1x16xf32>
        tpu.vector_store %arg8[%swap3A_40, %swap3A_41, %swap3A_42], %swap3A_45 {strides = array<i32>} : memref<2x128x128xf32, #tpu.memory_space<vmem>>, vector<1x1x16xf32>,
      }
      %scan3A_31 = arith.constant 8 : i32
    }
    %scan3A_4 = arith.constant 128 : i32
    %scan3A_5 = arith.constant 0 : i32
    %scan3A_6 = arith.constant 5 : i32
    %scan3A_7 = arith.addi %scan3A_5, %scan3A_6 : i32
    %scan3A_8 = arith.constant 1 : i32
    scf.for %scan3A_22 = %scan3A_5 to %scan3A_7 step %scan3A_8  : i32 {
      %mul3A_23 = arith.constant 1 : i32
      %mul3A_24 = arith.muli %scan3A_22, %mul3A_23 : i32
      %add3A_25 = arith.constant 0 : i32
      %add3A_26 = arith.addi %add3A_25, %mul3A_24 : i32
      %mul3A_27 = arith.constant 640 : i32
      %mul3A_28 = arith.muli %arg1, %mul3A_27 : i32
      %mul3A_29 = arith.constant 128 : i32
      %mul3A_30 = arith.muli %add3A_26, %mul3A_29 : i32
      %add3A_31 = arith.addi %mul3A_28, %mul3A_30 : i32
      %run_scoped3A = arith.constant 0 : i32
      "tpu.region"() ({
        %run_scoped3A_32 = tpu.sem_alloc : memref<!tpu.dma_semaphore, #tpu.memory_space<semaphore_mem>>
        %dma_start3A = arith.constant 0 : i32
        %dma_start3A_33 = arith.constant 0 : i32
        %dma_start3A_34 = tpu.memref_slice %arg8[%run_scoped3A, %dma_start3A, %dma_start3A_33] : memref<2x128x128xf32, #tpu.memory_space<vmem>> -> memref<1x128x128xf32, #tpu.memory_space<vmem>>
        %dma_start3A_35 = tpu.memref_squeeze %dma_start3A_34 : memref<1x128x128xf32, #tpu.memory_space<vmem>> -> memref<128x128xf32, #tpu.memory_space<vmem>>
        %dma_start3A_36 = arith.constant 0 : i32
        %dma_start3A_37 = tpu.memref_slice %arg11[%add3A_31, %dma_start3A_36] : memref<10240x128xf32, #tpu.memory_space<vmem_shared>> -> memref<128x128xf32, #tpu.memory_space<vmem_shared>>
        %dma_start3A_38 = arith.constant 0 : i32
        %dma_start3A_39 = tpu.memref_slice %arg11[%add3A_31, %dma_start3A_38] : memref<10240x128xf32, #tpu.memory_space<vmem_shared>> -> memref<128x128xf32, #tpu.memory_space<vmem_shared>>
        %dma_start3A_40 = arith.constant 0 : i32
        %dma_start3A_41 = arith.constant 0 : i32
        %dma_start3A_42 = tpu.memref_slice %arg8[%run_scoped3A, %dma_start3A_40, %dma_start3A_41] : memref<2x128x128xf32, #tpu.memory_space<vmem>> -> memref<1x128x128xf32, #tpu.memory_space<vmem>>
        %dma_start3A_43 = tpu.memref_squeeze %dma_start3A_42 : memref<1x128x128xf32, #tpu.memory_space<vmem>> -> memref<128x128xf32, #tpu.memory_space<vmem>>
        tpu.enqueue_dma source(%dma_start3A_43 : memref<128x128xf32, #tpu.memory_space<vmem>>) target(%dma_start3A_39 : memref<128x128xf32, #tpu.memory_space<vmem_shared>>) target_semaphore(%run_scoped3A_32 : memref<!tpu.dma_semaphore, #tpu.memory_space<semaphore_mem>>)
        %dma_wait3A = arith.constant 0 : i32
        %dma_wait3A_44 = arith.constant 0 : i32
        %dma_wait3A_45 = tpu.memref_slice %arg8[%run_scoped3A, %dma_wait3A, %dma_wait3A_44] : memref<2x128x128xf32, #tpu.memory_space<vmem>> -> memref<1x128x128xf32, #tpu.memory_space<vmem>>
        %dma_wait3A_46 = tpu.memref_squeeze %dma_wait3A_45 : memref<1x128x128xf32, #tpu.memory_space<vmem>> -> memref<128x128xf32, #tpu.memory_space<vmem>>
        %dma_wait3A_47 = arith.constant 0 : i32
        %dma_wait3A_48 = tpu.memref_slice %arg11[%add3A_31, %dma_wait3A_47] : memref<10240x128xf32, #tpu.memory_space<vmem_shared>> -> memref<128x128xf32, #tpu.memory_space<vmem_shared>>
        %dma_wait3A_49 = arith.constant 0 : i32
        %dma_wait3A_50 = tpu.memref_slice %arg11[%add3A_31, %dma_wait3A_49] : memref<10240x128xf32, #tpu.memory_space<vmem_shared>> -> memref<128x128xf32, #tpu.memory_space<vmem_shared>>
        %dma_wait3A_51 = arith.constant 0 : i32
        %dma_wait3A_52 = arith.constant 0 : i32
        %dma_wait3A_53 = tpu.memref_slice %arg8[%run_scoped3A, %dma_wait3A_51, %dma_wait3A_52] : memref<2x128x128xf32, #tpu.memory_space<vmem>> -> memref<1x128x128xf32, #tpu.memory_space<vmem>>
        %dma_wait3A_54 = tpu.memref_squeeze %dma_wait3A_53 : memref<1x128x128xf32, #tpu.memory_space<vmem>> -> memref<128x128xf32, #tpu.memory_space<vmem>>
        tpu.wait_dma2 semaphore(%run_scoped3A_32 : memref<!tpu.dma_semaphore, #tpu.memory_space<semaphore_mem>>) src(%dma_wait3A_54 : memref<128x128xf32, #tpu.memory_space<vmem>>) dst(%dma_wait3A_50 : memref<128x128xf32, #tpu.memory_space<vmem_shared>>)
        tpu.yield
      }) : () -> ()
    }
    %scan3A_9 = arith.constant 5 : i32
    %barrier3A = arith.constant 0 : index
    tpu.barrier barrier_id(%barrier3A)
    %scan3A_10 = arith.constant 0 : i32
    %scan3A_11 = arith.constant 2 : i32
    %scan3A_12 = arith.addi %scan3A_10, %scan3A_11 : i32
    %scan3A_13 = arith.constant 1 : i32
    scf.for %scan3A_22 = %scan3A_10 to %scan3A_12 step %scan3A_13  : i32 {
      %mul3A_23 = arith.constant 1 : i32
      %mul3A_24 = arith.muli %scan3A_22, %mul3A_23 : i32
      %add3A_25 = arith.constant 0 : i32
      %add3A_26 = arith.addi %add3A_25, %mul3A_24 : i32
      %mul3A_27 = arith.constant 40 : i32
      %mul3A_28 = arith.muli %add3A_26, %mul3A_27 : i32
      "tpu.region"() ({
        %run_scoped3A = tpu.sem_alloc : memref<!tpu.dma_semaphore, #tpu.memory_space<semaphore_mem>>
        %dma_start3A_59 = arith.constant 0 : i32
        %dma_start3A_60 = tpu.memref_slice %arg3[%add3A, %mul3A_28, %dma_start3A_59] : memref<32x80x128xi32, #tpu.memory_space<hbm>> -> memref<1x40x128xi32, #tpu.memory_space<hbm>>
        %dma_start3A_61 = tpu.memref_squeeze %dma_start3A_60 : memref<1x40x128xi32, #tpu.memory_space<hbm>> -> memref<40x128xi32, #tpu.memory_space<hbm>>
        %dma_start3A_62 = arith.constant 0 : i32
        %dma_start3A_63 = tpu.memref_slice %arg3[%add3A, %mul3A_28, %dma_start3A_62] : memref<32x80x128xi32, #tpu.memory_space<hbm>> -> memref<1x40x128xi32, #tpu.memory_space<hbm>>
        %dma_start3A_64 = tpu.memref_squeeze %dma_start3A_63 : memref<1x40x128xi32, #tpu.memory_space<hbm>> -> memref<40x128xi32, #tpu.memory_space<hbm>>
        tpu.enqueue_dma source(%dma_start3A_64 : memref<40x128xi32, #tpu.memory_space<hbm>>) target(%arg6 : memref<40x128xi32, #tpu.memory_space<vmem>>) target_semaphore(%run_scoped3A : memref<!tpu.dma_semaphore, #tpu.memory_space<semaphore_mem>>)
        %dma_wait3A = arith.constant 0 : i32
        %dma_wait3A_65 = tpu.memref_slice %arg3[%add3A, %mul3A_28, %dma_wait3A] : memref<32x80x128xi32, #tpu.memory_space<hbm>> -> memref<1x40x128xi32, #tpu.memory_space<hbm>>
        %dma_wait3A_66 = tpu.memref_squeeze %dma_wait3A_65 : memref<1x40x128xi32, #tpu.memory_space<hbm>> -> memref<40x128xi32, #tpu.memory_space<hbm>>
        %dma_wait3A_67 = arith.constant 0 : i32
        %dma_wait3A_68 = tpu.memref_slice %arg3[%add3A, %mul3A_28, %dma_wait3A_67] : memref<32x80x128xi32, #tpu.memory_space<hbm>> -> memref<1x40x128xi32, #tpu.memory_space<hbm>>
        %dma_wait3A_69 = tpu.memref_squeeze %dma_wait3A_68 : memref<1x40x128xi32, #tpu.memory_space<hbm>> -> memref<40x128xi32, #tpu.memory_space<hbm>>
        tpu.wait_dma2 semaphore(%run_scoped3A : memref<!tpu.dma_semaphore, #tpu.memory_space<semaphore_mem>>) src(%dma_wait3A_69 : memref<40x128xi32, #tpu.memory_space<hbm>>) dst(%arg6 : memref<40x128xi32, #tpu.memory_space<vmem>>)
        tpu.yield
      }) : () -> ()
      %mul3A_29 = arith.constant 40 : i32
      %mul3A_30 = arith.muli %add3A_26, %mul3A_29 : i32
      "tpu.region"() ({
        %run_scoped3A = tpu.sem_alloc : memref<!tpu.dma_semaphore, #tpu.memory_space<semaphore_mem>>
        %dma_start3A_59 = arith.constant 0 : i32
        %dma_start3A_60 = tpu.memref_slice %arg4[%add3A, %mul3A_30, %dma_start3A_59] : memref<32x80x128xi32, #tpu.memory_space<hbm>> -> memref<1x40x128xi32, #tpu.memory_space<hbm>>
        %dma_start3A_61 = tpu.memref_squeeze %dma_start3A_60 : memref<1x40x128xi32, #tpu.memory_space<hbm>> -> memref<40x128xi32, #tpu.memory_space<hbm>>
        %dma_start3A_62 = arith.constant 0 : i32
        %dma_start3A_63 = tpu.memref_slice %arg4[%add3A, %mul3A_30, %dma_start3A_62] : memref<32x80x128xi32, #tpu.memory_space<hbm>> -> memref<1x40x128xi32, #tpu.memory_space<hbm>>
        %dma_start3A_64 = tpu.memref_squeeze %dma_start3A_63 : memref<1x40x128xi32, #tpu.memory_space<hbm>> -> memref<40x128xi32, #tpu.memory_space<hbm>>
        tpu.enqueue_dma source(%dma_start3A_64 : memref<40x128xi32, #tpu.memory_space<hbm>>) target(%arg7 : memref<40x128xi32, #tpu.memory_space<vmem>>) target_semaphore(%run_scoped3A : memref<!tpu.dma_semaphore, #tpu.memory_space<semaphore_mem>>)
        %dma_wait3A = arith.constant 0 : i32
        %dma_wait3A_65 = tpu.memref_slice %arg4[%add3A, %mul3A_30, %dma_wait3A] : memref<32x80x128xi32, #tpu.memory_space<hbm>> -> memref<1x40x128xi32, #tpu.memory_space<hbm>>
        %dma_wait3A_66 = tpu.memref_squeeze %dma_wait3A_65 : memref<1x40x128xi32, #tpu.memory_space<hbm>> -> memref<40x128xi32, #tpu.memory_space<hbm>>
        %dma_wait3A_67 = arith.constant 0 : i32
        %dma_wait3A_68 = tpu.memref_slice %arg4[%add3A, %mul3A_30, %dma_wait3A_67] : memref<32x80x128xi32, #tpu.memory_space<hbm>> -> memref<1x40x128xi32, #tpu.memory_space<hbm>>
        %dma_wait3A_69 = tpu.memref_squeeze %dma_wait3A_68 : memref<1x40x128xi32, #tpu.memory_space<hbm>> -> memref<40x128xi32, #tpu.memory_space<hbm>>
        tpu.wait_dma2 semaphore(%run_scoped3A : memref<!tpu.dma_semaphore, #tpu.memory_space<semaphore_mem>>) src(%dma_wait3A_69 : memref<40x128xi32, #tpu.memory_space<hbm>>) dst(%arg7 : memref<40x128xi32, #tpu.memory_space<vmem>>)
        tpu.yield
      }) : () -> ()
      %dma_start3A = arith.constant 0 : i32
      %dma_start3A_31 = arith.constant 0 : i32
      %dma_start3A_32 = arith.constant 0 : i32
      %dma_start3A_33 = arith.constant 0 : i32
      %dma_start3A_34 = tpu.memref_slice %arg8[%dma_start3A_31, %dma_start3A_32, %dma_start3A_33] : memref<2x128x128xf32, #tpu.memory_space<vmem>> -> memref<1x128x128xf32, #tpu.memory_space<vmem>>
      %dma_start3A_35 = tpu.memref_squeeze %dma_start3A_34 : memref<1x128x128xf32, #tpu.memory_space<vmem>> -> memref<128x128xf32, #tpu.memory_space<vmem>>
      %dma_start3A_36 = arith.constant 0 : i32
      %dma_start3A_37 = tpu.memref_slice %arg6[%dma_start3A, %dma_start3A_36] : memref<40x128xi32, #tpu.memory_space<vmem>> -> memref<1x128xi32, #tpu.memory_space<vmem>>
      %dma_start3A_38 = tpu.memref_squeeze %dma_start3A_37 : memref<1x128xi32, #tpu.memory_space<vmem>> -> memref<128xi32, #tpu.memory_space<vmem>>
      %dma_start3A_39 = arith.constant 0 : i32
      %dma_start3A_40 = arith.constant 0 : i32
      %dma_start3A_41 = tpu.memref_slice %arg2[%dma_start3A_39, %dma_start3A_40] : memref<10000x128xf32, #tpu.memory_space<hbm>> -> memref<10000x128xf32, #tpu.memory_space<hbm>>
      tpu.enqueue_indirect_dma source(%dma_start3A_41 : memref<10000x128xf32, #tpu.memory_space<hbm>>) target(%dma_start3A_35 : memref<128x128xf32, #tpu.memory_space<vmem>>) offsets(%dma_start3A_38 : memref<128xi32, #tpu.memory_space<vmem>>) semaphore(%arg9 : memref<!tpu.dma_semaphore, #tpu.memory_space<semaphore_mem>>)
      %dma_start3A_42 = arith.constant 1 : i32
      %dma_start3A_43 = arith.constant 1 : i32
      %dma_start3A_44 = arith.constant 0 : i32
      %dma_start3A_45 = arith.constant 0 : i32
      %dma_start3A_46 = tpu.memref_slice %arg8[%dma_start3A_43, %dma_start3A_44, %dma_start3A_45] : memref<2x128x128xf32, #tpu.memory_space<vmem>> -> memref<1x128x128xf32, #tpu.memory_space<vmem>>
      %dma_start3A_47 = tpu.memref_squeeze %dma_start3A_46 : memref<1x128x128xf32, #tpu.memory_space<vmem>> -> memref<128x128xf32, #tpu.memory_space<vmem>>
      %dma_start3A_48 = arith.constant 0 : i32
      %dma_start3A_49 = tpu.memref_slice %arg6[%dma_start3A_42, %dma_start3A_48] : memref<40x128xi32, #tpu.memory_space<vmem>> -> memref<1x128xi32, #tpu.memory_space<vmem>>
      %dma_start3A_50 = tpu.memref_squeeze %dma_start3A_49 : memref<1x128xi32, #tpu.memory_space<vmem>> -> memref<128xi32, #tpu.memory_space<vmem>>
      %dma_start3A_51 = arith.constant 0 : i32
      %dma_start3A_52 = arith.constant 0 : i32
      %dma_start3A_53 = tpu.memref_slice %arg2[%dma_start3A_51, %dma_start3A_52] : memref<10000x128xf32, #tpu.memory_space<hbm>> -> memref<10000x128xf32, #tpu.memory_space<hbm>>
      tpu.enqueue_indirect_dma source(%dma_start3A_53 : memref<10000x128xf32, #tpu.memory_space<hbm>>) target(%dma_start3A_47 : memref<128x128xf32, #tpu.memory_space<vmem>>) offsets(%dma_start3A_50 : memref<128xi32, #tpu.memory_space<vmem>>) semaphore(%arg10 : memref<!tpu.dma_semaphore, #tpu.memory_space<semaphore_mem>>)
      %scan3A_54 = arith.constant 0 : i32
      %scan3A_55 = arith.constant 20 : i32
      %scan3A_56 = arith.addi %scan3A_54, %scan3A_55 : i32
      %scan3A_57 = arith.constant 1 : i32
      scf.for %scan3A_59 = %scan3A_54 to %scan3A_56 step %scan3A_57  : i32 {
        %mul3A_60 = arith.constant 2 : i32
        %mul3A_61 = arith.muli %scan3A_59, %mul3A_60 : i32
        %add3A_62 = arith.constant 0 : i32
        %add3A_63 = arith.addi %add3A_62, %mul3A_61 : i32
        %dma_wait3A = arith.constant 0 : i32
        %dma_wait3A_64 = arith.constant 0 : i32
        %dma_wait3A_65 = arith.constant 0 : i32
        %dma_wait3A_66 = arith.constant 0 : i32
        %dma_wait3A_67 = tpu.memref_slice %arg8[%dma_wait3A_64, %dma_wait3A_65, %dma_wait3A_66] : memref<2x128x128xf32, #tpu.memory_space<vmem>> -> memref<1x128x128xf32, #tpu.memory_space<vmem>>
        %dma_wait3A_68 = tpu.memref_squeeze %dma_wait3A_67 : memref<1x128x128xf32, #tpu.memory_space<vmem>> -> memref<128x128xf32, #tpu.memory_space<vmem>>
        %dma_wait3A_69 = arith.constant 0 : i32
        %dma_wait3A_70 = tpu.memref_slice %arg6[%dma_wait3A, %dma_wait3A_69] : memref<40x128xi32, #tpu.memory_space<vmem>> -> memref<1x128xi32, #tpu.memory_space<vmem>>
        %dma_wait3A_71 = tpu.memref_squeeze %dma_wait3A_70 : memref<1x128xi32, #tpu.memory_space<vmem>> -> memref<128xi32, #tpu.memory_space<vmem>>
        %dma_wait3A_72 = arith.constant 0 : i32
        %dma_wait3A_73 = arith.constant 0 : i32
        %dma_wait3A_74 = tpu.memref_slice %arg2[%dma_wait3A_72, %dma_wait3A_73] : memref<10000x128xf32, #tpu.memory_space<hbm>> -> memref<10000x128xf32, #tpu.memory_space<hbm>>
        tpu.wait_indirect_dma semaphore(%arg9 : memref<!tpu.dma_semaphore, #tpu.memory_space<semaphore_mem>>) src(%dma_wait3A_74 : memref<10000x128xf32, #tpu.memory_space<hbm>>) dst(%dma_wait3A_68 : memref<128x128xf32, #tpu.memory_space<vmem>>)
        %add3A_75 = arith.constant 0 : i32
        %add3A_76 = arith.addi %add3A_63, %add3A_75 : i32
        %run_scoped3A = arith.constant 0 : i32
        "tpu.region"() ({
          %run_scoped3A_109 = tpu.sem_alloc : memref<!tpu.dma_semaphore, #tpu.memory_space<semaphore_mem>>
          %dma_start3A_110 = arith.constant 0 : i32
          %dma_start3A_111 = arith.constant 0 : i32
          %dma_start3A_112 = tpu.memref_slice %arg8[%run_scoped3A, %dma_start3A_110, %dma_start3A_111] : memref<2x128x128xf32, #tpu.memory_space<vmem>> -> memref<1x128x128xf32, #tpu.memory_space<vmem>>
          %dma_start3A_113 = tpu.memref_squeeze %dma_start3A_112 : memref<1x128x128xf32, #tpu.memory_space<vmem>> -> memref<128x128xf32, #tpu.memory_space<vmem>>
          %dma_start3A_114 = arith.constant 0 : i32
          %dma_start3A_115 = tpu.memref_slice %arg7[%add3A_76, %dma_start3A_114] : memref<40x128xi32, #tpu.memory_space<vmem>> -> memref<1x128xi32, #tpu.memory_space<vmem>>
          %dma_start3A_116 = tpu.memref_squeeze %dma_start3A_115 : memref<1x128xi32, #tpu.memory_space<vmem>> -> memref<128xi32, #tpu.memory_space<vmem>>
          %dma_start3A_117 = arith.constant 0 : i32
          %dma_start3A_118 = arith.constant 0 : i32
          %dma_start3A_119 = tpu.memref_slice %arg11[%dma_start3A_117, %dma_start3A_118] : memref<10240x128xf32, #tpu.memory_space<vmem_shared>> -> memref<10240x128xf32, #tpu.memory_space<vmem_shared>>
          tpu.enqueue_indirect_dma source(%dma_start3A_113 : memref<128x128xf32, #tpu.memory_space<vmem>>) target(%dma_start3A_119 : memref<10240x128xf32, #tpu.memory_space<vmem_shared>>) offsets(%dma_start3A_116 : memref<128xi32, #tpu.memory_space<vmem>>) semaphore(%run_scoped3A_109 : memref<!tpu.dma_semaphore, #tpu.memory_space<semaphore_mem>>) {add = true}
          %dma_wait3A_120 = arith.constant 0 : i32
          %dma_wait3A_121 = arith.constant 0 : i32
          %dma_wait3A_122 = tpu.memref_slice %arg8[%run_scoped3A, %dma_wait3A_120, %dma_wait3A_121] : memref<2x128x128xf32, #tpu.memory_space<vmem>> -> memref<1x128x128xf32, #tpu.memory_space<vmem>>
          %dma_wait3A_123 = tpu.memref_squeeze %dma_wait3A_122 : memref<1x128x128xf32, #tpu.memory_space<vmem>> -> memref<128x128xf32, #tpu.memory_space<vmem>>
          %dma_wait3A_124 = arith.constant 0 : i32
          %dma_wait3A_125 = tpu.memref_slice %arg7[%add3A_76, %dma_wait3A_124] : memref<40x128xi32, #tpu.memory_space<vmem>> -> memref<1x128xi32, #tpu.memory_space<vmem>>
          %dma_wait3A_126 = tpu.memref_squeeze %dma_wait3A_125 : memref<1x128xi32, #tpu.memory_space<vmem>> -> memref<128xi32, #tpu.memory_space<vmem>>
          %dma_wait3A_127 = arith.constant 0 : i32
          %dma_wait3A_128 = arith.constant 0 : i32
          %dma_wait3A_129 = tpu.memref_slice %arg11[%dma_wait3A_127, %dma_wait3A_128] : memref<10240x128xf32, #tpu.memory_space<vmem_shared>> -> memref<10240x128xf32, #tpu.memory_space<vmem_shared>>
          tpu.wait_indirect_dma semaphore(%run_scoped3A_109 : memref<!tpu.dma_semaphore, #tpu.memory_space<semaphore_mem>>) src(%dma_wait3A_123 : memref<128x128xf32, #tpu.memory_space<vmem>>) dst(%dma_wait3A_129 : memref<10240x128xf32, #tpu.memory_space<vmem_shared>>)
          tpu.yield
        }) : () -> ()
        %add3A_77 = arith.constant 0 : i32
        %add3A_78 = arith.addi %add3A_63, %add3A_77 : i32
        %add3A_79 = arith.constant 2 : i32
        %add3A_80 = arith.addi %add3A_78, %add3A_79 : i32
        %lt3A = arith.constant 40 : i32
        %lt3A_81 = arith.cmpi slt, %add3A_80, %lt3A : i32
        %convert_element_type3A_82 = arith.extui %lt3A_81 : i1 to i32
        %cond3A_83 = arith.constant 0 : i32
        %cond3A_84 = arith.cmpi ne, %convert_element_type3A_82, %cond3A_83 : i32
        scf.if %cond3A_84 {
          %add3A_109 = arith.constant 0 : i32
          %add3A_110 = arith.addi %add3A_63, %add3A_109 : i32
          %add3A_111 = arith.constant 2 : i32
          %add3A_112 = arith.addi %add3A_110, %add3A_111 : i32
          %dma_start3A_113 = arith.constant 0 : i32
          %dma_start3A_114 = arith.constant 0 : i32
          %dma_start3A_115 = arith.constant 0 : i32
          %dma_start3A_116 = tpu.memref_slice %arg8[%dma_start3A_113, %dma_start3A_114, %dma_start3A_115] : memref<2x128x128xf32, #tpu.memory_space<vmem>> -> memref<1x128x128xf32, #tpu.memory_space<vmem>>
          %dma_start3A_117 = tpu.memref_squeeze %dma_start3A_116 : memref<1x128x128xf32, #tpu.memory_space<vmem>> -> memref<128x128xf32, #tpu.memory_space<vmem>>
          %dma_start3A_118 = arith.constant 0 : i32
          %dma_start3A_119 = tpu.memref_slice %arg6[%add3A_112, %dma_start3A_118] : memref<40x128xi32, #tpu.memory_space<vmem>> -> memref<1x128xi32, #tpu.memory_space<vmem>>
          %dma_start3A_120 = tpu.memref_squeeze %dma_start3A_119 : memref<1x128xi32, #tpu.memory_space<vmem>> -> memref<128xi32, #tpu.memory_space<vmem>>
          %dma_start3A_121 = arith.constant 0 : i32
          %dma_start3A_122 = arith.constant 0 : i32
          %dma_start3A_123 = tpu.memref_slice %arg2[%dma_start3A_121, %dma_start3A_122] : memref<10000x128xf32, #tpu.memory_space<hbm>> -> memref<10000x128xf32, #tpu.memory_space<hbm>>
          tpu.enqueue_indirect_dma source(%dma_start3A_123 : memref<10000x128xf32, #tpu.memory_space<hbm>>) target(%dma_start3A_117 : memref<128x128xf32, #tpu.memory_space<vmem>>) offsets(%dma_start3A_120 : memref<128xi32, #tpu.memory_space<vmem>>) semaphore(%arg9 : memref<!tpu.dma_semaphore, #tpu.memory_space<semaphore_mem>>)
        } else {
        }
        %dma_wait3A_85 = arith.constant 1 : i32
        %dma_wait3A_86 = arith.constant 1 : i32
        %dma_wait3A_87 = arith.constant 0 : i32
        %dma_wait3A_88 = arith.constant 0 : i32
        %dma_wait3A_89 = tpu.memref_slice %arg8[%dma_wait3A_86, %dma_wait3A_87, %dma_wait3A_88] : memref<2x128x128xf32, #tpu.memory_space<vmem>> -> memref<1x128x128xf32, #tpu.memory_space<vmem>>
        %dma_wait3A_90 = tpu.memref_squeeze %dma_wait3A_89 : memref<1x128x128xf32, #tpu.memory_space<vmem>> -> memref<128x128xf32, #tpu.memory_space<vmem>>
        %dma_wait3A_91 = arith.constant 0 : i32
        %dma_wait3A_92 = tpu.memref_slice %arg6[%dma_wait3A_85, %dma_wait3A_91] : memref<40x128xi32, #tpu.memory_space<vmem>> -> memref<1x128xi32, #tpu.memory_space<vmem>>
        %dma_wait3A_93 = tpu.memref_squeeze %dma_wait3A_92 : memref<1x128xi32, #tpu.memory_space<vmem>> -> memref<128xi32, #tpu.memory_space<vmem>>
        %dma_wait3A_94 = arith.constant 0 : i32
        %dma_wait3A_95 = arith.constant 0 : i32
        %dma_wait3A_96 = tpu.memref_slice %arg2[%dma_wait3A_94, %dma_wait3A_95] : memref<10000x128xf32, #tpu.memory_space<hbm>> -> memref<10000x128xf32, #tpu.memory_space<hbm>>
        tpu.wait_indirect_dma semaphore(%arg10 : memref<!tpu.dma_semaphore, #tpu.memory_space<semaphore_mem>>) src(%dma_wait3A_96 : memref<10000x128xf32, #tpu.memory_space<hbm>>) dst(%dma_wait3A_90 : memref<128x128xf32, #tpu.memory_space<vmem>>)
        %add3A_97 = arith.constant 1 : i32
        %add3A_98 = arith.addi %add3A_63, %add3A_97 : i32
        %run_scoped3A_99 = arith.constant 1 : i32
        "tpu.region"() ({
          %run_scoped3A_109 = tpu.sem_alloc : memref<!tpu.dma_semaphore, #tpu.memory_space<semaphore_mem>>
          %dma_start3A_110 = arith.constant 0 : i32
          %dma_start3A_111 = arith.constant 0 : i32
          %dma_start3A_112 = tpu.memref_slice %arg8[%run_scoped3A_99, %dma_start3A_110, %dma_start3A_111] : memref<2x128x128xf32, #tpu.memory_space<vmem>> -> memref<1x128x128xf32, #tpu.memory_space<vmem>>
          %dma_start3A_113 = tpu.memref_squeeze %dma_start3A_112 : memref<1x128x128xf32, #tpu.memory_space<vmem>> -> memref<128x128xf32, #tpu.memory_space<vmem>>
          %dma_start3A_114 = arith.constant 0 : i32
          %dma_start3A_115 = tpu.memref_slice %arg7[%add3A_98, %dma_start3A_114] : memref<40x128xi32, #tpu.memory_space<vmem>> -> memref<1x128xi32, #tpu.memory_space<vmem>>
          %dma_start3A_116 = tpu.memref_squeeze %dma_start3A_115 : memref<1x128xi32, #tpu.memory_space<vmem>> -> memref<128xi32, #tpu.memory_space<vmem>>
          %dma_start3A_117 = arith.constant 0 : i32
          %dma_start3A_118 = arith.constant 0 : i32
          %dma_start3A_119 = tpu.memref_slice %arg11[%dma_start3A_117, %dma_start3A_118] : memref<10240x128xf32, #tpu.memory_space<vmem_shared>> -> memref<10240x128xf32, #tpu.memory_space<vmem_shared>>
          tpu.enqueue_indirect_dma source(%dma_start3A_113 : memref<128x128xf32, #tpu.memory_space<vmem>>) target(%dma_start3A_119 : memref<10240x128xf32, #tpu.memory_space<vmem_shared>>) offsets(%dma_start3A_116 : memref<128xi32, #tpu.memory_space<vmem>>) semaphore(%run_scoped3A_109 : memref<!tpu.dma_semaphore, #tpu.memory_space<semaphore_mem>>) {add = true}
          %dma_wait3A_120 = arith.constant 0 : i32
          %dma_wait3A_121 = arith.constant 0 : i32
          %dma_wait3A_122 = tpu.memref_slice %arg8[%run_scoped3A_99, %dma_wait3A_120, %dma_wait3A_121] : memref<2x128x128xf32, #tpu.memory_space<vmem>> -> memref<1x128x128xf32, #tpu.memory_space<vmem>>
          %dma_wait3A_123 = tpu.memref_squeeze %dma_wait3A_122 : memref<1x128x128xf32, #tpu.memory_space<vmem>> -> memref<128x128xf32, #tpu.memory_space<vmem>>
          %dma_wait3A_124 = arith.constant 0 : i32
          %dma_wait3A_125 = tpu.memref_slice %arg7[%add3A_98, %dma_wait3A_124] : memref<40x128xi32, #tpu.memory_space<vmem>> -> memref<1x128xi32, #tpu.memory_space<vmem>>
          %dma_wait3A_126 = tpu.memref_squeeze %dma_wait3A_125 : memref<1x128xi32, #tpu.memory_space<vmem>> -> memref<128xi32, #tpu.memory_space<vmem>>
          %dma_wait3A_127 = arith.constant 0 : i32
          %dma_wait3A_128 = arith.constant 0 : i32
          %dma_wait3A_129 = tpu.memref_slice %arg11[%dma_wait3A_127, %dma_wait3A_128] : memref<10240x128xf32, #tpu.memory_space<vmem_shared>> -> memref<10240x128xf32, #tpu.memory_space<vmem_shared>>
          tpu.wait_indirect_dma semaphore(%run_scoped3A_109 : memref<!tpu.dma_semaphore, #tpu.memory_space<semaphore_mem>>) src(%dma_wait3A_123 : memref<128x128xf32, #tpu.memory_space<vmem>>) dst(%dma_wait3A_129 : memref<10240x128xf32, #tpu.memory_space<vmem_shared>>)
          tpu.yield
        }) : () -> ()
        %add3A_100 = arith.constant 1 : i32
        %add3A_101 = arith.addi %add3A_63, %add3A_100 : i32
        %add3A_102 = arith.constant 2 : i32
        %add3A_103 = arith.addi %add3A_101, %add3A_102 : i32
        %lt3A_104 = arith.constant 40 : i32
        %lt3A_105 = arith.cmpi slt, %add3A_103, %lt3A_104 : i32
        %convert_element_type3A_106 = arith.extui %lt3A_105 : i1 to i32
        %cond3A_107 = arith.constant 0 : i32
        %cond3A_108 = arith.cmpi ne, %convert_element_type3A_106, %cond3A_107 : i32
        scf.if %cond3A_108 {
          %add3A_109 = arith.constant 1 : i32
          %add3A_110 = arith.addi %add3A_63, %add3A_109 : i32
          %add3A_111 = arith.constant 2 : i32
          %add3A_112 = arith.addi %add3A_110, %add3A_111 : i32
          %dma_start3A_113 = arith.constant 1 : i32
          %dma_start3A_114 = arith.constant 0 : i32
          %dma_start3A_115 = arith.constant 0 : i32
          %dma_start3A_116 = tpu.memref_slice %arg8[%dma_start3A_113, %dma_start3A_114, %dma_start3A_115] : memref<2x128x128xf32, #tpu.memory_space<vmem>> -> memref<1x128x128xf32, #tpu.memory_space<vmem>>
          %dma_start3A_117 = tpu.memref_squeeze %dma_start3A_116 : memref<1x128x128xf32, #tpu.memory_space<vmem>> -> memref<128x128xf32, #tpu.memory_space<vmem>>
          %dma_start3A_118 = arith.constant 0 : i32
          %dma_start3A_119 = tpu.memref_slice %arg6[%add3A_112, %dma_start3A_118] : memref<40x128xi32, #tpu.memory_space<vmem>> -> memref<1x128xi32, #tpu.memory_space<vmem>>
          %dma_start3A_120 = tpu.memref_squeeze %dma_start3A_119 : memref<1x128xi32, #tpu.memory_space<vmem>> -> memref<128xi32, #tpu.memory_space<vmem>>
          %dma_start3A_121 = arith.constant 0 : i32
          %dma_start3A_122 = arith.constant 0 : i32
          %dma_start3A_123 = tpu.memref_slice %arg2[%dma_start3A_121, %dma_start3A_122] : memref<10000x128xf32, #tpu.memory_space<hbm>> -> memref<10000x128xf32, #tpu.memory_space<hbm>>
          tpu.enqueue_indirect_dma source(%dma_start3A_123 : memref<10000x128xf32, #tpu.memory_space<hbm>>) target(%dma_start3A_117 : memref<128x128xf32, #tpu.memory_space<vmem>>) offsets(%dma_start3A_120 : memref<128xi32, #tpu.memory_space<vmem>>) semaphore(%arg10 : memref<!tpu.dma_semaphore, #tpu.memory_space<semaphore_mem>>)
        } else {
        }
      }
      %scan3A_58 = arith.constant 20 : i32
    }
    %scan3A_14 = arith.constant 2 : i32
    %barrier3A_15 = arith.constant 0 : index
    tpu.barrier barrier_id(%barrier3A_15)
    %mul3A_16 = arith.constant 624 : i32
    %mul3A_17 = arith.muli %arg1, %mul3A_16 : i32
    %mul3A_18 = arith.constant 624 : i32
    %mul3A_19 = arith.muli %arg1, %mul3A_18 : i32
    "tpu.region"() ({
      %run_scoped3A = tpu.sem_alloc : memref<!tpu.dma_semaphore, #tpu.memory_space<semaphore_mem>>
      %dma_start3A = arith.constant 0 : i32
      %dma_start3A_22 = tpu.memref_slice %arg5[%arg0, %mul3A_19, %dma_start3A] : memref<2x10000x128xf32, #tpu.memory_space<hbm>> -> memref<1x624x128xf32, #tpu.memory_space<hbm>>
      %dma_start3A_23 = tpu.memref_squeeze %dma_start3A_22 : memref<1x624x128xf32, #tpu.memory_space<hbm>> -> memref<624x128xf32, #tpu.memory_space<hbm>>
      %dma_start3A_24 = arith.constant 0 : i32
      %dma_start3A_25 = tpu.memref_slice %arg11[%mul3A_17, %dma_start3A_24] : memref<10240x128xf32, #tpu.memory_space<vmem_shared>> -> memref<624x128xf32, #tpu.memory_space<vmem_shared>>
      tpu.enqueue_dma source(%dma_start3A_25 : memref<624x128xf32, #tpu.memory_space<vmem_shared>>) target(%dma_start3A_23 : memref<624x128xf32, #tpu.memory_space<hbm>>) target_semaphore(%run_scoped3A : memref<!tpu.dma_semaphore, #tpu.memory_space<semaphore_mem>>)
      %dma_wait3A = arith.constant 0 : i32
      %dma_wait3A_26 = tpu.memref_slice %arg5[%arg0, %mul3A_19, %dma_wait3A] : memref<2x10000x128xf32, #tpu.memory_space<hbm>> -> memref<1x624x128xf32, #tpu.memory_space<hbm>>
      %dma_wait3A_27 = tpu.memref_squeeze %dma_wait3A_26 : memref<1x624x128xf32, #tpu.memory_space<hbm>> -> memref<624x128xf32, #tpu.memory_space<hbm>>
      %dma_wait3A_28 = arith.constant 0 : i32
      %dma_wait3A_29 = tpu.memref_slice %arg11[%mul3A_17, %dma_wait3A_28] : memref<10240x128xf32, #tpu.memory_space<vmem_shared>> -> memref<624x128xf32, #tpu.memory_space<vmem_shared>>
      tpu.wait_dma2 semaphore(%run_scoped3A : memref<!tpu.dma_semaphore, #tpu.memory_space<semaphore_mem>>) src(%dma_wait3A_29 : memref<624x128xf32, #tpu.memory_space<vmem_shared>>) dst(%dma_wait3A_27 : memref<624x128xf32, #tpu.memory_space<hbm>>)
      tpu.yield
    }) : () -> ()
    %eq3A = arith.constant 0 : i32
    %eq3A_20 = arith.cmpi eq, %arg1, %eq3A : i32
    %convert_element_type3A = arith.extui %eq3A_20 : i1 to i32
    %cond3A = arith.constant 0 : i32
    %cond3A_21 = arith.cmpi ne, %convert_element_type3A, %cond3A : i32
    scf.if %cond3A_21 {
      "tpu.region"() ({
        %run_scoped3A = tpu.sem_alloc : memref<!tpu.dma_semaphore, #tpu.memory_space<semaphore_mem>>
        %dma_start3A = arith.constant 9984 : i32
        %dma_start3A_22 = arith.constant 0 : i32
        %dma_start3A_23 = tpu.memref_slice %arg5[%arg0, %dma_start3A, %dma_start3A_22] : memref<2x10000x128xf32, #tpu.memory_space<hbm>> -> memref<1x16x128xf32, #tpu.memory_space<hbm>>
        %dma_start3A_24 = tpu.memref_squeeze %dma_start3A_23 : memref<1x16x128xf32, #tpu.memory_space<hbm>> -> memref<16x128xf32, #tpu.memory_space<hbm>>
        %dma_start3A_25 = arith.constant 9984 : i32
        %dma_start3A_26 = arith.constant 0 : i32
        %dma_start3A_27 = tpu.memref_slice %arg11[%dma_start3A_25, %dma_start3A_26] : memref<10240x128xf32, #tpu.memory_space<vmem_shared>> -> memref<16x128xf32, #tpu.memory_space<vmem_shared>>
        tpu.enqueue_dma source(%dma_start3A_27 : memref<16x128xf32, #tpu.memory_space<vmem_shared>>) target(%dma_start3A_24 : memref<16x128xf32, #tpu.memory_space<hbm>>) target_semaphore(%run_scoped3A : memref<!tpu.dma_semaphore, #tpu.memory_space<semaphore_mem>>)
        %dma_wait3A = arith.constant 9984 : i32
        %dma_wait3A_28 = arith.constant 0 : i32
        %dma_wait3A_29 = tpu.memref_slice %arg5[%arg0, %dma_wait3A, %dma_wait3A_28] : memref<2x10000x128xf32, #tpu.memory_space<hbm>> -> memref<1x16x128xf32, #tpu.memory_space<hbm>>
        %dma_wait3A_30 = tpu.memref_squeeze %dma_wait3A_29 : memref<1x16x128xf32, #tpu.memory_space<hbm>> -> memref<16x128xf32, #tpu.memory_space<hbm>>
        %dma_wait3A_31 = arith.constant 9984 : i32
        %dma_wait3A_32 = arith.constant 0 : i32
        %dma_wait3A_33 = tpu.memref_slice %arg11[%dma_wait3A_31, %dma_wait3A_32] : memref<10240x128xf32, #tpu.memory_space<vmem_shared>> -> memref<16x128xf32, #tpu.memory_space<vmem_shared>>
        tpu.wait_dma2 semaphore(%run_scoped3A : memref<!tpu.dma_semaphore, #tpu.memory_space<semaphore_mem>>) src(%dma_wait3A_33 : memref<16x128xf32, #tpu.memory_space<vmem_shared>>) dst(%dma_wait3A_30 : memref<16x128xf32, #tpu.memory_space<hbm>>)
        tpu.yield
      }) : () -> ()
    } else {
    }
    return
  }
}

#map = affine_map<(d0, d1) -> (0, 0)>
#map1 = affine_map<(d0, d1) -> (0, 0, 0)>
module attributes {stable_mosaic.version = 14 : i64} {
  func.func @_sc_aggregate(%arg0: i32, %arg1: i32, %arg2: memref<10000x128xf32, #tpu.memory_space<hbm>>, %arg3: memref<32x80x128xi32, #tpu.memory_space<hbm>>, %arg4: memref<32x80x128xi32, #tpu.memory_space<hbm>>, %arg5: memref<2x10000x128xf32, #tpu.memory_space<hbm>>, %arg6: memref<40x128xi32, #tpu.memory_space<vmem>>, %arg7: memref<40x128xi32, #tpu.memory_space<vmem>>, %arg8: memref<2x128x128xf32, #tpu.memory_space<vmem>>, %arg9: memref<!tpu.dma_semaphore, #tpu.memory_space<semaphore_mem>>, %arg10: memref<!tpu.dma_semaphore, #tpu.memory_space<semaphore_mem>>, %arg11: memref<10240x128xf32, #tpu.memory_space<vmem_shared>>) attributes {dimension_semantics = [#tpu.dimension_semantics<core_parallel>, #tpu.dimension_semantics<subcore_parallel>], iteration_bounds = array<i64: 2, 16>, scalar_prefetch = 0 : i64, scratch_operands = 6 : i64, tpu.core_type = #tpu.core_type<sc_vector_subcore>, window_params = [{transform_indices = #map}, {transform_indices = #map1}, {transform_indices = #map1}, {transform_indices = #map1}]} {
    %mul3A = arith.constant 16 : i32
    %mul3A_0 = arith.muli %arg0, %mul3A : i32
    %add3A = arith.addi %mul3A_0, %arg1 : i32
    %scan3A = arith.constant 0 : i32
    %scan3A_1 = arith.constant 128 : i32
    %scan3A_2 = arith.addi %scan3A, %scan3A_1 : i32
    %scan3A_3 = arith.constant 1 : i32
    scf.for %scan3A_22 = %scan3A to %scan3A_2 step %scan3A_3  : i32 {
      %mul3A_23 = arith.constant 1 : i32
      %mul3A_24 = arith.muli %scan3A_22, %mul3A_23 : i32
      %add3A_25 = arith.constant 0 : i32
      %add3A_26 = arith.addi %add3A_25, %mul3A_24 : i32
      %scan3A_27 = arith.constant 0 : i32
      %scan3A_28 = arith.constant 8 : i32
      %scan3A_29 = arith.addi %scan3A_27, %scan3A_28 : i32
      %scan3A_30 = arith.constant 1 : i32
      scf.for %scan3A_32 = %scan3A_27 to %scan3A_29 step %scan3A_30  : i32 {
        %mul3A_33 = arith.constant 1 : i32
        %mul3A_34 = arith.muli %scan3A_32, %mul3A_33 : i32
        %add3A_35 = arith.constant 0 : i32
        %add3A_36 = arith.addi %add3A_35, %mul3A_34 : i32
        %broadcast_in_dim3A = arith.constant 0.000000e+00 : f32
        %broadcast_in_dim3A_37 = vector.broadcast %broadcast_in_dim3A : f32 to vector<16xf32>
        %mul3A_38 = arith.constant 16 : i32
        %mul3A_39 = arith.muli %add3A_36, %mul3A_38 : i32
        %swap3A = arith.constant 0 : i32
        %swap3A_40 = arith.index_cast %swap3A : i32 to index
        %swap3A_41 = arith.index_cast %add3A_26 : i32 to index
        %swap3A_42 = arith.index_cast %mul3A_39 : i32 to index
        %swap3A_43 = tpu.vector_load %arg8[%swap3A_40, %swap3A_41, %swap3A_42] {strides = array<i32>} : memref<2x128x128xf32, #tpu.memory_space<vmem>>, vector<1x1x16xf32>,
        %swap3A_44 = vector.shape_cast %swap3A_43 : vector<1x1x16xf32> to vector<16xf32>
        %swap3A_45 = vector.shape_cast %broadcast_in_dim3A_37 : vector<16xf32> to vector<1x1x16xf32>
        tpu.vector_store %arg8[%swap3A_40, %swap3A_41, %swap3A_42], %swap3A_45 {strides = array<i32>} : memref<2x128x128xf32, #tpu.memory_space<vmem>>, vector<1x1x16xf32>,
      }
      %scan3A_31 = arith.constant 8 : i32
    }
    %scan3A_4 = arith.constant 128 : i32
    %scan3A_5 = arith.constant 0 : i32
    %scan3A_6 = arith.constant 5 : i32
    %scan3A_7 = arith.addi %scan3A_5, %scan3A_6 : i32
    %scan3A_8 = arith.constant 1 : i32
    scf.for %scan3A_22 = %scan3A_5 to %scan3A_7 step %scan3A_8  : i32 {
      %mul3A_23 = arith.constant 1 : i32
      %mul3A_24 = arith.muli %scan3A_22, %mul3A_23 : i32
      %add3A_25 = arith.constant 0 : i32
      %add3A_26 = arith.addi %add3A_25, %mul3A_24 : i32
      %mul3A_27 = arith.constant 640 : i32
      %mul3A_28 = arith.muli %arg1, %mul3A_27 : i32
      %mul3A_29 = arith.constant 128 : i32
      %mul3A_30 = arith.muli %add3A_26, %mul3A_29 : i32
      %add3A_31 = arith.addi %mul3A_28, %mul3A_30 : i32
      %run_scoped3A = arith.constant 0 : i32
      "tpu.region"() ({
        %run_scoped3A_32 = tpu.sem_alloc : memref<!tpu.dma_semaphore, #tpu.memory_space<semaphore_mem>>
        %dma_start3A = arith.constant 0 : i32
        %dma_start3A_33 = arith.constant 0 : i32
        %dma_start3A_34 = tpu.memref_slice %arg8[%run_scoped3A, %dma_start3A, %dma_start3A_33] : memref<2x128x128xf32, #tpu.memory_space<vmem>> -> memref<1x128x128xf32, #tpu.memory_space<vmem>>
        %dma_start3A_35 = tpu.memref_squeeze %dma_start3A_34 : memref<1x128x128xf32, #tpu.memory_space<vmem>> -> memref<128x128xf32, #tpu.memory_space<vmem>>
        %dma_start3A_36 = arith.constant 0 : i32
        %dma_start3A_37 = tpu.memref_slice %arg11[%add3A_31, %dma_start3A_36] : memref<10240x128xf32, #tpu.memory_space<vmem_shared>> -> memref<128x128xf32, #tpu.memory_space<vmem_shared>>
        %dma_start3A_38 = arith.constant 0 : i32
        %dma_start3A_39 = tpu.memref_slice %arg11[%add3A_31, %dma_start3A_38] : memref<10240x128xf32, #tpu.memory_space<vmem_shared>> -> memref<128x128xf32, #tpu.memory_space<vmem_shared>>
        %dma_start3A_40 = arith.constant 0 : i32
        %dma_start3A_41 = arith.constant 0 : i32
        %dma_start3A_42 = tpu.memref_slice %arg8[%run_scoped3A, %dma_start3A_40, %dma_start3A_41] : memref<2x128x128xf32, #tpu.memory_space<vmem>> -> memref<1x128x128xf32, #tpu.memory_space<vmem>>
        %dma_start3A_43 = tpu.memref_squeeze %dma_start3A_42 : memref<1x128x128xf32, #tpu.memory_space<vmem>> -> memref<128x128xf32, #tpu.memory_space<vmem>>
        tpu.enqueue_dma source(%dma_start3A_43 : memref<128x128xf32, #tpu.memory_space<vmem>>) target(%dma_start3A_39 : memref<128x128xf32, #tpu.memory_space<vmem_shared>>) target_semaphore(%run_scoped3A_32 : memref<!tpu.dma_semaphore, #tpu.memory_space<semaphore_mem>>)
        %dma_wait3A = arith.constant 0 : i32
        %dma_wait3A_44 = arith.constant 0 : i32
        %dma_wait3A_45 = tpu.memref_slice %arg8[%run_scoped3A, %dma_wait3A, %dma_wait3A_44] : memref<2x128x128xf32, #tpu.memory_space<vmem>> -> memref<1x128x128xf32, #tpu.memory_space<vmem>>
        %dma_wait3A_46 = tpu.memref_squeeze %dma_wait3A_45 : memref<1x128x128xf32, #tpu.memory_space<vmem>> -> memref<128x128xf32, #tpu.memory_space<vmem>>
        %dma_wait3A_47 = arith.constant 0 : i32
        %dma_wait3A_48 = tpu.memref_slice %arg11[%add3A_31, %dma_wait3A_47] : memref<10240x128xf32, #tpu.memory_space<vmem_shared>> -> memref<128x128xf32, #tpu.memory_space<vmem_shared>>
        %dma_wait3A_49 = arith.constant 0 : i32
        %dma_wait3A_50 = tpu.memref_slice %arg11[%add3A_31, %dma_wait3A_49] : memref<10240x128xf32, #tpu.memory_space<vmem_shared>> -> memref<128x128xf32, #tpu.memory_space<vmem_shared>>
        %dma_wait3A_51 = arith.constant 0 : i32
        %dma_wait3A_52 = arith.constant 0 : i32
        %dma_wait3A_53 = tpu.memref_slice %arg8[%run_scoped3A, %dma_wait3A_51, %dma_wait3A_52] : memref<2x128x128xf32, #tpu.memory_space<vmem>> -> memref<1x128x128xf32, #tpu.memory_space<vmem>>
        %dma_wait3A_54 = tpu.memref_squeeze %dma_wait3A_53 : memref<1x128x128xf32, #tpu.memory_space<vmem>> -> memref<128x128xf32, #tpu.memory_space<vmem>>
        tpu.wait_dma2 semaphore(%run_scoped3A_32 : memref<!tpu.dma_semaphore, #tpu.memory_space<semaphore_mem>>) src(%dma_wait3A_54 : memref<128x128xf32, #tpu.memory_space<vmem>>) dst(%dma_wait3A_50 : memref<128x128xf32, #tpu.memory_space<vmem_shared>>)
        tpu.yield
      }) : () -> ()
    }
    %scan3A_9 = arith.constant 5 : i32
    %barrier3A = arith.constant 0 : index
    tpu.barrier barrier_id(%barrier3A)
    %scan3A_10 = arith.constant 0 : i32
    %scan3A_11 = arith.constant 2 : i32
    %scan3A_12 = arith.addi %scan3A_10, %scan3A_11 : i32
    %scan3A_13 = arith.constant 1 : i32
    scf.for %scan3A_22 = %scan3A_10 to %scan3A_12 step %scan3A_13  : i32 {
      %mul3A_23 = arith.constant 1 : i32
      %mul3A_24 = arith.muli %scan3A_22, %mul3A_23 : i32
      %add3A_25 = arith.constant 0 : i32
      %add3A_26 = arith.addi %add3A_25, %mul3A_24 : i32
      %mul3A_27 = arith.constant 40 : i32
      %mul3A_28 = arith.muli %add3A_26, %mul3A_27 : i32
      "tpu.region"() ({
        %run_scoped3A = tpu.sem_alloc : memref<!tpu.dma_semaphore, #tpu.memory_space<semaphore_mem>>
        %dma_start3A_59 = arith.constant 0 : i32
        %dma_start3A_60 = tpu.memref_slice %arg3[%add3A, %mul3A_28, %dma_start3A_59] : memref<32x80x128xi32, #tpu.memory_space<hbm>> -> memref<1x40x128xi32, #tpu.memory_space<hbm>>
        %dma_start3A_61 = tpu.memref_squeeze %dma_start3A_60 : memref<1x40x128xi32, #tpu.memory_space<hbm>> -> memref<40x128xi32, #tpu.memory_space<hbm>>
        %dma_start3A_62 = arith.constant 0 : i32
        %dma_start3A_63 = tpu.memref_slice %arg3[%add3A, %mul3A_28, %dma_start3A_62] : memref<32x80x128xi32, #tpu.memory_space<hbm>> -> memref<1x40x128xi32, #tpu.memory_space<hbm>>
        %dma_start3A_64 = tpu.memref_squeeze %dma_start3A_63 : memref<1x40x128xi32, #tpu.memory_space<hbm>> -> memref<40x128xi32, #tpu.memory_space<hbm>>
        tpu.enqueue_dma source(%dma_start3A_64 : memref<40x128xi32, #tpu.memory_space<hbm>>) target(%arg6 : memref<40x128xi32, #tpu.memory_space<vmem>>) target_semaphore(%run_scoped3A : memref<!tpu.dma_semaphore, #tpu.memory_space<semaphore_mem>>)
        %dma_wait3A = arith.constant 0 : i32
        %dma_wait3A_65 = tpu.memref_slice %arg3[%add3A, %mul3A_28, %dma_wait3A] : memref<32x80x128xi32, #tpu.memory_space<hbm>> -> memref<1x40x128xi32, #tpu.memory_space<hbm>>
        %dma_wait3A_66 = tpu.memref_squeeze %dma_wait3A_65 : memref<1x40x128xi32, #tpu.memory_space<hbm>> -> memref<40x128xi32, #tpu.memory_space<hbm>>
        %dma_wait3A_67 = arith.constant 0 : i32
        %dma_wait3A_68 = tpu.memref_slice %arg3[%add3A, %mul3A_28, %dma_wait3A_67] : memref<32x80x128xi32, #tpu.memory_space<hbm>> -> memref<1x40x128xi32, #tpu.memory_space<hbm>>
        %dma_wait3A_69 = tpu.memref_squeeze %dma_wait3A_68 : memref<1x40x128xi32, #tpu.memory_space<hbm>> -> memref<40x128xi32, #tpu.memory_space<hbm>>
        tpu.wait_dma2 semaphore(%run_scoped3A : memref<!tpu.dma_semaphore, #tpu.memory_space<semaphore_mem>>) src(%dma_wait3A_69 : memref<40x128xi32, #tpu.memory_space<hbm>>) dst(%arg6 : memref<40x128xi32, #tpu.memory_space<vmem>>)
        tpu.yield
      }) : () -> ()
      %mul3A_29 = arith.constant 40 : i32
      %mul3A_30 = arith.muli %add3A_26, %mul3A_29 : i32
      "tpu.region"() ({
        %run_scoped3A = tpu.sem_alloc : memref<!tpu.dma_semaphore, #tpu.memory_space<semaphore_mem>>
        %dma_start3A_59 = arith.constant 0 : i32
        %dma_start3A_60 = tpu.memref_slice %arg4[%add3A, %mul3A_30, %dma_start3A_59] : memref<32x80x128xi32, #tpu.memory_space<hbm>> -> memref<1x40x128xi32, #tpu.memory_space<hbm>>
        %dma_start3A_61 = tpu.memref_squeeze %dma_start3A_60 : memref<1x40x128xi32, #tpu.memory_space<hbm>> -> memref<40x128xi32, #tpu.memory_space<hbm>>
        %dma_start3A_62 = arith.constant 0 : i32
        %dma_start3A_63 = tpu.memref_slice %arg4[%add3A, %mul3A_30, %dma_start3A_62] : memref<32x80x128xi32, #tpu.memory_space<hbm>> -> memref<1x40x128xi32, #tpu.memory_space<hbm>>
        %dma_start3A_64 = tpu.memref_squeeze %dma_start3A_63 : memref<1x40x128xi32, #tpu.memory_space<hbm>> -> memref<40x128xi32, #tpu.memory_space<hbm>>
        tpu.enqueue_dma source(%dma_start3A_64 : memref<40x128xi32, #tpu.memory_space<hbm>>) target(%arg7 : memref<40x128xi32, #tpu.memory_space<vmem>>) target_semaphore(%run_scoped3A : memref<!tpu.dma_semaphore, #tpu.memory_space<semaphore_mem>>)
        %dma_wait3A = arith.constant 0 : i32
        %dma_wait3A_65 = tpu.memref_slice %arg4[%add3A, %mul3A_30, %dma_wait3A] : memref<32x80x128xi32, #tpu.memory_space<hbm>> -> memref<1x40x128xi32, #tpu.memory_space<hbm>>
        %dma_wait3A_66 = tpu.memref_squeeze %dma_wait3A_65 : memref<1x40x128xi32, #tpu.memory_space<hbm>> -> memref<40x128xi32, #tpu.memory_space<hbm>>
        %dma_wait3A_67 = arith.constant 0 : i32
        %dma_wait3A_68 = tpu.memref_slice %arg4[%add3A, %mul3A_30, %dma_wait3A_67] : memref<32x80x128xi32, #tpu.memory_space<hbm>> -> memref<1x40x128xi32, #tpu.memory_space<hbm>>
        %dma_wait3A_69 = tpu.memref_squeeze %dma_wait3A_68 : memref<1x40x128xi32, #tpu.memory_space<hbm>> -> memref<40x128xi32, #tpu.memory_space<hbm>>
        tpu.wait_dma2 semaphore(%run_scoped3A : memref<!tpu.dma_semaphore, #tpu.memory_space<semaphore_mem>>) src(%dma_wait3A_69 : memref<40x128xi32, #tpu.memory_space<hbm>>) dst(%arg7 : memref<40x128xi32, #tpu.memory_space<vmem>>)
        tpu.yield
      }) : () -> ()
      %dma_start3A = arith.constant 0 : i32
      %dma_start3A_31 = arith.constant 0 : i32
      %dma_start3A_32 = arith.constant 0 : i32
      %dma_start3A_33 = arith.constant 0 : i32
      %dma_start3A_34 = tpu.memref_slice %arg8[%dma_start3A_31, %dma_start3A_32, %dma_start3A_33] : memref<2x128x128xf32, #tpu.memory_space<vmem>> -> memref<1x128x128xf32, #tpu.memory_space<vmem>>
      %dma_start3A_35 = tpu.memref_squeeze %dma_start3A_34 : memref<1x128x128xf32, #tpu.memory_space<vmem>> -> memref<128x128xf32, #tpu.memory_space<vmem>>
      %dma_start3A_36 = arith.constant 0 : i32
      %dma_start3A_37 = tpu.memref_slice %arg6[%dma_start3A, %dma_start3A_36] : memref<40x128xi32, #tpu.memory_space<vmem>> -> memref<1x128xi32, #tpu.memory_space<vmem>>
      %dma_start3A_38 = tpu.memref_squeeze %dma_start3A_37 : memref<1x128xi32, #tpu.memory_space<vmem>> -> memref<128xi32, #tpu.memory_space<vmem>>
      %dma_start3A_39 = arith.constant 0 : i32
      %dma_start3A_40 = arith.constant 0 : i32
      %dma_start3A_41 = tpu.memref_slice %arg2[%dma_start3A_39, %dma_start3A_40] : memref<10000x128xf32, #tpu.memory_space<hbm>> -> memref<10000x128xf32, #tpu.memory_space<hbm>>
      tpu.enqueue_indirect_dma source(%dma_start3A_41 : memref<10000x128xf32, #tpu.memory_space<hbm>>) target(%dma_start3A_35 : memref<128x128xf32, #tpu.memory_space<vmem>>) offsets(%dma_start3A_38 : memref<128xi32, #tpu.memory_space<vmem>>) semaphore(%arg9 : memref<!tpu.dma_semaphore, #tpu.memory_space<semaphore_mem>>)
      %dma_start3A_42 = arith.constant 1 : i32
      %dma_start3A_43 = arith.constant 1 : i32
      %dma_start3A_44 = arith.constant 0 : i32
      %dma_start3A_45 = arith.constant 0 : i32
      %dma_start3A_46 = tpu.memref_slice %arg8[%dma_start3A_43, %dma_start3A_44, %dma_start3A_45] : memref<2x128x128xf32, #tpu.memory_space<vmem>> -> memref<1x128x128xf32, #tpu.memory_space<vmem>>
      %dma_start3A_47 = tpu.memref_squeeze %dma_start3A_46 : memref<1x128x128xf32, #tpu.memory_space<vmem>> -> memref<128x128xf32, #tpu.memory_space<vmem>>
      %dma_start3A_48 = arith.constant 0 : i32
      %dma_start3A_49 = tpu.memref_slice %arg6[%dma_start3A_42, %dma_start3A_48] : memref<40x128xi32, #tpu.memory_space<vmem>> -> memref<1x128xi32, #tpu.memory_space<vmem>>
      %dma_start3A_50 = tpu.memref_squeeze %dma_start3A_49 : memref<1x128xi32, #tpu.memory_space<vmem>> -> memref<128xi32, #tpu.memory_space<vmem>>
      %dma_start3A_51 = arith.constant 0 : i32
      %dma_start3A_52 = arith.constant 0 : i32
      %dma_start3A_53 = tpu.memref_slice %arg2[%dma_start3A_51, %dma_start3A_52] : memref<10000x128xf32, #tpu.memory_space<hbm>> -> memref<10000x128xf32, #tpu.memory_space<hbm>>
      tpu.enqueue_indirect_dma source(%dma_start3A_53 : memref<10000x128xf32, #tpu.memory_space<hbm>>) target(%dma_start3A_47 : memref<128x128xf32, #tpu.memory_space<vmem>>) offsets(%dma_start3A_50 : memref<128xi32, #tpu.memory_space<vmem>>) semaphore(%arg10 : memref<!tpu.dma_semaphore, #tpu.memory_space<semaphore_mem>>)
      %scan3A_54 = arith.constant 0 : i32
      %scan3A_55 = arith.constant 20 : i32
      %scan3A_56 = arith.addi %scan3A_54, %scan3A_55 : i32
      %scan3A_57 = arith.constant 1 : i32
      scf.for %scan3A_59 = %scan3A_54 to %scan3A_56 step %scan3A_57  : i32 {
        %mul3A_60 = arith.constant 2 : i32
        %mul3A_61 = arith.muli %scan3A_59, %mul3A_60 : i32
        %add3A_62 = arith.constant 0 : i32
        %add3A_63 = arith.addi %add3A_62, %mul3A_61 : i32
        %dma_wait3A = arith.constant 0 : i32
        %dma_wait3A_64 = arith.constant 0 : i32
        %dma_wait3A_65 = arith.constant 0 : i32
        %dma_wait3A_66 = arith.constant 0 : i32
        %dma_wait3A_67 = tpu.memref_slice %arg8[%dma_wait3A_64, %dma_wait3A_65, %dma_wait3A_66] : memref<2x128x128xf32, #tpu.memory_space<vmem>> -> memref<1x128x128xf32, #tpu.memory_space<vmem>>
        %dma_wait3A_68 = tpu.memref_squeeze %dma_wait3A_67 : memref<1x128x128xf32, #tpu.memory_space<vmem>> -> memref<128x128xf32, #tpu.memory_space<vmem>>
        %dma_wait3A_69 = arith.constant 0 : i32
        %dma_wait3A_70 = tpu.memref_slice %arg6[%dma_wait3A, %dma_wait3A_69] : memref<40x128xi32, #tpu.memory_space<vmem>> -> memref<1x128xi32, #tpu.memory_space<vmem>>
        %dma_wait3A_71 = tpu.memref_squeeze %dma_wait3A_70 : memref<1x128xi32, #tpu.memory_space<vmem>> -> memref<128xi32, #tpu.memory_space<vmem>>
        %dma_wait3A_72 = arith.constant 0 : i32
        %dma_wait3A_73 = arith.constant 0 : i32
        %dma_wait3A_74 = tpu.memref_slice %arg2[%dma_wait3A_72, %dma_wait3A_73] : memref<10000x128xf32, #tpu.memory_space<hbm>> -> memref<10000x128xf32, #tpu.memory_space<hbm>>
        tpu.wait_indirect_dma semaphore(%arg9 : memref<!tpu.dma_semaphore, #tpu.memory_space<semaphore_mem>>) src(%dma_wait3A_74 : memref<10000x128xf32, #tpu.memory_space<hbm>>) dst(%dma_wait3A_68 : memref<128x128xf32, #tpu.memory_space<vmem>>)
        %add3A_75 = arith.constant 0 : i32
        %add3A_76 = arith.addi %add3A_63, %add3A_75 : i32
        %run_scoped3A = arith.constant 0 : i32
        "tpu.region"() ({
          %run_scoped3A_109 = tpu.sem_alloc : memref<!tpu.dma_semaphore, #tpu.memory_space<semaphore_mem>>
          %dma_start3A_110 = arith.constant 0 : i32
          %dma_start3A_111 = arith.constant 0 : i32
          %dma_start3A_112 = tpu.memref_slice %arg8[%run_scoped3A, %dma_start3A_110, %dma_start3A_111] : memref<2x128x128xf32, #tpu.memory_space<vmem>> -> memref<1x128x128xf32, #tpu.memory_space<vmem>>
          %dma_start3A_113 = tpu.memref_squeeze %dma_start3A_112 : memref<1x128x128xf32, #tpu.memory_space<vmem>> -> memref<128x128xf32, #tpu.memory_space<vmem>>
          %dma_start3A_114 = arith.constant 0 : i32
          %dma_start3A_115 = tpu.memref_slice %arg7[%add3A_76, %dma_start3A_114] : memref<40x128xi32, #tpu.memory_space<vmem>> -> memref<1x128xi32, #tpu.memory_space<vmem>>
          %dma_start3A_116 = tpu.memref_squeeze %dma_start3A_115 : memref<1x128xi32, #tpu.memory_space<vmem>> -> memref<128xi32, #tpu.memory_space<vmem>>
          %dma_start3A_117 = arith.constant 0 : i32
          %dma_start3A_118 = arith.constant 0 : i32
          %dma_start3A_119 = tpu.memref_slice %arg11[%dma_start3A_117, %dma_start3A_118] : memref<10240x128xf32, #tpu.memory_space<vmem_shared>> -> memref<10240x128xf32, #tpu.memory_space<vmem_shared>>
          tpu.enqueue_indirect_dma source(%dma_start3A_113 : memref<128x128xf32, #tpu.memory_space<vmem>>) target(%dma_start3A_119 : memref<10240x128xf32, #tpu.memory_space<vmem_shared>>) offsets(%dma_start3A_116 : memref<128xi32, #tpu.memory_space<vmem>>) semaphore(%run_scoped3A_109 : memref<!tpu.dma_semaphore, #tpu.memory_space<semaphore_mem>>) {add = true}
          %dma_wait3A_120 = arith.constant 0 : i32
          %dma_wait3A_121 = arith.constant 0 : i32
          %dma_wait3A_122 = tpu.memref_slice %arg8[%run_scoped3A, %dma_wait3A_120, %dma_wait3A_121] : memref<2x128x128xf32, #tpu.memory_space<vmem>> -> memref<1x128x128xf32, #tpu.memory_space<vmem>>
          %dma_wait3A_123 = tpu.memref_squeeze %dma_wait3A_122 : memref<1x128x128xf32, #tpu.memory_space<vmem>> -> memref<128x128xf32, #tpu.memory_space<vmem>>
          %dma_wait3A_124 = arith.constant 0 : i32
          %dma_wait3A_125 = tpu.memref_slice %arg7[%add3A_76, %dma_wait3A_124] : memref<40x128xi32, #tpu.memory_space<vmem>> -> memref<1x128xi32, #tpu.memory_space<vmem>>
          %dma_wait3A_126 = tpu.memref_squeeze %dma_wait3A_125 : memref<1x128xi32, #tpu.memory_space<vmem>> -> memref<128xi32, #tpu.memory_space<vmem>>
          %dma_wait3A_127 = arith.constant 0 : i32
          %dma_wait3A_128 = arith.constant 0 : i32
          %dma_wait3A_129 = tpu.memref_slice %arg11[%dma_wait3A_127, %dma_wait3A_128] : memref<10240x128xf32, #tpu.memory_space<vmem_shared>> -> memref<10240x128xf32, #tpu.memory_space<vmem_shared>>
          tpu.wait_indirect_dma semaphore(%run_scoped3A_109 : memref<!tpu.dma_semaphore, #tpu.memory_space<semaphore_mem>>) src(%dma_wait3A_123 : memref<128x128xf32, #tpu.memory_space<vmem>>) dst(%dma_wait3A_129 : memref<10240x128xf32, #tpu.memory_space<vmem_shared>>)
          tpu.yield
        }) : () -> ()
        %add3A_77 = arith.constant 0 : i32
        %add3A_78 = arith.addi %add3A_63, %add3A_77 : i32
        %add3A_79 = arith.constant 2 : i32
        %add3A_80 = arith.addi %add3A_78, %add3A_79 : i32
        %lt3A = arith.constant 40 : i32
        %lt3A_81 = arith.cmpi slt, %add3A_80, %lt3A : i32
        %convert_element_type3A_82 = arith.extui %lt3A_81 : i1 to i32
        %cond3A_83 = arith.constant 0 : i32
        %cond3A_84 = arith.cmpi ne, %convert_element_type3A_82, %cond3A_83 : i32
        scf.if %cond3A_84 {
          %add3A_109 = arith.constant 0 : i32
          %add3A_110 = arith.addi %add3A_63, %add3A_109 : i32
          %add3A_111 = arith.constant 2 : i32
          %add3A_112 = arith.addi %add3A_110, %add3A_111 : i32
          %dma_start3A_113 = arith.constant 0 : i32
          %dma_start3A_114 = arith.constant 0 : i32
          %dma_start3A_115 = arith.constant 0 : i32
          %dma_start3A_116 = tpu.memref_slice %arg8[%dma_start3A_113, %dma_start3A_114, %dma_start3A_115] : memref<2x128x128xf32, #tpu.memory_space<vmem>> -> memref<1x128x128xf32, #tpu.memory_space<vmem>>
          %dma_start3A_117 = tpu.memref_squeeze %dma_start3A_116 : memref<1x128x128xf32, #tpu.memory_space<vmem>> -> memref<128x128xf32, #tpu.memory_space<vmem>>
          %dma_start3A_118 = arith.constant 0 : i32
          %dma_start3A_119 = tpu.memref_slice %arg6[%add3A_112, %dma_start3A_118] : memref<40x128xi32, #tpu.memory_space<vmem>> -> memref<1x128xi32, #tpu.memory_space<vmem>>
          %dma_start3A_120 = tpu.memref_squeeze %dma_start3A_119 : memref<1x128xi32, #tpu.memory_space<vmem>> -> memref<128xi32, #tpu.memory_space<vmem>>
          %dma_start3A_121 = arith.constant 0 : i32
          %dma_start3A_122 = arith.constant 0 : i32
          %dma_start3A_123 = tpu.memref_slice %arg2[%dma_start3A_121, %dma_start3A_122] : memref<10000x128xf32, #tpu.memory_space<hbm>> -> memref<10000x128xf32, #tpu.memory_space<hbm>>
          tpu.enqueue_indirect_dma source(%dma_start3A_123 : memref<10000x128xf32, #tpu.memory_space<hbm>>) target(%dma_start3A_117 : memref<128x128xf32, #tpu.memory_space<vmem>>) offsets(%dma_start3A_120 : memref<128xi32, #tpu.memory_space<vmem>>) semaphore(%arg9 : memref<!tpu.dma_semaphore, #tpu.memory_space<semaphore_mem>>)
        } else {
        }
        %dma_wait3A_85 = arith.constant 1 : i32
        %dma_wait3A_86 = arith.constant 1 : i32
        %dma_wait3A_87 = arith.constant 0 : i32
        %dma_wait3A_88 = arith.constant 0 : i32
        %dma_wait3A_89 = tpu.memref_slice %arg8[%dma_wait3A_86, %dma_wait3A_87, %dma_wait3A_88] : memref<2x128x128xf32, #tpu.memory_space<vmem>> -> memref<1x128x128xf32, #tpu.memory_space<vmem>>
        %dma_wait3A_90 = tpu.memref_squeeze %dma_wait3A_89 : memref<1x128x128xf32, #tpu.memory_space<vmem>> -> memref<128x128xf32, #tpu.memory_space<vmem>>
        %dma_wait3A_91 = arith.constant 0 : i32
        %dma_wait3A_92 = tpu.memref_slice %arg6[%dma_wait3A_85, %dma_wait3A_91] : memref<40x128xi32, #tpu.memory_space<vmem>> -> memref<1x128xi32, #tpu.memory_space<vmem>>
        %dma_wait3A_93 = tpu.memref_squeeze %dma_wait3A_92 : memref<1x128xi32, #tpu.memory_space<vmem>> -> memref<128xi32, #tpu.memory_space<vmem>>
        %dma_wait3A_94 = arith.constant 0 : i32
        %dma_wait3A_95 = arith.constant 0 : i32
        %dma_wait3A_96 = tpu.memref_slice %arg2[%dma_wait3A_94, %dma_wait3A_95] : memref<10000x128xf32, #tpu.memory_space<hbm>> -> memref<10000x128xf32, #tpu.memory_space<hbm>>
        tpu.wait_indirect_dma semaphore(%arg10 : memref<!tpu.dma_semaphore, #tpu.memory_space<semaphore_mem>>) src(%dma_wait3A_96 : memref<10000x128xf32, #tpu.memory_space<hbm>>) dst(%dma_wait3A_90 : memref<128x128xf32, #tpu.memory_space<vmem>>)
        %add3A_97 = arith.constant 1 : i32
        %add3A_98 = arith.addi %add3A_63, %add3A_97 : i32
        %run_scoped3A_99 = arith.constant 1 : i32
        "tpu.region"() ({
          %run_scoped3A_109 = tpu.sem_alloc : memref<!tpu.dma_semaphore, #tpu.memory_space<semaphore_mem>>
          %dma_start3A_110 = arith.constant 0 : i32
          %dma_start3A_111 = arith.constant 0 : i32
          %dma_start3A_112 = tpu.memref_slice %arg8[%run_scoped3A_99, %dma_start3A_110, %dma_start3A_111] : memref<2x128x128xf32, #tpu.memory_space<vmem>> -> memref<1x128x128xf32, #tpu.memory_space<vmem>>
          %dma_start3A_113 = tpu.memref_squeeze %dma_start3A_112 : memref<1x128x128xf32, #tpu.memory_space<vmem>> -> memref<128x128xf32, #tpu.memory_space<vmem>>
          %dma_start3A_114 = arith.constant 0 : i32
          %dma_start3A_115 = tpu.memref_slice %arg7[%add3A_98, %dma_start3A_114] : memref<40x128xi32, #tpu.memory_space<vmem>> -> memref<1x128xi32, #tpu.memory_space<vmem>>
          %dma_start3A_116 = tpu.memref_squeeze %dma_start3A_115 : memref<1x128xi32, #tpu.memory_space<vmem>> -> memref<128xi32, #tpu.memory_space<vmem>>
          %dma_start3A_117 = arith.constant 0 : i32
          %dma_start3A_118 = arith.constant 0 : i32
          %dma_start3A_119 = tpu.memref_slice %arg11[%dma_start3A_117, %dma_start3A_118] : memref<10240x128xf32, #tpu.memory_space<vmem_shared>> -> memref<10240x128xf32, #tpu.memory_space<vmem_shared>>
          tpu.enqueue_indirect_dma source(%dma_start3A_113 : memref<128x128xf32, #tpu.memory_space<vmem>>) target(%dma_start3A_119 : memref<10240x128xf32, #tpu.memory_space<vmem_shared>>) offsets(%dma_start3A_116 : memref<128xi32, #tpu.memory_space<vmem>>) semaphore(%run_scoped3A_109 : memref<!tpu.dma_semaphore, #tpu.memory_space<semaphore_mem>>) {add = true}
          %dma_wait3A_120 = arith.constant 0 : i32
          %dma_wait3A_121 = arith.constant 0 : i32
          %dma_wait3A_122 = tpu.memref_slice %arg8[%run_scoped3A_99, %dma_wait3A_120, %dma_wait3A_121] : memref<2x128x128xf32, #tpu.memory_space<vmem>> -> memref<1x128x128xf32, #tpu.memory_space<vmem>>
          %dma_wait3A_123 = tpu.memref_squeeze %dma_wait3A_122 : memref<1x128x128xf32, #tpu.memory_space<vmem>> -> memref<128x128xf32, #tpu.memory_space<vmem>>
          %dma_wait3A_124 = arith.constant 0 : i32
          %dma_wait3A_125 = tpu.memref_slice %arg7[%add3A_98, %dma_wait3A_124] : memref<40x128xi32, #tpu.memory_space<vmem>> -> memref<1x128xi32, #tpu.memory_space<vmem>>
          %dma_wait3A_126 = tpu.memref_squeeze %dma_wait3A_125 : memref<1x128xi32, #tpu.memory_space<vmem>> -> memref<128xi32, #tpu.memory_space<vmem>>
          %dma_wait3A_127 = arith.constant 0 : i32
          %dma_wait3A_128 = arith.constant 0 : i32
          %dma_wait3A_129 = tpu.memref_slice %arg11[%dma_wait3A_127, %dma_wait3A_128] : memref<10240x128xf32, #tpu.memory_space<vmem_shared>> -> memref<10240x128xf32, #tpu.memory_space<vmem_shared>>
          tpu.wait_indirect_dma semaphore(%run_scoped3A_109 : memref<!tpu.dma_semaphore, #tpu.memory_space<semaphore_mem>>) src(%dma_wait3A_123 : memref<128x128xf32, #tpu.memory_space<vmem>>) dst(%dma_wait3A_129 : memref<10240x128xf32, #tpu.memory_space<vmem_shared>>)
          tpu.yield
        }) : () -> ()
        %add3A_100 = arith.constant 1 : i32
        %add3A_101 = arith.addi %add3A_63, %add3A_100 : i32
        %add3A_102 = arith.constant 2 : i32
        %add3A_103 = arith.addi %add3A_101, %add3A_102 : i32
        %lt3A_104 = arith.constant 40 : i32
        %lt3A_105 = arith.cmpi slt, %add3A_103, %lt3A_104 : i32
        %convert_element_type3A_106 = arith.extui %lt3A_105 : i1 to i32
        %cond3A_107 = arith.constant 0 : i32
        %cond3A_108 = arith.cmpi ne, %convert_element_type3A_106, %cond3A_107 : i32
        scf.if %cond3A_108 {
          %add3A_109 = arith.constant 1 : i32
          %add3A_110 = arith.addi %add3A_63, %add3A_109 : i32
          %add3A_111 = arith.constant 2 : i32
          %add3A_112 = arith.addi %add3A_110, %add3A_111 : i32
          %dma_start3A_113 = arith.constant 1 : i32
          %dma_start3A_114 = arith.constant 0 : i32
          %dma_start3A_115 = arith.constant 0 : i32
          %dma_start3A_116 = tpu.memref_slice %arg8[%dma_start3A_113, %dma_start3A_114, %dma_start3A_115] : memref<2x128x128xf32, #tpu.memory_space<vmem>> -> memref<1x128x128xf32, #tpu.memory_space<vmem>>
          %dma_start3A_117 = tpu.memref_squeeze %dma_start3A_116 : memref<1x128x128xf32, #tpu.memory_space<vmem>> -> memref<128x128xf32, #tpu.memory_space<vmem>>
          %dma_start3A_118 = arith.constant 0 : i32
          %dma_start3A_119 = tpu.memref_slice %arg6[%add3A_112, %dma_start3A_118] : memref<40x128xi32, #tpu.memory_space<vmem>> -> memref<1x128xi32, #tpu.memory_space<vmem>>
          %dma_start3A_120 = tpu.memref_squeeze %dma_start3A_119 : memref<1x128xi32, #tpu.memory_space<vmem>> -> memref<128xi32, #tpu.memory_space<vmem>>
          %dma_start3A_121 = arith.constant 0 : i32
          %dma_start3A_122 = arith.constant 0 : i32
          %dma_start3A_123 = tpu.memref_slice %arg2[%dma_start3A_121, %dma_start3A_122] : memref<10000x128xf32, #tpu.memory_space<hbm>> -> memref<10000x128xf32, #tpu.memory_space<hbm>>
          tpu.enqueue_indirect_dma source(%dma_start3A_123 : memref<10000x128xf32, #tpu.memory_space<hbm>>) target(%dma_start3A_117 : memref<128x128xf32, #tpu.memory_space<vmem>>) offsets(%dma_start3A_120 : memref<128xi32, #tpu.memory_space<vmem>>) semaphore(%arg10 : memref<!tpu.dma_semaphore, #tpu.memory_space<semaphore_mem>>)
        } else {
        }
      }
      %scan3A_58 = arith.constant 20 : i32
    }
    %scan3A_14 = arith.constant 2 : i32
    %barrier3A_15 = arith.constant 0 : index
    tpu.barrier barrier_id(%barrier3A_15)
    %mul3A_16 = arith.constant 624 : i32
    %mul3A_17 = arith.muli %arg1, %mul3A_16 : i32
    %mul3A_18 = arith.constant 624 : i32
    %mul3A_19 = arith.muli %arg1, %mul3A_18 : i32
    "tpu.region"() ({
      %run_scoped3A = tpu.sem_alloc : memref<!tpu.dma_semaphore, #tpu.memory_space<semaphore_mem>>
      %dma_start3A = arith.constant 0 : i32
      %dma_start3A_22 = tpu.memref_slice %arg5[%arg0, %mul3A_19, %dma_start3A] : memref<2x10000x128xf32, #tpu.memory_space<hbm>> -> memref<1x624x128xf32, #tpu.memory_space<hbm>>
      %dma_start3A_23 = tpu.memref_squeeze %dma_start3A_22 : memref<1x624x128xf32, #tpu.memory_space<hbm>> -> memref<624x128xf32, #tpu.memory_space<hbm>>
      %dma_start3A_24 = arith.constant 0 : i32
      %dma_start3A_25 = tpu.memref_slice %arg11[%mul3A_17, %dma_start3A_24] : memref<10240x128xf32, #tpu.memory_space<vmem_shared>> -> memref<624x128xf32, #tpu.memory_space<vmem_shared>>
      tpu.enqueue_dma source(%dma_start3A_25 : memref<624x128xf32, #tpu.memory_space<vmem_shared>>) target(%dma_start3A_23 : memref<624x128xf32, #tpu.memory_space<hbm>>) target_semaphore(%run_scoped3A : memref<!tpu.dma_semaphore, #tpu.memory_space<semaphore_mem>>)
      %dma_wait3A = arith.constant 0 : i32
      %dma_wait3A_26 = tpu.memref_slice %arg5[%arg0, %mul3A_19, %dma_wait3A] : memref<2x10000x128xf32, #tpu.memory_space<hbm>> -> memref<1x624x128xf32, #tpu.memory_space<hbm>>
      %dma_wait3A_27 = tpu.memref_squeeze %dma_wait3A_26 : memref<1x624x128xf32, #tpu.memory_space<hbm>> -> memref<624x128xf32, #tpu.memory_space<hbm>>
      %dma_wait3A_28 = arith.constant 0 : i32
      %dma_wait3A_29 = tpu.memref_slice %arg11[%mul3A_17, %dma_wait3A_28] : memref<10240x128xf32, #tpu.memory_space<vmem_shared>> -> memref<624x128xf32, #tpu.memory_space<vmem_shared>>
      tpu.wait_dma2 semaphore(%run_scoped3A : memref<!tpu.dma_semaphore, #tpu.memory_space<semaphore_mem>>) src(%dma_wait3A_29 : memref<624x128xf32, #tpu.memory_space<vmem_shared>>) dst(%dma_wait3A_27 : memref<624x128xf32, #tpu.memory_space<hbm>>)
      tpu.yield
    }) : () -> ()
    %eq3A = arith.constant 0 : i32
    %eq3A_20 = arith.cmpi eq, %arg1, %eq3A : i32
    %convert_element_type3A = arith.extui %eq3A_20 : i1 to i32
    %cond3A = arith.constant 0 : i32
    %cond3A_21 = arith.cmpi ne, %convert_element_type3A, %cond3A : i32
    scf.if %cond3A_21 {
      "tpu.region"() ({
        %run_scoped3A = tpu.sem_alloc : memref<!tpu.dma_semaphore, #tpu.memory_space<semaphore_mem>>
        %dma_start3A = arith.constant 9984 : i32
        %dma_start3A_22 = arith.constant 0 : i32
        %dma_start3A_23 = tpu.memref_slice %arg5[%arg0, %dma_start3A, %dma_start3A_22] : memref<2x10000x128xf32, #tpu.memory_space<hbm>> -> memref<1x16x128xf32, #tpu.memory_space<hbm>>
        %dma_start3A_24 = tpu.memref_squeeze %dma_start3A_23 : memref<1x16x128xf32, #tpu.memory_space<hbm>> -> memref<16x128xf32, #tpu.memory_space<hbm>>
        %dma_start3A_25 = arith.constant 9984 : i32
        %dma_start3A_26 = arith.constant 0 : i32
        %dma_start3A_27 = tpu.memref_slice %arg11[%dma_start3A_25, %dma_start3A_26] : memref<10240x128xf32, #tpu.memory_space<vmem_shared>> -> memref<16x128xf32, #tpu.memory_space<vmem_shared>>
        tpu.enqueue_dma source(%dma_start3A_27 : memref<16x128xf32, #tpu.memory_space<vmem_shared>>) target(%dma_start3A_24 : memref<16x128xf32, #tpu.memory_space<hbm>>) target_semaphore(%run_scoped3A : memref<!tpu.dma_semaphore, #tpu.memory_space<semaphore_mem>>)
        %dma_wait3A = arith.constant 9984 : i32
        %dma_wait3A_28 = arith.constant 0 : i32
        %dma_wait3A_29 = tpu.memref_slice %arg5[%arg0, %dma_wait3A, %dma_wait3A_28] : memref<2x10000x128xf32, #tpu.memory_space<hbm>> -> memref<1x16x128xf32, #tpu.memory_space<hbm>>
        %dma_wait3A_30 = tpu.memref_squeeze %dma_wait3A_29 : memref<1x16x128xf32, #tpu.memory_space<hbm>> -> memref<16x128xf32, #tpu.memory_space<hbm>>
        %dma_wait3A_31 = arith.constant 9984 : i32
        %dma_wait3A_32 = arith.constant 0 : i32
        %dma_wait3A_33 = tpu.memref_slice %arg11[%dma_wait3A_31, %dma_wait3A_32] : memref<10240x128xf32, #tpu.memory_space<vmem_shared>> -> memref<16x128xf32, #tpu.memory_space<vmem_shared>>
        tpu.wait_dma2 semaphore(%run_scoped3A : memref<!tpu.dma_semaphore, #tpu.memory_space<semaphore_mem>>) src(%dma_wait3A_33 : memref<16x128xf32, #tpu.memory_space<vmem_shared>>) dst(%dma_wait3A_30 : memref<16x128xf32, #tpu.memory_space<hbm>>)
        tpu.yield
      }) : () -> ()
    } else {
    }
    return
  }
}

module attributes {stable_mosaic.version = 14 : i64} {
  func.func @_mm1_body(%arg0: i32, %arg1: memref<2000x128xf32, #tpu.memory_space<vmem>>, %arg2: memref<2000x128xf32, #tpu.memory_space<vmem>>, %arg3: memref<2000x128xf32, #tpu.memory_space<vmem>>, %arg4: memref<128x128xf32, #tpu.memory_space<vmem>>, %arg5: memref<1x128xf32, #tpu.memory_space<vmem>>, %arg6: memref<2000x128xf32, #tpu.memory_space<vmem>>, %arg7: memref<1x128xf32, #tpu.memory_space<vmem>>, %arg8: memref<1x128xf32, #tpu.memory_space<vmem>>) attributes {dimension_semantics = [#tpu.dimension_semantics<arbitrary>], iteration_bounds = array<i64: 5>, scalar_prefetch = 0 : i64, scratch_operands = 0 : i64, tpu.core_type = #tpu.core_type<tc>, window_params = [{transform_indices = @transform_0, window_bounds = array<i64: 2000, 128>}, {transform_indices = @transform_1, window_bounds = array<i64: 2000, 128>}, {transform_indices = @transform_2, window_bounds = array<i64: 2000, 128>}, {pipeline_mode = #tpu.pipeline_mode<synchronous>, transform_indices = @transform_3, window_bounds = array<i64: 128, 128>}, {pipeline_mode = #tpu.pipeline_mode<synchronous>, transform_indices = @transform_4, window_bounds = array<i64: 1, 128>}, {transform_indices = @transform_5, window_bounds = array<i64: 2000, 128>}, {pipeline_mode = #tpu.pipeline_mode<synchronous>, transform_indices = @transform_6, window_bounds = array<i64: 1, 128>}, {pipeline_mode = #tpu.pipeline_mode<synchronous>, transform_indices = @transform_7, window_bounds = array<i64: 1, 128>}]} {
    %get3A = arith.constant 0 : index
    %get3A_0 = arith.constant 0 : index
    %get3A_1 = vector.load %arg1[%get3A, %get3A_0] : memref<2000x128xf32, #tpu.memory_space<vmem>>, vector<2000x128xf32>
    %get3A_2 = arith.constant 0 : index
    %get3A_3 = arith.constant 0 : index
    %get3A_4 = vector.load %arg2[%get3A_2, %get3A_3] : memref<2000x128xf32, #tpu.memory_space<vmem>>, vector<2000x128xf32>
    %add3A = arith.addf %get3A_1, %get3A_4 : vector<2000x128xf32>
    %get3A_5 = arith.constant 0 : index
    %get3A_6 = arith.constant 0 : index
    %get3A_7 = vector.load %arg3[%get3A_5, %get3A_6] : memref<2000x128xf32, #tpu.memory_space<vmem>>, vector<2000x128xf32>
    %add3A_8 = arith.addf %add3A, %get3A_7 : vector<2000x128xf32>
    %get3A_9 = arith.constant 0 : index
    %get3A_10 = arith.constant 0 : index
    %get3A_11 = vector.load %arg4[%get3A_9, %get3A_10] : memref<128x128xf32, #tpu.memory_space<vmem>>, vector<128x128xf32>
    %dot_general3A = arith.constant dense<0.000000e+00> : vector<2000x128xf32>
    %dot_general3A_12 = tpu.matmul %add3A_8, %get3A_11, %dot_general3A {dimension_numbers = #tpu.dot_dimension_numbers<[1], [0], [0], [1], [0, 0, 1, 1], [], []>, precision = #tpu.contract_precision<fp32>, transpose_lhs_hint = false} : vector<2000x128xf32>, vector<128x128xf32>, vector<2000x128xf32> -> vector<2000x128xf32>
    %get3A_13 = arith.constant 0 : index
    %get3A_14 = arith.constant 0 : index
    %get3A_15 = vector.load %arg5[%get3A_13, %get3A_14] : memref<1x128xf32, #tpu.memory_space<vmem>>, vector<1x128xf32>
    %add3A_16 = vector.broadcast %get3A_15 : vector<1x128xf32> to vector<2000x128xf32>
    %add3A_17 = arith.addf %dot_general3A_12, %add3A_16 : vector<2000x128xf32>
    %swap3A = arith.constant 0 : index
    %swap3A_18 = arith.constant 0 : index
    %swap3A_19 = vector.load %arg6[%swap3A, %swap3A_18] : memref<2000x128xf32, #tpu.memory_space<vmem>>, vector<2000x128xf32>
    tpu.vector_store %arg6[%swap3A, %swap3A_18], %add3A_17 {strides = array<i32>} : memref<2000x128xf32, #tpu.memory_space<vmem>>, vector<2000x128xf32>,
    %eq3A = arith.constant 0 : i32
    %eq3A_20 = arith.cmpi eq, %arg0, %eq3A : i32
    %convert_element_type3A = arith.extui %eq3A_20 : i1 to i32
    %cond3A = arith.constant 0 : i32
    %cond3A_21 = arith.cmpi ne, %convert_element_type3A, %cond3A : i32
    scf.if %cond3A_21 {
      %broadcast_in_dim3A_40 = arith.constant 0.000000e+00 : f32
      %broadcast_in_dim3A_41 = vector.broadcast %broadcast_in_dim3A_40 : f32 to vector<1x128xf32>
      %swap3A_42 = arith.constant 0 : index
      %swap3A_43 = arith.constant 0 : index
      %swap3A_44 = vector.load %arg7[%swap3A_42, %swap3A_43] : memref<1x128xf32, #tpu.memory_space<vmem>>, vector<1x128xf32>
      tpu.vector_store %arg7[%swap3A_42, %swap3A_43], %broadcast_in_dim3A_41 {strides = array<i32>} : memref<1x128xf32, #tpu.memory_space<vmem>>, vector<1x128xf32>,
      %broadcast_in_dim3A_45 = arith.constant 0.000000e+00 : f32
      %broadcast_in_dim3A_46 = vector.broadcast %broadcast_in_dim3A_45 : f32 to vector<1x128xf32>
      %swap3A_47 = arith.constant 0 : index
      %swap3A_48 = arith.constant 0 : index
      %swap3A_49 = vector.load %arg8[%swap3A_47, %swap3A_48] : memref<1x128xf32, #tpu.memory_space<vmem>>, vector<1x128xf32>
      tpu.vector_store %arg8[%swap3A_47, %swap3A_48], %broadcast_in_dim3A_46 {strides = array<i32>} : memref<1x128xf32, #tpu.memory_space<vmem>>, vector<1x128xf32>,
    } else {
    }
    %get3A_22 = arith.constant 0 : index
    %get3A_23 = arith.constant 0 : index
    %get3A_24 = vector.load %arg7[%get3A_22, %get3A_23] : memref<1x128xf32, #tpu.memory_space<vmem>>, vector<1x128xf32>
    %reduce_sum3A = arith.constant dense<0.000000e+00> : vector<128xf32>
    %reduce_sum3A_25 = vector.multi_reduction <add>, %add3A_17, %reduce_sum3A [0] : vector<2000x128xf32> to vector<128xf32>
    %broadcast_in_dim3A = vector.shape_cast %reduce_sum3A_25 : vector<128xf32> to vector<1x128xf32>
    %add3A_26 = arith.addf %get3A_24, %broadcast_in_dim3A : vector<1x128xf32>
    %swap3A_27 = arith.constant 0 : index
    %swap3A_28 = arith.constant 0 : index
    %swap3A_29 = vector.load %arg7[%swap3A_27, %swap3A_28] : memref<1x128xf32, #tpu.memory_space<vmem>>, vector<1x128xf32>
    tpu.vector_store %arg7[%swap3A_27, %swap3A_28], %add3A_26 {strides = array<i32>} : memref<1x128xf32, #tpu.memory_space<vmem>>, vector<1x128xf32>,
    %get3A_30 = arith.constant 0 : index
    %get3A_31 = arith.constant 0 : index
    %get3A_32 = vector.load %arg8[%get3A_30, %get3A_31] : memref<1x128xf32, #tpu.memory_space<vmem>>, vector<1x128xf32>
    %mul3A = arith.mulf %add3A_17, %add3A_17 : vector<2000x128xf32>
    %reduce_sum3A_33 = arith.constant dense<0.000000e+00> : vector<128xf32>
    %reduce_sum3A_34 = vector.multi_reduction <add>, %mul3A, %reduce_sum3A_33 [0] : vector<2000x128xf32> to vector<128xf32>
    %broadcast_in_dim3A_35 = vector.shape_cast %reduce_sum3A_34 : vector<128xf32> to vector<1x128xf32>
    %add3A_36 = arith.addf %get3A_32, %broadcast_in_dim3A_35 : vector<1x128xf32>
    %swap3A_37 = arith.constant 0 : index
    %swap3A_38 = arith.constant 0 : index
    %swap3A_39 = vector.load %arg8[%swap3A_37, %swap3A_38] : memref<1x128xf32, #tpu.memory_space<vmem>>, vector<1x128xf32>
    tpu.vector_store %arg8[%swap3A_37, %swap3A_38], %add3A_36 {strides = array<i32>} : memref<1x128xf32, #tpu.memory_space<vmem>>, vector<1x128xf32>,
    return
  }
  func.func @transform_0(%arg0: i32) -> (i32, i32) {
    %c0_i32 = arith.constant 0 : i32
    %c0_i32_0 = arith.constant 0 : i32
    return %arg0, %c0_i32 : i32, i32
  }
  func.func @transform_1(%arg0: i32) -> (i32, i32) {
    %c0_i32 = arith.constant 0 : i32
    %c0_i32_0 = arith.constant 0 : i32
    return %arg0, %c0_i32 : i32, i32
  }
  func.func @transform_2(%arg0: i32) -> (i32, i32) {
    %c0_i32 = arith.constant 0 : i32
    %c0_i32_0 = arith.constant 0 : i32
    return %arg0, %c0_i32 : i32, i32
  }
  func.func @transform_3(%arg0: i32) -> (i32, i32) {
    %c0_i32 = arith.constant 0 : i32
    %c0_i32_0 = arith.constant 0 : i32
    %c0_i32_1 = arith.constant 0 : i32
    return %c0_i32, %c0_i32_0 : i32, i32
  }
  func.func @transform_4(%arg0: i32) -> (i32, i32) {
    %c0_i32 = arith.constant 0 : i32
    %c0_i32_0 = arith.constant 0 : i32
    %c0_i32_1 = arith.constant 0 : i32
    return %c0_i32, %c0_i32_0 : i32, i32
  }
  func.func @transform_5(%arg0: i32) -> (i32, i32) {
    %c0_i32 = arith.constant 0 : i32
    %c0_i32_0 = arith.constant 0 : i32
    return %arg0, %c0_i32 : i32, i32
  }
  func.func @transform_6(%arg0: i32) -> (i32, i32) {
    %c0_i32 = arith.constant 0 : i32
    %c0_i32_0 = arith.constant 0 : i32
    %c0_i32_1 = arith.constant 0 : i32
    return %c0_i32, %c0_i32_0 : i32, i32
  }
  func.func @transform_7(%arg0: i32) -> (i32, i32) {
    %c0_i32 = arith.constant 0 : i32
    %c0_i32_0 = arith.constant 0 : i32
    %c0_i32_1 = arith.constant 0 : i32
    return %c0_i32, %c0_i32_0 : i32, i32
  }
}

module attributes {stable_mosaic.version = 14 : i64} {
  func.func @_mm2_body(%arg0: i32, %arg1: memref<2000x128xf32, #tpu.memory_space<vmem>>, %arg2: memref<1x128xf32, #tpu.memory_space<vmem>>, %arg3: memref<1x128xf32, #tpu.memory_space<vmem>>, %arg4: memref<1x1x2000xi32, #tpu.memory_space<vmem>>, %arg5: memref<1x128xf32, #tpu.memory_space<vmem>>, %arg6: memref<1x128xf32, #tpu.memory_space<vmem>>, %arg7: memref<128x128xf32, #tpu.memory_space<vmem>>, %arg8: memref<1x128xf32, #tpu.memory_space<vmem>>, %arg9: memref<2000x128xf32, #tpu.memory_space<vmem>>, %arg10: memref<128x128xf32, #tpu.memory_space<vmem>>) attributes {dimension_semantics = [#tpu.dimension_semantics<arbitrary>], iteration_bounds = array<i64: 5>, scalar_prefetch = 0 : i64, scratch_operands = 0 : i64, tpu.core_type = #tpu.core_type<tc>, window_params = [{transform_indices = @transform_0, window_bounds = array<i64: 2000, 128>}, {pipeline_mode = #tpu.pipeline_mode<synchronous>, transform_indices = @transform_1, window_bounds = array<i64: 1, 128>}, {pipeline_mode = #tpu.pipeline_mode<synchronous>, transform_indices = @transform_2, window_bounds = array<i64: 1, 128>}, {transform_indices = @transform_3, window_bounds = array<i64: 1, 1, 2000>}, {pipeline_mode = #tpu.pipeline_mode<synchronous>, transform_indices = @transform_4, window_bounds = array<i64: 1, 128>}, {pipeline_mode = #tpu.pipeline_mode<synchronous>, transform_indices = @transform_5, window_bounds = array<i64: 1, 128>}, {pipeline_mode = #tpu.pipeline_mode<synchronous>, transform_indices = @transform_6, window_bounds = array<i64: 128, 128>}, {pipeline_mode = #tpu.pipeline_mode<synchronous>, transform_indices = @transform_7, window_bounds = array<i64: 1, 128>}, {transform_indices = @transform_8, window_bounds = array<i64: 2000, 128>}, {pipeline_mode = #tpu.pipeline_mode<synchronous>, transform_indices = @transform_9, window_bounds = array<i64: 128, 128>}]} {
    %get3A = arith.constant 0 : index
    %get3A_0 = arith.constant 0 : index
    %get3A_1 = vector.load %arg2[%get3A, %get3A_0] : memref<1x128xf32, #tpu.memory_space<vmem>>, vector<1x128xf32>
    %mul3A = arith.constant 9.99999974E-5 : f32
    %mul3A_2 = vector.broadcast %mul3A : f32 to vector<1x128xf32>
    %mul3A_3 = arith.mulf %get3A_1, %mul3A_2 : vector<1x128xf32>
    %get3A_4 = arith.constant 0 : index
    %get3A_5 = arith.constant 0 : index
    %get3A_6 = vector.load %arg3[%get3A_4, %get3A_5] : memref<1x128xf32, #tpu.memory_space<vmem>>, vector<1x128xf32>
    %mul3A_7 = arith.constant 9.99999974E-5 : f32
    %mul3A_8 = vector.broadcast %mul3A_7 : f32 to vector<1x128xf32>
    %mul3A_9 = arith.mulf %get3A_6, %mul3A_8 : vector<1x128xf32>
    %mul3A_10 = arith.mulf %mul3A_3, %mul3A_3 : vector<1x128xf32>
    %sub3A = arith.subf %mul3A_9, %mul3A_10 : vector<1x128xf32>
    %get3A_11 = arith.constant 0 : index
    %get3A_12 = arith.constant 0 : index
    %get3A_13 = vector.load %arg1[%get3A_11, %get3A_12] : memref<2000x128xf32, #tpu.memory_space<vmem>>, vector<2000x128xf32>
    %sub3A_14 = vector.broadcast %mul3A_3 : vector<1x128xf32> to vector<2000x128xf32>
    %sub3A_15 = arith.subf %get3A_13, %sub3A_14 : vector<2000x128xf32>
    %add3A = arith.constant 9.99999974E-6 : f32
    %add3A_16 = vector.broadcast %add3A : f32 to vector<1x128xf32>
    %add3A_17 = arith.addf %sub3A, %add3A_16 : vector<1x128xf32>
    %rsqrt3A = math.rsqrt %add3A_17 : vector<1x128xf32>
    %mul3A_18 = vector.broadcast %rsqrt3A : vector<1x128xf32> to vector<2000x128xf32>
    %mul3A_19 = arith.mulf %sub3A_15, %mul3A_18 : vector<2000x128xf32>
    %get3A_20 = arith.constant 0 : index
    %get3A_21 = arith.constant 0 : index
    %get3A_22 = vector.load %arg5[%get3A_20, %get3A_21] : memref<1x128xf32, #tpu.memory_space<vmem>>, vector<1x128xf32>
    %mul3A_23 = vector.broadcast %get3A_22 : vector<1x128xf32> to vector<2000x128xf32>
    %mul3A_24 = arith.mulf %mul3A_19, %mul3A_23 : vector<2000x128xf32>
    %get3A_25 = arith.constant 0 : index
    %get3A_26 = arith.constant 0 : index
    %get3A_27 = vector.load %arg6[%get3A_25, %get3A_26] : memref<1x128xf32, #tpu.memory_space<vmem>>, vector<1x128xf32>
    %add3A_28 = vector.broadcast %get3A_27 : vector<1x128xf32> to vector<2000x128xf32>
    %add3A_29 = arith.addf %mul3A_24, %add3A_28 : vector<2000x128xf32>
    %max3A = arith.constant 0.000000e+00 : f32
    %max3A_30 = vector.broadcast %max3A : f32 to vector<2000x128xf32>
    %max3A_31 = arith.maximumf %add3A_29, %max3A_30 : vector<2000x128xf32>
    %get3A_32 = arith.constant 0 : index
    %get3A_33 = arith.constant 0 : index
    %get3A_34 = vector.load %arg7[%get3A_32, %get3A_33] : memref<128x128xf32, #tpu.memory_space<vmem>>, vector<128x128xf32>
    %dot_general3A = arith.constant dense<0.000000e+00> : vector<2000x128xf32>
    %dot_general3A_35 = tpu.matmul %max3A_31, %get3A_34, %dot_general3A {dimension_numbers = #tpu.dot_dimension_numbers<[1], [0], [0], [1], [0, 0, 1, 1], [], []>, precision = #tpu.contract_precision<fp32>, transpose_lhs_hint = false} : vector<2000x128xf32>, vector<128x128xf32>, vector<2000x128xf32> -> vector<2000x128xf32>
    %get3A_36 = arith.constant 0 : index
    %get3A_37 = arith.constant 0 : index
    %get3A_38 = vector.load %arg8[%get3A_36, %get3A_37] : memref<1x128xf32, #tpu.memory_space<vmem>>, vector<1x128xf32>
    %add3A_39 = vector.broadcast %get3A_38 : vector<1x128xf32> to vector<2000x128xf32>
    %add3A_40 = arith.addf %dot_general3A_35, %add3A_39 : vector<2000x128xf32>
    %max3A_41 = arith.constant 0.000000e+00 : f32
    %max3A_42 = vector.broadcast %max3A_41 : f32 to vector<2000x128xf32>
    %max3A_43 = arith.maximumf %add3A_40, %max3A_42 : vector<2000x128xf32>
    %swap3A = arith.constant 0 : index
    %swap3A_44 = arith.constant 0 : index
    %swap3A_45 = vector.load %arg9[%swap3A, %swap3A_44] : memref<2000x128xf32, #tpu.memory_space<vmem>>, vector<2000x128xf32>
    tpu.vector_store %arg9[%swap3A, %swap3A_44], %max3A_43 {strides = array<i32>} : memref<2000x128xf32, #tpu.memory_space<vmem>>, vector<2000x128xf32>,
    %iota3A = tpu.iota {dimensions = array<i32: 0>} : vector<128x2000xi32>
    %get3A_46 = arith.constant 0 : index
    %get3A_47 = arith.constant 0 : index
    %get3A_48 = arith.constant 0 : index
    %get3A_49 = vector.load %arg4[%get3A_46, %get3A_47, %get3A_48] : memref<1x1x2000xi32, #tpu.memory_space<vmem>>, vector<1x1x2000xi32>
    %get3A_50 = vector.shape_cast %get3A_49 : vector<1x1x2000xi32> to vector<1x2000xi32>
    %eq3A = vector.broadcast %get3A_50 : vector<1x2000xi32> to vector<128x2000xi32>
    %eq3A_51 = arith.cmpi eq, %eq3A, %iota3A : vector<128x2000xi32>
    %convert_element_type3A = arith.extui %eq3A_51 : vector<128x2000xi1> to vector<128x2000xi32>
    %convert_element_type3A_52 = arith.sitofp %convert_element_type3A : vector<128x2000xi32> to vector<128x2000xf32>
    %eq3A_53 = arith.constant 0 : i32
    %eq3A_54 = arith.cmpi eq, %arg0, %eq3A_53 : i32
    %convert_element_type3A_55 = arith.extui %eq3A_54 : i1 to i32
    %cond3A = arith.constant 0 : i32
    %cond3A_56 = arith.cmpi ne, %convert_element_type3A_55, %cond3A : i32
    scf.if %cond3A_56 {
      %broadcast_in_dim3A = arith.constant 0.000000e+00 : f32
      %broadcast_in_dim3A_66 = vector.broadcast %broadcast_in_dim3A : f32 to vector<128x128xf32>
      %swap3A_67 = arith.constant 0 : index
      %swap3A_68 = arith.constant 0 : index
      %swap3A_69 = vector.load %arg10[%swap3A_67, %swap3A_68] : memref<128x128xf32, #tpu.memory_space<vmem>>, vector<128x128xf32>
      tpu.vector_store %arg10[%swap3A_67, %swap3A_68], %broadcast_in_dim3A_66 {strides = array<i32>} : memref<128x128xf32, #tpu.memory_space<vmem>>, vector<128x128xf32>,
    } else {
    }
    %get3A_57 = arith.constant 0 : index
    %get3A_58 = arith.constant 0 : index
    %get3A_59 = vector.load %arg10[%get3A_57, %get3A_58] : memref<128x128xf32, #tpu.memory_space<vmem>>, vector<128x128xf32>
    %dot_general3A_60 = arith.constant dense<0.000000e+00> : vector<128x128xf32>
    %dot_general3A_61 = tpu.matmul %convert_element_type3A_52, %max3A_43, %dot_general3A_60 {dimension_numbers = #tpu.dot_dimension_numbers<[1], [0], [0], [1], [0, 0, 1, 1], [], []>, precision = #tpu.contract_precision<fp32>, transpose_lhs_hint = false} : vector<128x2000xf32>, vector<2000x128xf32>, vector<128x128xf32> -> vector<128x128xf32>
    %add3A_62 = arith.addf %get3A_59, %dot_general3A_61 : vector<128x128xf32>
    %swap3A_63 = arith.constant 0 : index
    %swap3A_64 = arith.constant 0 : index
    %swap3A_65 = vector.load %arg10[%swap3A_63, %swap3A_64] : memref<128x128xf32, #tpu.memory_space<vmem>>, vector<128x128xf32>
    tpu.vector_store %arg10[%swap3A_63, %swap3A_64], %add3A_62 {strides = array<i32>} : memref<128x128xf32, #tpu.memory_space<vmem>>, vector<128x128xf32>,
    return
  }
  func.func @transform_0(%arg0: i32) -> (i32, i32) {
    %c0_i32 = arith.constant 0 : i32
    %c0_i32_0 = arith.constant 0 : i32
    return %arg0, %c0_i32 : i32, i32
  }
  func.func @transform_1(%arg0: i32) -> (i32, i32) {
    %c0_i32 = arith.constant 0 : i32
    %c0_i32_0 = arith.constant 0 : i32
    %c0_i32_1 = arith.constant 0 : i32
    return %c0_i32, %c0_i32_0 : i32, i32
  }
  func.func @transform_2(%arg0: i32) -> (i32, i32) {
    %c0_i32 = arith.constant 0 : i32
    %c0_i32_0 = arith.constant 0 : i32
    %c0_i32_1 = arith.constant 0 : i32
    return %c0_i32, %c0_i32_0 : i32, i32
  }
  func.func @transform_3(%arg0: i32) -> (i32, i32, i32) {
    %c0_i32 = arith.constant 0 : i32
    %c0_i32_0 = arith.constant 0 : i32
    %c0_i32_1 = arith.constant 0 : i32
    return %arg0, %c0_i32, %c0_i32_0 : i32, i32, i32
  }
  func.func @transform_4(%arg0: i32) -> (i32, i32) {
    %c0_i32 = arith.constant 0 : i32
    %c0_i32_0 = arith.constant 0 : i32
    %c0_i32_1 = arith.constant 0 : i32
    return %c0_i32, %c0_i32_0 : i32, i32
  }
  func.func @transform_5(%arg0: i32) -> (i32, i32) {
    %c0_i32 = arith.constant 0 : i32
    %c0_i32_0 = arith.constant 0 : i32
    %c0_i32_1 = arith.constant 0 : i32
    return %c0_i32, %c0_i32_0 : i32, i32
  }
  func.func @transform_6(%arg0: i32) -> (i32, i32) {
    %c0_i32 = arith.constant 0 : i32
    %c0_i32_0 = arith.constant 0 : i32
    %c0_i32_1 = arith.constant 0 : i32
    return %c0_i32, %c0_i32_0 : i32, i32
  }
  func.func @transform_7(%arg0: i32) -> (i32, i32) {
    %c0_i32 = arith.constant 0 : i32
    %c0_i32_0 = arith.constant 0 : i32
    %c0_i32_1 = arith.constant 0 : i32
    return %c0_i32, %c0_i32_0 : i32, i32
  }
  func.func @transform_8(%arg0: i32) -> (i32, i32) {
    %c0_i32 = arith.constant 0 : i32
    %c0_i32_0 = arith.constant 0 : i32
    return %arg0, %c0_i32 : i32, i32
  }
  func.func @transform_9(%arg0: i32) -> (i32, i32) {
    %c0_i32 = arith.constant 0 : i32
    %c0_i32_0 = arith.constant 0 : i32
    %c0_i32_1 = arith.constant 0 : i32
    return %c0_i32, %c0_i32_0 : i32, i32
  }
}

module attributes {stable_mosaic.version = 14 : i64} {
  func.func @_mm2_body(%arg0: i32, %arg1: memref<2000x128xf32, #tpu.memory_space<vmem>>, %arg2: memref<1x128xf32, #tpu.memory_space<vmem>>, %arg3: memref<1x128xf32, #tpu.memory_space<vmem>>, %arg4: memref<1x1x2000xi32, #tpu.memory_space<vmem>>, %arg5: memref<1x128xf32, #tpu.memory_space<vmem>>, %arg6: memref<1x128xf32, #tpu.memory_space<vmem>>, %arg7: memref<128x128xf32, #tpu.memory_space<vmem>>, %arg8: memref<1x128xf32, #tpu.memory_space<vmem>>, %arg9: memref<2000x128xf32, #tpu.memory_space<vmem>>, %arg10: memref<128x128xf32, #tpu.memory_space<vmem>>) attributes {dimension_semantics = [#tpu.dimension_semantics<arbitrary>], iteration_bounds = array<i64: 5>, scalar_prefetch = 0 : i64, scratch_operands = 0 : i64, tpu.core_type = #tpu.core_type<tc>, window_params = [{transform_indices = @transform_0, window_bounds = array<i64: 2000, 128>}, {pipeline_mode = #tpu.pipeline_mode<synchronous>, transform_indices = @transform_1, window_bounds = array<i64: 1, 128>}, {pipeline_mode = #tpu.pipeline_mode<synchronous>, transform_indices = @transform_2, window_bounds = array<i64: 1, 128>}, {transform_indices = @transform_3, window_bounds = array<i64: 1, 1, 2000>}, {pipeline_mode = #tpu.pipeline_mode<synchronous>, transform_indices = @transform_4, window_bounds = array<i64: 1, 128>}, {pipeline_mode = #tpu.pipeline_mode<synchronous>, transform_indices = @transform_5, window_bounds = array<i64: 1, 128>}, {pipeline_mode = #tpu.pipeline_mode<synchronous>, transform_indices = @transform_6, window_bounds = array<i64: 128, 128>}, {pipeline_mode = #tpu.pipeline_mode<synchronous>, transform_indices = @transform_7, window_bounds = array<i64: 1, 128>}, {transform_indices = @transform_8, window_bounds = array<i64: 2000, 128>}, {pipeline_mode = #tpu.pipeline_mode<synchronous>, transform_indices = @transform_9, window_bounds = array<i64: 128, 128>}]} {
    %get3A = arith.constant 0 : index
    %get3A_0 = arith.constant 0 : index
    %get3A_1 = vector.load %arg2[%get3A, %get3A_0] : memref<1x128xf32, #tpu.memory_space<vmem>>, vector<1x128xf32>
    %mul3A = arith.constant 9.99999974E-5 : f32
    %mul3A_2 = vector.broadcast %mul3A : f32 to vector<1x128xf32>
    %mul3A_3 = arith.mulf %get3A_1, %mul3A_2 : vector<1x128xf32>
    %get3A_4 = arith.constant 0 : index
    %get3A_5 = arith.constant 0 : index
    %get3A_6 = vector.load %arg3[%get3A_4, %get3A_5] : memref<1x128xf32, #tpu.memory_space<vmem>>, vector<1x128xf32>
    %mul3A_7 = arith.constant 9.99999974E-5 : f32
    %mul3A_8 = vector.broadcast %mul3A_7 : f32 to vector<1x128xf32>
    %mul3A_9 = arith.mulf %get3A_6, %mul3A_8 : vector<1x128xf32>
    %mul3A_10 = arith.mulf %mul3A_3, %mul3A_3 : vector<1x128xf32>
    %sub3A = arith.subf %mul3A_9, %mul3A_10 : vector<1x128xf32>
    %get3A_11 = arith.constant 0 : index
    %get3A_12 = arith.constant 0 : index
    %get3A_13 = vector.load %arg1[%get3A_11, %get3A_12] : memref<2000x128xf32, #tpu.memory_space<vmem>>, vector<2000x128xf32>
    %sub3A_14 = vector.broadcast %mul3A_3 : vector<1x128xf32> to vector<2000x128xf32>
    %sub3A_15 = arith.subf %get3A_13, %sub3A_14 : vector<2000x128xf32>
    %add3A = arith.constant 9.99999974E-6 : f32
    %add3A_16 = vector.broadcast %add3A : f32 to vector<1x128xf32>
    %add3A_17 = arith.addf %sub3A, %add3A_16 : vector<1x128xf32>
    %rsqrt3A = math.rsqrt %add3A_17 : vector<1x128xf32>
    %mul3A_18 = vector.broadcast %rsqrt3A : vector<1x128xf32> to vector<2000x128xf32>
    %mul3A_19 = arith.mulf %sub3A_15, %mul3A_18 : vector<2000x128xf32>
    %get3A_20 = arith.constant 0 : index
    %get3A_21 = arith.constant 0 : index
    %get3A_22 = vector.load %arg5[%get3A_20, %get3A_21] : memref<1x128xf32, #tpu.memory_space<vmem>>, vector<1x128xf32>
    %mul3A_23 = vector.broadcast %get3A_22 : vector<1x128xf32> to vector<2000x128xf32>
    %mul3A_24 = arith.mulf %mul3A_19, %mul3A_23 : vector<2000x128xf32>
    %get3A_25 = arith.constant 0 : index
    %get3A_26 = arith.constant 0 : index
    %get3A_27 = vector.load %arg6[%get3A_25, %get3A_26] : memref<1x128xf32, #tpu.memory_space<vmem>>, vector<1x128xf32>
    %add3A_28 = vector.broadcast %get3A_27 : vector<1x128xf32> to vector<2000x128xf32>
    %add3A_29 = arith.addf %mul3A_24, %add3A_28 : vector<2000x128xf32>
    %max3A = arith.constant 0.000000e+00 : f32
    %max3A_30 = vector.broadcast %max3A : f32 to vector<2000x128xf32>
    %max3A_31 = arith.maximumf %add3A_29, %max3A_30 : vector<2000x128xf32>
    %get3A_32 = arith.constant 0 : index
    %get3A_33 = arith.constant 0 : index
    %get3A_34 = vector.load %arg7[%get3A_32, %get3A_33] : memref<128x128xf32, #tpu.memory_space<vmem>>, vector<128x128xf32>
    %dot_general3A = arith.constant dense<0.000000e+00> : vector<2000x128xf32>
    %dot_general3A_35 = tpu.matmul %max3A_31, %get3A_34, %dot_general3A {dimension_numbers = #tpu.dot_dimension_numbers<[1], [0], [0], [1], [0, 0, 1, 1], [], []>, precision = #tpu.contract_precision<fp32>, transpose_lhs_hint = false} : vector<2000x128xf32>, vector<128x128xf32>, vector<2000x128xf32> -> vector<2000x128xf32>
    %get3A_36 = arith.constant 0 : index
    %get3A_37 = arith.constant 0 : index
    %get3A_38 = vector.load %arg8[%get3A_36, %get3A_37] : memref<1x128xf32, #tpu.memory_space<vmem>>, vector<1x128xf32>
    %add3A_39 = vector.broadcast %get3A_38 : vector<1x128xf32> to vector<2000x128xf32>
    %add3A_40 = arith.addf %dot_general3A_35, %add3A_39 : vector<2000x128xf32>
    %max3A_41 = arith.constant 0.000000e+00 : f32
    %max3A_42 = vector.broadcast %max3A_41 : f32 to vector<2000x128xf32>
    %max3A_43 = arith.maximumf %add3A_40, %max3A_42 : vector<2000x128xf32>
    %swap3A = arith.constant 0 : index
    %swap3A_44 = arith.constant 0 : index
    %swap3A_45 = vector.load %arg9[%swap3A, %swap3A_44] : memref<2000x128xf32, #tpu.memory_space<vmem>>, vector<2000x128xf32>
    tpu.vector_store %arg9[%swap3A, %swap3A_44], %max3A_43 {strides = array<i32>} : memref<2000x128xf32, #tpu.memory_space<vmem>>, vector<2000x128xf32>,
    %iota3A = tpu.iota {dimensions = array<i32: 0>} : vector<128x2000xi32>
    %get3A_46 = arith.constant 0 : index
    %get3A_47 = arith.constant 0 : index
    %get3A_48 = arith.constant 0 : index
    %get3A_49 = vector.load %arg4[%get3A_46, %get3A_47, %get3A_48] : memref<1x1x2000xi32, #tpu.memory_space<vmem>>, vector<1x1x2000xi32>
    %get3A_50 = vector.shape_cast %get3A_49 : vector<1x1x2000xi32> to vector<1x2000xi32>
    %eq3A = vector.broadcast %get3A_50 : vector<1x2000xi32> to vector<128x2000xi32>
    %eq3A_51 = arith.cmpi eq, %eq3A, %iota3A : vector<128x2000xi32>
    %convert_element_type3A = arith.extui %eq3A_51 : vector<128x2000xi1> to vector<128x2000xi32>
    %convert_element_type3A_52 = arith.sitofp %convert_element_type3A : vector<128x2000xi32> to vector<128x2000xf32>
    %eq3A_53 = arith.constant 0 : i32
    %eq3A_54 = arith.cmpi eq, %arg0, %eq3A_53 : i32
    %convert_element_type3A_55 = arith.extui %eq3A_54 : i1 to i32
    %cond3A = arith.constant 0 : i32
    %cond3A_56 = arith.cmpi ne, %convert_element_type3A_55, %cond3A : i32
    scf.if %cond3A_56 {
      %broadcast_in_dim3A = arith.constant 0.000000e+00 : f32
      %broadcast_in_dim3A_66 = vector.broadcast %broadcast_in_dim3A : f32 to vector<128x128xf32>
      %swap3A_67 = arith.constant 0 : index
      %swap3A_68 = arith.constant 0 : index
      %swap3A_69 = vector.load %arg10[%swap3A_67, %swap3A_68] : memref<128x128xf32, #tpu.memory_space<vmem>>, vector<128x128xf32>
      tpu.vector_store %arg10[%swap3A_67, %swap3A_68], %broadcast_in_dim3A_66 {strides = array<i32>} : memref<128x128xf32, #tpu.memory_space<vmem>>, vector<128x128xf32>,
    } else {
    }
    %get3A_57 = arith.constant 0 : index
    %get3A_58 = arith.constant 0 : index
    %get3A_59 = vector.load %arg10[%get3A_57, %get3A_58] : memref<128x128xf32, #tpu.memory_space<vmem>>, vector<128x128xf32>
    %dot_general3A_60 = arith.constant dense<0.000000e+00> : vector<128x128xf32>
    %dot_general3A_61 = tpu.matmul %convert_element_type3A_52, %max3A_43, %dot_general3A_60 {dimension_numbers = #tpu.dot_dimension_numbers<[1], [0], [0], [1], [0, 0, 1, 1], [], []>, precision = #tpu.contract_precision<fp32>, transpose_lhs_hint = false} : vector<128x2000xf32>, vector<2000x128xf32>, vector<128x128xf32> -> vector<128x128xf32>
    %add3A_62 = arith.addf %get3A_59, %dot_general3A_61 : vector<128x128xf32>
    %swap3A_63 = arith.constant 0 : index
    %swap3A_64 = arith.constant 0 : index
    %swap3A_65 = vector.load %arg10[%swap3A_63, %swap3A_64] : memref<128x128xf32, #tpu.memory_space<vmem>>, vector<128x128xf32>
    tpu.vector_store %arg10[%swap3A_63, %swap3A_64], %add3A_62 {strides = array<i32>} : memref<128x128xf32, #tpu.memory_space<vmem>>, vector<128x128xf32>,
    return
  }
  func.func @transform_0(%arg0: i32) -> (i32, i32) {
    %c0_i32 = arith.constant 0 : i32
    %c0_i32_0 = arith.constant 0 : i32
    return %arg0, %c0_i32 : i32, i32
  }
  func.func @transform_1(%arg0: i32) -> (i32, i32) {
    %c0_i32 = arith.constant 0 : i32
    %c0_i32_0 = arith.constant 0 : i32
    %c0_i32_1 = arith.constant 0 : i32
    return %c0_i32, %c0_i32_0 : i32, i32
  }
  func.func @transform_2(%arg0: i32) -> (i32, i32) {
    %c0_i32 = arith.constant 0 : i32
    %c0_i32_0 = arith.constant 0 : i32
    %c0_i32_1 = arith.constant 0 : i32
    return %c0_i32, %c0_i32_0 : i32, i32
  }
  func.func @transform_3(%arg0: i32) -> (i32, i32, i32) {
    %c0_i32 = arith.constant 0 : i32
    %c0_i32_0 = arith.constant 0 : i32
    %c0_i32_1 = arith.constant 0 : i32
    return %arg0, %c0_i32, %c0_i32_0 : i32, i32, i32
  }
  func.func @transform_4(%arg0: i32) -> (i32, i32) {
    %c0_i32 = arith.constant 0 : i32
    %c0_i32_0 = arith.constant 0 : i32
    %c0_i32_1 = arith.constant 0 : i32
    return %c0_i32, %c0_i32_0 : i32, i32
  }
  func.func @transform_5(%arg0: i32) -> (i32, i32) {
    %c0_i32 = arith.constant 0 : i32
    %c0_i32_0 = arith.constant 0 : i32
    %c0_i32_1 = arith.constant 0 : i32
    return %c0_i32, %c0_i32_0 : i32, i32
  }
  func.func @transform_6(%arg0: i32) -> (i32, i32) {
    %c0_i32 = arith.constant 0 : i32
    %c0_i32_0 = arith.constant 0 : i32
    %c0_i32_1 = arith.constant 0 : i32
    return %c0_i32, %c0_i32_0 : i32, i32
  }
  func.func @transform_7(%arg0: i32) -> (i32, i32) {
    %c0_i32 = arith.constant 0 : i32
    %c0_i32_0 = arith.constant 0 : i32
    %c0_i32_1 = arith.constant 0 : i32
    return %c0_i32, %c0_i32_0 : i32, i32
  }
  func.func @transform_8(%arg0: i32) -> (i32, i32) {
    %c0_i32 = arith.constant 0 : i32
    %c0_i32_0 = arith.constant 0 : i32
    return %arg0, %c0_i32 : i32, i32
  }
  func.func @transform_9(%arg0: i32) -> (i32, i32) {
    %c0_i32 = arith.constant 0 : i32
    %c0_i32_0 = arith.constant 0 : i32
    %c0_i32_1 = arith.constant 0 : i32
    return %c0_i32, %c0_i32_0 : i32, i32
  }
}

module attributes {stable_mosaic.version = 14 : i64} {
  func.func @_readout_body(%arg0: memref<128x128xf32, #tpu.memory_space<vmem>>, %arg1: memref<128x128xf32, #tpu.memory_space<vmem>>, %arg2: memref<128x128xf32, #tpu.memory_space<vmem>>, %arg3: memref<384x384xf32, #tpu.memory_space<vmem>>, %arg4: memref<1x384xf32, #tpu.memory_space<vmem>>, %arg5: memref<384x128xf32, #tpu.memory_space<vmem>>, %arg6: memref<1x128xf32, #tpu.memory_space<vmem>>, %arg7: memref<128x128xf32, #tpu.memory_space<vmem>>) attributes {dimension_semantics = [], scalar_prefetch = 0 : i64, scratch_operands = 0 : i64, tpu.core_type = #tpu.core_type<tc>} {
    %get3A = arith.constant 0 : index
    %get3A_0 = arith.constant 0 : index
    %get3A_1 = vector.load %arg0[%get3A, %get3A_0] : memref<128x128xf32, #tpu.memory_space<vmem>>, vector<128x128xf32>
    %get3A_2 = arith.constant 0 : index
    %get3A_3 = arith.constant 0 : index
    %get3A_4 = vector.load %arg1[%get3A_2, %get3A_3] : memref<128x128xf32, #tpu.memory_space<vmem>>, vector<128x128xf32>
    %get3A_5 = arith.constant 0 : index
    %get3A_6 = arith.constant 0 : index
    %get3A_7 = vector.load %arg2[%get3A_5, %get3A_6] : memref<128x128xf32, #tpu.memory_space<vmem>>, vector<128x128xf32>
    %concatenate3A = tpu.concatenate %get3A_1, %get3A_4, %get3A_7 in 1 : vector<128x128xf32>, vector<128x128xf32>, vector<128x128xf32> -> vector<128x384xf32>
    %get3A_8 = arith.constant 0 : index
    %get3A_9 = arith.constant 0 : index
    %get3A_10 = vector.load %arg3[%get3A_8, %get3A_9] : memref<384x384xf32, #tpu.memory_space<vmem>>, vector<384x384xf32>
    %dot_general3A = arith.constant dense<0.000000e+00> : vector<128x384xf32>
    %dot_general3A_11 = tpu.matmul %concatenate3A, %get3A_10, %dot_general3A {dimension_numbers = #tpu.dot_dimension_numbers<[1], [0], [0], [1], [0, 0, 1, 1], [], []>, precision = #tpu.contract_precision<fp32>, transpose_lhs_hint = false} : vector<128x384xf32>, vector<384x384xf32>, vector<128x384xf32> -> vector<128x384xf32>
    %get3A_12 = arith.constant 0 : index
    %get3A_13 = arith.constant 0 : index
    %get3A_14 = vector.load %arg4[%get3A_12, %get3A_13] : memref<1x384xf32, #tpu.memory_space<vmem>>, vector<1x384xf32>
    %add3A = vector.broadcast %get3A_14 : vector<1x384xf32> to vector<128x384xf32>
    %add3A_15 = arith.addf %dot_general3A_11, %add3A : vector<128x384xf32>
    %max3A = arith.constant 0.000000e+00 : f32
    %max3A_16 = vector.broadcast %max3A : f32 to vector<128x384xf32>
    %max3A_17 = arith.maximumf %add3A_15, %max3A_16 : vector<128x384xf32>
    %get3A_18 = arith.constant 0 : index
    %get3A_19 = arith.constant 0 : index
    %get3A_20 = vector.load %arg5[%get3A_18, %get3A_19] : memref<384x128xf32, #tpu.memory_space<vmem>>, vector<384x128xf32>
    %dot_general3A_21 = arith.constant dense<0.000000e+00> : vector<128x128xf32>
    %dot_general3A_22 = tpu.matmul %max3A_17, %get3A_20, %dot_general3A_21 {dimension_numbers = #tpu.dot_dimension_numbers<[1], [0], [0], [1], [0, 0, 1, 1], [], []>, precision = #tpu.contract_precision<fp32>, transpose_lhs_hint = false} : vector<128x384xf32>, vector<384x128xf32>, vector<128x128xf32> -> vector<128x128xf32>
    %get3A_23 = arith.constant 0 : index
    %get3A_24 = arith.constant 0 : index
    %get3A_25 = vector.load %arg6[%get3A_23, %get3A_24] : memref<1x128xf32, #tpu.memory_space<vmem>>, vector<1x128xf32>
    %add3A_26 = vector.broadcast %get3A_25 : vector<1x128xf32> to vector<128x128xf32>
    %add3A_27 = arith.addf %dot_general3A_22, %add3A_26 : vector<128x128xf32>
    %swap3A = arith.constant 0 : index
    %swap3A_28 = arith.constant 0 : index
    %swap3A_29 = vector.load %arg7[%swap3A, %swap3A_28] : memref<128x128xf32, #tpu.memory_space<vmem>>, vector<128x128xf32>
    tpu.vector_store %arg7[%swap3A, %swap3A_28], %add3A_27 {strides = array<i32>} : memref<128x128xf32, #tpu.memory_space<vmem>>, vector<128x128xf32>,
    return
  }
}

</mosaic_0001>

<sc_bundles>
// kernel: kernel.12.cloned.1.call-start
scs
__scs_entry_jumppad:
0x0: {  	(pc) =	sbr.rel $0x88, $3  }
0x1: {  	(tag) =	ssettag $0x0;
	lr =	simm.s32 $0x1  }
0x2: {  	[smem:$0x3F88] =	sst lr;
	_ =	strace $0xD0000000  }
0x3: {  	_ = 	snop  }
0x4: {  	_ = 	snop  }
0x5: {  	_ = 	snop  }
0x6: {  	_ = 	snop  }
0x7: {  	_ = 	snop  }
__scs_overlays_trampoline_lowered:
0x8: {  	[smem:$0x3F97] =	sst s0  }
0x9: {  	[smem:$0x3F98] =	sst s1  }
0xa: {  	[smem:$0x3F99] =	sst s2  }
0xb: {  	[smem:$0x3F9A] =	sst s3  }
0xc: {  	[smem:$0x3F9B] =	sst s4  }
0xd: {  	[smem:$0x3F9C] =	sst s5  }
0xe: {  	[smem:$0x3F9D] =	sst s6  }
0xf: {  	[smem:$0x3F9E] =	sst s7  }
0x10: {  	[smem:$0x3F9F] =	sst s8  }
0x11: {  	[smem:$0x3FA0] =	sst s9;
	s0 =	simm.s32 @!p0 $0x0  }
0x12: {  	s1 =	sld [smem:$0x3F86];
	s0 =	simm.s32 @p0 $0x1  }
0x13: {  	[smem:$0x3FA1] =	sst s0;
	s0 =	simm.s32 @!p1 $0x0  }
0x14: {  	s2 =	sld [smem:$0x3F85];
	s0 =	simm.s32 @p1 $0x1  }
0x15: {  	[smem:$0x3FA2] =	sst s0;
	s0 =	simm.s32 @!p2 $0x0  }
0x16: {  	s3 =	sld [smem:$0x3FDB];
	s0 =	simm.s32 @p2 $0x1  }
0x17: {  	s4 =	simm.s32 $0x1BF5;
	[smem:$0x3FA4] =	sst s0  }
0x18: {  	s0 =	sld [smem:$0x3F87];
	_ =	swait.ge [sflag:s4], $0x0  }
0x19: {  	s7 =	sld [smem:$0x3F88]  }
0x1a: {  	s8 =	sadd.s32 $0xFFFFE003, lr  }
0x1b: {  	s9 =	sadd.s32 $0xFFFFFEF7, lr;
	s5 =	simm.s32 $0xFFFFFFFF;
	p2 =	slt.u32 s8, $0xFFFFF086  }
0x1c: {  	p1 =	slt.u32 s9, $0xF7A;
	s5 =	simm.s32 @!p2 $0x0  }
0x1d: {  	s5 =	simm.s32 @p1 $0x1;
	p0 =	seq.s32 s7, s2  }
0x1e: {  	s7 =	smul.u32 @!p0 $0xF7A, s2;
	p2 =	seq.s32 @!p0 s5, $0x0  }
0x1f: {  	s9 =	smul.u32 $0xF7A, s1;
	s8 =	simm.s32 @!p0 $0x1BF5;
	p2 =	por !p2, p0  }
0x20: {  	[sflag:s8] =	ssyncset.s32 @!p0 $0xFFFFF086;
	s6 =	sadd.s32 @!p0 s3, s7;
	s7 =	simm.s32 @!p0 $0x108  }
0x21: {  	s3 =	sadd.s32 s3, s9;
	s6 =	sadd.s32 @!p0 $0x88, s6;
	s7 =	simm.s32 @p2 $0x1082  }
0x22: {  	[simem:s7], [sflag:s8] =	dma.local @!p0 [hbm:s6], $0xF7A  }
0x23: {  	s9 =	sor.u32 $0xD0000000, s2;
	s6 =	simm.s32 $0x108;
	_ =	swait.ge @!p0 [sflag:s8], $0x0  }
0x24: {  	s3 =	sadd.s32 $0x88, s3;
	s6 =	simm.s32 @!p1 $0x1082;
	[sflag:s4] =	ssyncset.s32 $0xFFFFF086  }
0x25: {  	[simem:s6], [sflag:s4] =	dma.local [hbm:s3], $0xF7A  }
0x26: {  	[smem:$0x3F88] =	sst s1;
	(tag) =	ssettag s2;
	_ =	strace s9  }
0x27: {  	s1 =	sld [smem:$0x3F98]  }
0x28: {  	s2 =	sld [smem:$0x3F99]  }
0x29: {  	s4 =	sld [smem:$0x3F9B]  }
0x2a: {  	p0 =	seq.s32 s5, $0x0;
	s5 =	sld [smem:$0x3F9C]  }
0x2b: {  	s6 =	sld [smem:$0x3F9D]  }
0x2c: {  	s7 =	sld [smem:$0x3F9E]  }
0x2d: {  	s3 =	simm.s32 $0x108;
	s8 =	sld [smem:$0x3F9F]  }
0x2e: {  	s3 =	simm.s32 @!p0 $0x1082;
	s9 =	sld [smem:$0x3FA0]  }
0x2f: {  	lr =	sadd.s32 s0, s3;
	s0 =	sld [smem:$0x3F97]  }
0x30: {  	s3 =	sld [smem:$0x3F9A]  }
0x31: {  	[smem:$0x3FA3] =	sst s10  }
0x32: {  	s10 =	sld [smem:$0x3FA1];
	_ =	sdelay $0x3  }
0x33: {  	p0 =	seq.s32 s10, $0x1;
	s10 =	sld [smem:$0x3FA3];
	_ =	sdelay $0x3  }
0x34: {  	[smem:$0x3FA3] =	sst s10  }
0x35: {  	s10 =	sld [smem:$0x3FA2];
	_ =	sdelay $0x3  }
0x36: {  	p1 =	seq.s32 s10, $0x1;
	s10 =	sld [smem:$0x3FA3];
	_ =	sdelay $0x3  }
0x37: {  	[smem:$0x3FA3] =	sst s10  }
0x38: {  	s10 =	sld [smem:$0x3FA4]  }
0x39: {  	_ = 	snop;
	(pc) =	sbr.ind lr, $3  }
0x3a: {  	_ = 	snop  }
0x3b: {  	_ = 	snop  }
0x3c: {  	p2 =	seq.s32 s10, $0x1;
	s10 =	sld [smem:$0x3FA3]  }
0x3d: {  	_ =	shalt  }
0x3e: {  	_ =	shalt  }
0x3f: {  	_ =	shalt  }
0x40: {  	_ =	shalt  }
0x41: {  	_ =	shalt  }
0x42: {  	_ =	shalt  }
0x43: {  	_ =	shalt  }
0x44: {  	_ =	shalt  }
0x45: {  	_ =	shalt  }
0x46: {  	_ =	shalt  }
0x47: {  	_ =	shalt  }
0x48: {  	_ =	shalt  }
0x49: {  	_ =	shalt  }
0x4a: {  	_ =	shalt  }
0x4b: {  	_ =	shalt  }
0x4c: {  	_ =	shalt  }
0x4d: {  	_ =	shalt  }
0x4e: {  	_ =	shalt  }
0x4f: {  	_ =	shalt  }
0x50: {  	_ =	shalt  }
0x51: {  	_ =	shalt  }
0x52: {  	_ =	shalt  }
0x53: {  	_ =	shalt  }
0x54: {  	_ =	shalt  }
0x55: {  	_ =	shalt  }
0x56: {  	_ =	shalt  }
0x57: {  	_ =	shalt  }
0x58: {  	_ =	shalt  }
0x59: {  	_ =	shalt  }
0x5a: {  	_ =	shalt  }
0x5b: {  	_ =	shalt  }
0x5c: {  	_ =	shalt  }
0x5d: {  	_ =	shalt  }
0x5e: {  	_ =	shalt  }
0x5f: {  	_ =	shalt  }
0x60: {  	_ =	shalt  }
0x61: {  	_ =	shalt  }
0x62: {  	_ =	shalt  }
0x63: {  	_ =	shalt  }
0x64: {  	_ =	shalt  }
0x65: {  	_ =	shalt  }
0x66: {  	_ =	shalt  }
0x67: {  	_ =	shalt  }
0x68: {  	_ =	shalt  }
0x69: {  	_ =	shalt  }
0x6a: {  	_ =	shalt  }
0x6b: {  	_ =	shalt  }
0x6c: {  	_ =	shalt  }
0x6d: {  	_ =	shalt  }
0x6e: {  	_ =	shalt  }
0x6f: {  	_ =	shalt  }
0x70: {  	_ =	shalt  }
0x71: {  	_ =	shalt  }
0x72: {  	_ =	shalt  }
0x73: {  	_ =	shalt  }
0x74: {  	_ =	shalt  }
0x75: {  	_ =	shalt  }
0x76: {  	_ =	shalt  }
0x77: {  	_ =	shalt  }
0x78: {  	_ =	shalt  }
0x79: {  	_ =	shalt  }
0x7a: {  	_ =	shalt  }
0x7b: {  	_ =	shalt  }
0x7c: {  	_ =	shalt  }
0x7d: {  	_ =	shalt  }
0x7e: {  	_ =	shalt  }
0x7f: {  	_ =	shalt  }
0x80: {  	_ =	shalt  }
0x81: {  	_ =	shalt  }
0x82: {  	_ =	shalt  }
0x83: {  	_ =	shalt  }
0x84: {  	_ =	shalt  }
0x85: {  	_ =	shalt  }
0x86: {  	_ =	shalt  }
0x87: {  	_ =	shalt  }
.Lfunc_end0:
.L_simem_size_0:
called_computation_lowered:
.L_overlay_start_0:
0x88: {  	s2 =	sld [smem:$0x3FD9]  }
0x89: {  	s3 =	sld [smem:$0x3FFE];
	_ =	sdelay $0x1  }
0x8a: {  	s1 =	srdreg.scid  }
0x8b: {  	s0 =	sand.u32 $0x1, s1  }
0x8c: {  	s17 =	sshll.u32 s0, $0xA;
	s2 =	sadd.s32 s3, s2  }
0x8d: {  	s2 =	sadd.s32 s2, s17  }
0x8e: {  	[smem:$0x3FAF] =	sst s2  }
0x8f: {  	_ = 	snop  }
0x90: {  	s2 =	sld [smem:$0x3FC9];
	(tm) =	ssettm $0x1  }
0x91: {  	s18 =	sld [smem:$0x3FFB];
	_ =	sdelay $0x3  }
0x92: {  	_ =	strace s18  }
0x93: {  	s3 =	sld [smem:$0x3FFC];
	_ =	sdelay $0x3  }
0x94: {  	_ =	strace s3  }
0x95: {  	s3 =	sld [smem:$0x3FFD];
	_ =	sdelay $0x3  }
0x96: {  	_ =	strace s3  }
0x97: {  	_ =	strace $0x8FFFFFFF  }
0x98: {  	s19 =	sld [smem:$0x3FDB];
	_ =	sdelay $0x1  }
0x99: {  	s4 =	simm.s32 $_scs_section_size  }
0x9a: {  	s5 =	simm.s32 $_size__tile_overlayer_lowered;
	s6 =	simm.s32 $_tile_overlayer_lowered  }
0x9b: {  	s22 =	simm.s32 $0x1BFF;
	s21 =	sshll.u32 s6, $0x1;
	s3 =	sadd.s32 s4, s19  }
0x9c: {  	s7 =	simm.s32 $0x0;
	s20 =	sshll.u32 s5, $0x1;
	s5 =	sadd.s32 s21, s3  }
0x9d: {  	[timem:s7], [sflag:s22] =	dma.local [hbm:s5], s20  }
0x9e: {  	_ =	swait.ge [sflag:s22], s20  }
0x9f: {  	s4 =	ssub.s32 $0x0, s20;
	[sflag:s22] =	ssyncset.done $0x0  }
0xa0: {  	[sflag:s22] =	ssyncadd.s32 s4;
	_ =	sdelay $0x1  }
0xa1: {  	s23 =	simm.s32 $0x1B8B  }
0xa2: {  	_ =	swait.ge [sflag:s23], $0x1  }
0xa3: {  	[sflag:s23] =	ssyncset.done $0x0  }
0xa4: {  	s25 =	simm.s32 $0x1B8E;
	s24 =	sld [smem:$0x3FFE];
	[sflag:s23] =	ssyncadd.s32 $0xFFFFFFFF  }
0xa5: {  	s26 =	simm.s32 $execute0_lowered;
	[smem:$0x3FD2] =	sst s25  }
0xa6: {  	s5 =	sshll.u32 s26, $0x1;
	_ =	strace $0x80000046;
	[dreg:$0x1] =	wrdreg $0xFFFFFFFF  }
0xa7: {  	s28 =	simm.s32 $_size_execute0_lowered;
	s3 =	sadd.s32 s3, s5;
	[dreg:$0x0] =	wrdreg $0x0  }
0xa8: {  	s5 =	sshll.u32 s28, $0x1;
	[dreg:$0x2] =	wrdreg s3  }
0xa9: {  	[dreg:$0x3] =	wrdreg s5  }
0xaa: {  	[dreg:$0x4] =	wrdreg $0xC0  }
0xab: {  	_ =	task [dreg:s7], $0x5FFFF  }
0xac: {  	[dreg:$0x1] =	wrdreg $0xFFFFFFFF  }
0xad: {  	[dreg:$0x0] =	wrdreg $0x60  }
0xae: {  	[dreg:$0x2] =	wrdreg s2  }
0xaf: {  	[dreg:$0x3] =	wrdreg s24  }
0xb0: {  	[dreg:$0x4] =	wrdreg $0xA8000  }
0xb1: {  	[dreg:$0x5] =	wrdreg $0x9  }
0xb2: {  	_ =	task.clear_ibuf [dreg:s7], $0x6FFFF;
	_ =	strace $0x90000046  }
0xb3: {  	s29 =	simm.s32 $0x9;
	_ =	strace $0x80000048  }
0xb4: {  	_ =	swait.ge [sflag:s29], $0x1  }
0xb5: {  	[sflag:s29] =	ssyncadd.s32 $0xFFFFFFFF  }
0xb6: {  	_ =	strace $0x90000048  }
0xb7: {  	_ =	sfence  }
0xb8: {  	s30 =	sld [smem:$0x0];
	_ =	sdelay $0x2  }
0xb9: {  	s31 =	sshll.u32 s1, $0xD;
	s1 =	sshrl.u32 s1, $0x2  }
0xba: {  	s3 =	sand.u32 $0x4000, s31;
	s1 =	sadd.s32 s1, s30  }
0xbb: {  	s0 =	sor.u32 s3, s0;
	s1 =	sshll.u32 s1, $0x11  }
0xbc: {  	s0 =	sor.u32 s1, s0  }
0xbd: {  	s0 =	sadd.s32 $0x8F2B, s0  }
0xbe: {  	[sflag:s0] =	ssyncadd.remote.s32 $0x1  }
0xbf: {  	_ =	sfence.sel $0xFFFF  }
0xc0: {  	[dreg:$0x0] =	wrdreg $0xFFFFFFFF;
	(pc) =	sbr.abs _section_cstart, $3  }
0xc1: {  	[dreg:$0x1] =	wrdreg $0xFFFFFFFF  }
0xc2: {  	_ =	task.clear_ibuf [dreg:s7], $0x2FFFF;
	_ =	strace $0x9FFFFFFF  }
0xc3: {  	(tm) =	ssettm $0x7FFFFFFF  }
tec
execute0_lowered:
.L_overlay_start_1:
0x0: {  	(tag) =	ssettag $0x1  }
0x1: {  	s1 =	rddreg [dreg:$0x0]  }
0x2: {  	s5 =	rddreg [dreg:$0x1]  }
0x3: {  	s2 =	rddreg [dreg:$0x2]  }
0x4: {  	s0 =	rddreg [dreg:$0x3];
	s3 =	simm.s32 $0x0;
	s4 =	srdreg.scid  }
0x5: {  	s18 =	simm.s32 $0x3;
	s19 =	simm.s32 $0x1400;
	s20 =	simm.s32 $0x80  }
0x6: {  	s21 =	simm.s32 $0x6800;
	s22 =	simm.s32 $0x1;
	s23 =	simm.s32 $0x2  }
0x7: {  	s28 =	simm.s32 $0x2780;
	s6 =	sand.u32 $0x1, s4;
	s4 =	stileid.u32  }
0x8: {  	[smem:$0x7FF] =	sst s3;
	s15 =	sadd.s32 $0x6000, s5;
	s9 =	smul.u32 $0x50000, s4  }
0x9: {  	s16 =	sadd.s32 $0x10000, s5;
	s10 =	sadd.s32 $0x1A000, s5;
	s24 =	smul.u32 $0x138800, s6  }
0xa: {  	_ =	strace $0x80000047;
	s7 =	ssub.s32 $0x2, s6;
	s29 =	smul.u32 $0x13800, s4  }
0xb: {  	s25 =	sshll.u32 s6, $0x4;
	s30 =	smul.u32 $0x4E000, s4;
	p0 =	sne.s32 s4, $0x0  }
0xc: {  	s8 =	sshrl.u32 s7, $0x1;
	s11 =	sor.u32 s4, s25;
	s25 =	sadd.s32 $0x138000, s2  }
0xd: {  	s8 =	ssub.s32 s7, s8;
	s26 =	sshrl.u32 s9, $0x2;
	s12 =	smul.u32 $0x2800, s11  }
0xe: {  	s9 =	sadd.s32 s29, s24;
	s7 =	sshrl.u32 s24, $0x3;
	s31 =	sshrl.u32 s30, $0x2  }
0xf: {  	s25 =	sshrl.u32 @!p0 s25, $0x3;
	s5 =	sadd.s32 s26, s2;
	s9 =	sshrl.u32 s9, $0x3  }
0x10: {  	s7 =	sadd.s32 s10, s7;
	s24 =	sadd.s32 s31, s2;
	s8 =	smax.u32 s8, $0x1  }
0x11: {  	s26 =	simm.s32 $0x2700;
	s6 =	sadd.s32 s10, s9;
	s7 =	sadd.s32 $0x27000, s7  }
0x12: {  	s9 =	sadd.s32 $0x4000, s5;
	s10 =	sadd.s32 $0x8000, s5;
	s11 =	sadd.s32 $0xC000, s5  }
0x13: {  	s14 =	sshrl.u32 s12, $0x3;
	s12 =	sadd.s32 $0x10000, s5;
	s24 =	sshrl.u32 s24, $0x3  }
0x14: {  	s13 =	sadd.s32 s15, s14;
	s17 =	sadd.s32 $0x280, s14;
	s14 =	sadd.s32 s16, s14  }
0x15: {  	v0 =	vimm.f32 $0.0e+00;
	s15 =	sadd.s32 s15, s17;
	s16 =	sadd.s32 s16, s17;
	s17 =	simm.s32 $0x2800  }
.LBB2_1:
0x16: {  	s29 =	simm.s32 $0x0;
	s30 =	simm.s32 $0x200  }
.LBB2_2:
0x17: {  	p1 =	sne.s32 s30, $0xFE00;
	[tilespmem:s29+$0x2870] =	vst v0  }
0x18: {  	[tilespmem:s29+$0x2800] =	vst v0  }
0x19: {  	[tilespmem:s29+$0x2810] =	vst v0  }
.Ltmp0:
0x1a: {  	[tilespmem:s29+$0x2820] =	vst v0;
	(pc) =	sbr.rel @p1 .LBB2_2-.Ltmp0, $4  }
0x1b: {  	[tilespmem:s29+$0x2830] =	vst v0  }
0x1c: {  	[tilespmem:s29+$0x2840] =	vst v0  }
0x1d: {  	[tilespmem:s29+$0x2850] =	vst v0  }
0x1e: {  	[tilespmem:s29+$0x2860] =	vst v0;
	s29 =	sshra.s32 s30, $0x2;
	s30 =	sadd.s32 $0x200, s30  }
0x1f: {  	[tilespmem:s29+$0x2870] =	vst v0  }
0x20: {  	[tilespmem:s29+$0x2800] =	vst v0  }
0x21: {  	[tilespmem:s29+$0x2810] =	vst v0  }
0x22: {  	[tilespmem:s29+$0x2820] =	vst v0  }
0x23: {  	[tilespmem:s29+$0x2830] =	vst v0  }
0x24: {  	[tilespmem:s29+$0x2840] =	vst v0  }
0x25: {  	[tilespmem:s29+$0x2850] =	vst v0  }
0x26: {  	[tilespmem:s29+$0x2860] =	vst v0  }
0x27: {  	[spmem:s5] =	stream.linear.scatter [tilespmem:s17], [sflag:$0x3], $0x4000, $0x38;
	[tilespmem:$0x1E800] =	vst v63  }
0x28: {  	_ =	swait.ge [sflag:s18], $0x4000  }
0x29: {  	[sflag:s18] =	ssyncset.done $0x0  }
0x2a: {  	[sflag:s18] =	ssyncadd.s32 $0xFFFFC000  }
0x2b: {  	[spmem:s9] =	stream.linear.scatter [tilespmem:s17], [sflag:$0x3], $0x4000, $0x38;
	[tilespmem:$0x1E800] =	vst v63  }
0x2c: {  	_ =	swait.ge [sflag:s18], $0x4000  }
0x2d: {  	[sflag:s18] =	ssyncset.done $0x0  }
0x2e: {  	[sflag:s18] =	ssyncadd.s32 $0xFFFFC000  }
0x2f: {  	[spmem:s10] =	stream.linear.scatter [tilespmem:s17], [sflag:$0x3], $0x4000, $0x38;
	[tilespmem:$0x1E800] =	vst v63  }
0x30: {  	_ =	swait.ge [sflag:s18], $0x4000  }
0x31: {  	[sflag:s18] =	ssyncset.done $0x0  }
0x32: {  	[sflag:s18] =	ssyncadd.s32 $0xFFFFC000  }
0x33: {  	[spmem:s11] =	stream.linear.scatter [tilespmem:s17], [sflag:$0x3], $0x4000, $0x38;
	[tilespmem:$0x1E800] =	vst v63  }
0x34: {  	_ =	swait.ge [sflag:s18], $0x4000  }
0x35: {  	[sflag:s18] =	ssyncset.done $0x0  }
0x36: {  	[sflag:s18] =	ssyncadd.s32 $0xFFFFC000  }
0x37: {  	[spmem:s12] =	stream.linear.scatter [tilespmem:s17], [sflag:$0x3], $0x4000, $0x38;
	[tilespmem:$0x1E800] =	vst v63  }
0x38: {  	_ =	swait.ge [sflag:s18], $0x4000  }
0x39: {  	[sflag:s18] =	ssyncset.done $0x0  }
0x3a: {  	[sflag:s18] =	ssyncadd.s32 $0xFFFFC000  }
0x3b: {  	s29 =	simm.s32 $0x0;
	[bflag:$0x0] =	sbarrier.arrive $0xFFFF  }
0x3c: {  	[tilespmem:s29], [sflag:$0x3] =	stream.linear.gather [hbm4b:s13+s29], $0x1400, $0x38;
	[tilespmem:$0x1E800] =	vst v63  }
0x3d: {  	_ =	swait.ge [sflag:s18], $0x1400  }
0x3e: {  	[sflag:s18] =	ssyncset.done $0x0  }
0x3f: {  	[sflag:s18] =	ssyncadd.s32 $0xFFFFEC00  }
0x40: {  	[tilespmem:s19], [sflag:$0x3] =	stream.linear.gather [hbm4b:s14+s29], $0x1400, $0x38;
	[tilespmem:$0x1E800] =	vst v63  }
0x41: {  	_ =	swait.ge [sflag:s18], $0x1400  }
0x42: {  	[sflag:s18] =	ssyncset.done $0x0  }
0x43: {  	[sflag:s18] =	ssyncadd.s32 $0xFFFFEC00  }
0x44: {  	[tilespmem:s17], [sflag:$0x1] =	stream.indirect.gather [hbm4b:s1+s20], $0x80, s29, s20, $0xb8;
	[tilespmem:$0x1E800] =	vst v63  }
0x45: {  	_ = 	snop  }
0x46: {  	[tilespmem:s21], [sflag:$0x2] =	stream.indirect.gather [hbm4b:s1+s20], $0x80, s20, s20, $0xb8;
	[tilespmem:$0x1E800] =	vst v63  }
0x47: {  	_ =	swait.ge [sflag:s22], $0x4000  }
0x48: {  	[sflag:s22] =	ssyncset.done $0x0  }
0x49: {  	s29 =	simm.s32 $0x1400;
	[sflag:s22] =	ssyncadd.s32 $0xFFFFC000  }
0x4a: {  	[spmem:s2] =	stream.indirect.scatter.add.f32 [tilespmem:s17], [sflag:$0x3], $0x80, s29, s20, $0xb8;
	[tilespmem:$0x1E800] =	vst v63  }
0x4b: {  	_ =	swait.ge [sflag:s18], $0x4000  }
0x4c: {  	[sflag:s18] =	ssyncset.done $0x0  }
0x4d: {  	s29 =	simm.s32 $0x100;
	[sflag:s18] =	ssyncadd.s32 $0xFFFFC000  }
0x4e: {  	[tilespmem:s17], [sflag:$0x1] =	stream.indirect.gather [hbm4b:s1+s20], $0x80, s29, s20, $0xb8;
	[tilespmem:$0x1E800] =	vst v63  }
0x4f: {  	_ =	swait.ge [sflag:s23], $0x4000  }
0x50: {  	[sflag:s23] =	ssyncset.done $0x0  }
0x51: {  	s29 =	simm.s32 $0x1480;
	[sflag:s23] =	ssyncadd.s32 $0xFFFFC000  }
0x52: {  	[spmem:s2] =	stream.indirect.scatter.add.f32 [tilespmem:s21], [sflag:$0x3], $0x80, s29, s20, $0xb8;
	[tilespmem:$0x1E800] =	vst v63  }
0x53: {  	_ =	swait.ge [sflag:s18], $0x4000  }
0x54: {  	[sflag:s18] =	ssyncset.done $0x0  }
0x55: {  	s30 =	simm.s32 $0x180;
	s29 =	simm.s32 $0x400;
	[sflag:s18] =	ssyncadd.s32 $0xFFFFC000  }
.LBB2_4:
0x56: {  	[tilespmem:s21], [sflag:$0x2] =	stream.indirect.gather [hbm4b:s1+s20], $0x80, s30, s20, $0xb8;
	[tilespmem:$0x1E800] =	vst v63  }
0x57: {  	s30 =	smov.u32 s29  }
0x58: {  	p1 =	sne.s32 s29, $0x4800;
	s29 =	sadd.s32 $0x400, s29;
	_ =	swait.ge [sflag:s22], $0x4000  }
0x59: {  	s30 =	sshra.s32 s30, $0x2;
	[sflag:s22] =	ssyncset.done $0x0  }
0x5a: {  	s31 =	sadd.s32 $0x1400, s30;
	[sflag:s22] =	ssyncadd.s32 $0xFFFFC000  }
0x5b: {  	[spmem:s2] =	stream.indirect.scatter.add.f32 [tilespmem:s17], [sflag:$0x3], $0x80, s31, s20, $0xb8;
	[tilespmem:$0x1E800] =	vst v63  }
0x5c: {  	_ =	swait.ge [sflag:s18], $0x4000  }
0x5d: {  	[sflag:s18] =	ssyncset.done $0x0  }
0x5e: {  	s31 =	sadd.s32 $0x100, s30;
	[sflag:s18] =	ssyncadd.s32 $0xFFFFC000  }
0x5f: {  	[tilespmem:s17], [sflag:$0x1] =	stream.indirect.gather [hbm4b:s1+s20], $0x80, s31, s20, $0xb8;
	[tilespmem:$0x1E800] =	vst v63  }
0x60: {  	_ =	swait.ge [sflag:s23], $0x4000  }
0x61: {  	[sflag:s23] =	ssyncset.done $0x0  }
.Ltmp1:
0x62: {  	s31 =	sadd.s32 $0x1480, s30;
	[sflag:s23] =	ssyncadd.s32 $0xFFFFC000;
	(pc) =	sbr.rel @p1 .LBB2_4-.Ltmp1, $4  }
0x63: {  	[spmem:s2] =	stream.indirect.scatter.add.f32 [tilespmem:s21], [sflag:$0x3], $0x80, s31, s20, $0xb8;
	[tilespmem:$0x1E800] =	vst v63  }
0x64: {  	_ =	swait.ge [sflag:s18], $0x4000  }
0x65: {  	[sflag:s18] =	ssyncset.done $0x0  }
0x66: {  	s30 =	sadd.s32 $0x180, s30;
	[sflag:s18] =	ssyncadd.s32 $0xFFFFC000  }
0x67: {  	[tilespmem:s21], [sflag:$0x2] =	stream.indirect.gather [hbm4b:s1+s20], $0x80, s30, s20, $0xb8;
	[tilespmem:$0x1E800] =	vst v63  }
0x68: {  	_ =	swait.ge [sflag:s22], $0x4000  }
0x69: {  	[sflag:s22] =	ssyncset.done $0x0  }
0x6a: {  	[sflag:s22] =	ssyncadd.s32 $0xFFFFC000  }
0x6b: {  	[spmem:s2] =	stream.indirect.scatter.add.f32 [tilespmem:s17], [sflag:$0x3], $0x80, s26, s20, $0xb8;
	[tilespmem:$0x1E800] =	vst v63  }
0x6c: {  	_ =	swait.ge [sflag:s18], $0x4000  }
0x6d: {  	[sflag:s18] =	ssyncset.done $0x0  }
0x6e: {  	[sflag:s18] =	ssyncadd.s32 $0xFFFFC000  }
0x6f: {  	_ =	swait.ge [sflag:s23], $0x4000  }
0x70: {  	[sflag:s23] =	ssyncset.done $0x0  }
0x71: {  	[sflag:s23] =	ssyncadd.s32 $0xFFFFC000  }
0x72: {  	[spmem:s2] =	stream.indirect.scatter.add.f32 [tilespmem:s21], [sflag:$0x3], $0x80, s28, s20, $0xb8;
	[tilespmem:$0x1E800] =	vst v63  }
0x73: {  	_ =	swait.ge [sflag:s18], $0x4000  }
0x74: {  	[sflag:s18] =	ssyncset.done $0x0  }
0x75: {  	s29 =	simm.s32 $0x0;
	[sflag:s18] =	ssyncadd.s32 $0xFFFFC000  }
0x76: {  	[tilespmem:s29], [sflag:$0x3] =	stream.linear.gather [hbm4b:s15+s29], $0x1400, $0x38;
	[tilespmem:$0x1E800] =	vst v63  }
0x77: {  	_ =	swait.ge [sflag:s18], $0x1400  }
0x78: {  	[sflag:s18] =	ssyncset.done $0x0  }
0x79: {  	[sflag:s18] =	ssyncadd.s32 $0xFFFFEC00  }
0x7a: {  	[tilespmem:s19], [sflag:$0x3] =	stream.linear.gather [hbm4b:s16+s29], $0x1400, $0x38;
	[tilespmem:$0x1E800] =	vst v63  }
0x7b: {  	_ =	swait.ge [sflag:s18], $0x1400  }
0x7c: {  	[sflag:s18] =	ssyncset.done $0x0  }
0x7d: {  	[sflag:s18] =	ssyncadd.s32 $0xFFFFEC00  }
0x7e: {  	[tilespmem:s17], [sflag:$0x1] =	stream.indirect.gather [hbm4b:s1+s20], $0x80, s29, s20, $0xb8;
	[tilespmem:$0x1E800] =	vst v63  }
0x7f: {  	_ = 	snop  }
0x80: {  	[tilespmem:s21], [sflag:$0x2] =	stream.indirect.gather [hbm4b:s1+s20], $0x80, s20, s20, $0xb8;
	[tilespmem:$0x1E800] =	vst v63  }
0x81: {  	_ =	swait.ge [sflag:s22], $0x4000  }
0x82: {  	[sflag:s22] =	ssyncset.done $0x0  }
0x83: {  	s29 =	simm.s32 $0x1400;
	[sflag:s22] =	ssyncadd.s32 $0xFFFFC000  }
0x84: {  	[spmem:s2] =	stream.indirect.scatter.add.f32 [tilespmem:s17], [sflag:$0x3], $0x80, s29, s20, $0xb8;
	[tilespmem:$0x1E800] =	vst v63  }
0x85: {  	_ =	swait.ge [sflag:s18], $0x4000  }
0x86: {  	[sflag:s18] =	ssyncset.done $0x0  }
0x87: {  	s29 =	simm.s32 $0x100;
	[sflag:s18] =	ssyncadd.s32 $0xFFFFC000  }
0x88: {  	[tilespmem:s17], [sflag:$0x1] =	stream.indirect.gather [hbm4b:s1+s20], $0x80, s29, s20, $0xb8;
	[tilespmem:$0x1E800] =	vst v63  }
0x89: {  	_ =	swait.ge [sflag:s23], $0x4000  }
0x8a: {  	[sflag:s23] =	ssyncset.done $0x0  }
0x8b: {  	s29 =	simm.s32 $0x1480;
	[sflag:s23] =	ssyncadd.s32 $0xFFFFC000  }
0x8c: {  	[spmem:s2] =	stream.indirect.scatter.add.f32 [tilespmem:s21], [sflag:$0x3], $0x80, s29, s20, $0xb8;
	[tilespmem:$0x1E800] =	vst v63  }
0x8d: {  	_ =	swait.ge [sflag:s18], $0x4000  }
0x8e: {  	[sflag:s18] =	ssyncset.done $0x0  }
0x8f: {  	s30 =	simm.s32 $0x180;
	s29 =	simm.s32 $0x400;
	[sflag:s18] =	ssyncadd.s32 $0xFFFFC000  }
.LBB2_6:
0x90: {  	[tilespmem:s21], [sflag:$0x2] =	stream.indirect.gather [hbm4b:s1+s20], $0x80, s30, s20, $0xb8;
	[tilespmem:$0x1E800] =	vst v63  }
0x91: {  	s30 =	smov.u32 s29  }
0x92: {  	p1 =	sne.s32 s29, $0x4800;
	s29 =	sadd.s32 $0x400, s29;
	_ =	swait.ge [sflag:s22], $0x4000  }
0x93: {  	s30 =	sshra.s32 s30, $0x2;
	[sflag:s22] =	ssyncset.done $0x0  }
0x94: {  	s31 =	sadd.s32 $0x1400, s30;
	[sflag:s22] =	ssyncadd.s32 $0xFFFFC000  }
0x95: {  	[spmem:s2] =	stream.indirect.scatter.add.f32 [tilespmem:s17], [sflag:$0x3], $0x80, s31, s20, $0xb8;
	[tilespmem:$0x1E800] =	vst v63  }
0x96: {  	_ =	swait.ge [sflag:s18], $0x4000  }
0x97: {  	[sflag:s18] =	ssyncset.done $0x0  }
0x98: {  	s31 =	sadd.s32 $0x100, s30;
	[sflag:s18] =	ssyncadd.s32 $0xFFFFC000  }
0x99: {  	[tilespmem:s17], [sflag:$0x1] =	stream.indirect.gather [hbm4b:s1+s20], $0x80, s31, s20, $0xb8;
	[tilespmem:$0x1E800] =	vst v63  }
0x9a: {  	_ =	swait.ge [sflag:s23], $0x4000  }
0x9b: {  	[sflag:s23] =	ssyncset.done $0x0  }
.Ltmp2:
0x9c: {  	s31 =	sadd.s32 $0x1480, s30;
	[sflag:s23] =	ssyncadd.s32 $0xFFFFC000;
	(pc) =	sbr.rel @p1 .LBB2_6-.Ltmp2, $4  }
0x9d: {  	[spmem:s2] =	stream.indirect.scatter.add.f32 [tilespmem:s21], [sflag:$0x3], $0x80, s31, s20, $0xb8;
	[tilespmem:$0x1E800] =	vst v63  }
0x9e: {  	_ =	swait.ge [sflag:s18], $0x4000  }
0x9f: {  	[sflag:s18] =	ssyncset.done $0x0  }
0xa0: {  	s30 =	sadd.s32 $0x180, s30;
	[sflag:s18] =	ssyncadd.s32 $0xFFFFC000  }
0xa1: {  	[tilespmem:s21], [sflag:$0x2] =	stream.indirect.gather [hbm4b:s1+s20], $0x80, s30, s20, $0xb8;
	[tilespmem:$0x1E800] =	vst v63  }
0xa2: {  	_ =	swait.ge [sflag:s22], $0x4000  }
0xa3: {  	[sflag:s22] =	ssyncset.done $0x0  }
0xa4: {  	[sflag:s22] =	ssyncadd.s32 $0xFFFFC000  }
0xa5: {  	[spmem:s2] =	stream.indirect.scatter.add.f32 [tilespmem:s17], [sflag:$0x3], $0x80, s26, s20, $0xb8;
	[tilespmem:$0x1E800] =	vst v63  }
0xa6: {  	_ =	swait.ge [sflag:s18], $0x4000  }
0xa7: {  	[sflag:s18] =	ssyncset.done $0x0  }
0xa8: {  	[sflag:s18] =	ssyncadd.s32 $0xFFFFC000  }
0xa9: {  	_ =	swait.ge [sflag:s23], $0x4000  }
0xaa: {  	[sflag:s23] =	ssyncset.done $0x0  }
0xab: {  	[sflag:s23] =	ssyncadd.s32 $0xFFFFC000  }
0xac: {  	[spmem:s2] =	stream.indirect.scatter.add.f32 [tilespmem:s21], [sflag:$0x3], $0x80, s28, s20, $0xb8;
	[tilespmem:$0x1E800] =	vst v63  }
0xad: {  	_ =	swait.ge [sflag:s18], $0x4000  }
0xae: {  	[sflag:s18] =	ssyncset.done $0x0  }
0xaf: {  	s29 =	sshll.u32 s4, $0x6;
	[sflag:s18] =	ssyncadd.s32 $0xFFFFC000  }
0xb0: {  	s29 =	sor.u32 $0x1C03, s29;
	[bflag:$0x0] =	sbarrier.arrive $0xFFFF  }
0xb1: {  	[hbm:s6], [sflag:s29] =	dma.local [spmem:s24], $0x2700  }
0xb2: {  	_ =	swait.ge [sflag:s18], $0x2700  }
0xb3: {  	s3 =	sadd.s32 $0x1, s3;
	[sflag:s18] =	ssyncset.done $0x0  }
0xb4: {  	p1 =	sne.s32 s3, s8;
	[sflag:s18] =	ssyncadd.s32 $0xFFFFD900  }
0xb5: {  	[hbm:s7], [sflag:s29] =	dma.local @!p0 [spmem:s25], $0x100  }
.Ltmp3:
0xb6: {  	_ = 	snop;
	(pc) =	sbr.rel @p1 .LBB2_1-.Ltmp3, $4  }
0xb7: {  	s29 =	simm.s32 @!p0 $0x3  }
0xb8: {  	_ =	swait.ge @!p0 [sflag:s29], $0x100  }
0xb9: {  	[sflag:s29] =	ssyncset.done @!p0 $0x0  }
0xba: {  	[sflag:s29] =	ssyncadd.s32 @!p0 $0xFFFFFF00  }
0xbb: {  	_ =	sfence.sel $0x180000  }
0xbc: {  	[bflag:$0x0] =	sbarrier.arrive $0xFFFF  }
0xbd: {  	_ =	strace $0x90000047  }
0xbe: {  	s0 =	sadd.s32 @!p0 $0x100000, s0;
	[bflag:$0x2] =	sbarrier.arrive $0xFFFF  }
0xbf: {  	[sflag:s0] =	ssyncadd.tile.s32 @!p0 $0x1;
	_ =	shalt  }
.Lfunc_end2:
_tile_overlayer_lowered:
.L_overlay_start_2:
0xc0: {  	(tag) =	ssettag $0x2  }
0xc1: {  	s0 =	rddreg [dreg:$0x0];
	s2 =	stileid.u32  }
0xc2: {  	s1 =	rddreg [dreg:$0x1];
	p0 =	sne.s32 s2, $0x0  }
0xc3: {  	s3 =	rddreg [dreg:$0x2];
	[bflag:$0x3] =	sbarrier.arrive $0xFFFF;
	s2 =	simm.s32 @!p0 $0x1C03  }
0xc4: {  	[timem:s3], [sflag:s2] =	dma.local @!p0 [hbm:s0], s1  }
0xc5: {  	s0 =	simm.s32 @!p0 $0x3  }
0xc6: {  	_ =	swait.ge @!p0 [sflag:s0], s1  }
0xc7: {  	s1 =	ssub.s32 @!p0 $0x0, s1;
	[sflag:s0] =	ssyncset.done @!p0 $0x0  }
0xc8: {  	[sflag:s0] =	ssyncadd.s32 @!p0 s1  }
0xc9: {  	[bflag:$0x3] =	sbarrier.arrive $0xFFFF  }
0xca: {  	_ =	shalt  }

// kernel: kernel.15.cloned.1.call-start
scs
__scs_entry_jumppad:
0x0: {  	(pc) =	sbr.rel $0x88, $3  }
0x1: {  	(tag) =	ssettag $0x0;
	lr =	simm.s32 $0x1  }
0x2: {  	[smem:$0x3F88] =	sst lr;
	_ =	strace $0xD0000000  }
0x3: {  	_ = 	snop  }
0x4: {  	_ = 	snop  }
0x5: {  	_ = 	snop  }
0x6: {  	_ = 	snop  }
0x7: {  	_ = 	snop  }
__scs_overlays_trampoline_lowered:
0x8: {  	[smem:$0x3F97] =	sst s0  }
0x9: {  	[smem:$0x3F98] =	sst s1  }
0xa: {  	[smem:$0x3F99] =	sst s2  }
0xb: {  	[smem:$0x3F9A] =	sst s3  }
0xc: {  	[smem:$0x3F9B] =	sst s4  }
0xd: {  	[smem:$0x3F9C] =	sst s5  }
0xe: {  	[smem:$0x3F9D] =	sst s6  }
0xf: {  	[smem:$0x3F9E] =	sst s7  }
0x10: {  	[smem:$0x3F9F] =	sst s8  }
0x11: {  	[smem:$0x3FA0] =	sst s9;
	s0 =	simm.s32 @!p0 $0x0  }
0x12: {  	s1 =	sld [smem:$0x3F86];
	s0 =	simm.s32 @p0 $0x1  }
0x13: {  	[smem:$0x3FA1] =	sst s0;
	s0 =	simm.s32 @!p1 $0x0  }
0x14: {  	s2 =	sld [smem:$0x3F85];
	s0 =	simm.s32 @p1 $0x1  }
0x15: {  	[smem:$0x3FA2] =	sst s0;
	s0 =	simm.s32 @!p2 $0x0  }
0x16: {  	s3 =	sld [smem:$0x3FDB];
	s0 =	simm.s32 @p2 $0x1  }
0x17: {  	s4 =	simm.s32 $0x1BF5;
	[smem:$0x3FA4] =	sst s0  }
0x18: {  	s0 =	sld [smem:$0x3F87];
	_ =	swait.ge [sflag:s4], $0x0  }
0x19: {  	s7 =	sld [smem:$0x3F88]  }
0x1a: {  	s8 =	sadd.s32 $0xFFFFE003, lr  }
0x1b: {  	s9 =	sadd.s32 $0xFFFFFEF7, lr;
	s5 =	simm.s32 $0xFFFFFFFF;
	p2 =	slt.u32 s8, $0xFFFFF086  }
0x1c: {  	p1 =	slt.u32 s9, $0xF7A;
	s5 =	simm.s32 @!p2 $0x0  }
0x1d: {  	s5 =	simm.s32 @p1 $0x1;
	p0 =	seq.s32 s7, s2  }
0x1e: {  	s7 =	smul.u32 @!p0 $0xF7A, s2;
	p2 =	seq.s32 @!p0 s5, $0x0  }
0x1f: {  	s9 =	smul.u32 $0xF7A, s1;
	s8 =	simm.s32 @!p0 $0x1BF5;
	p2 =	por !p2, p0  }
0x20: {  	[sflag:s8] =	ssyncset.s32 @!p0 $0xFFFFF086;
	s6 =	sadd.s32 @!p0 s3, s7;
	s7 =	simm.s32 @!p0 $0x108  }
0x21: {  	s3 =	sadd.s32 s3, s9;
	s6 =	sadd.s32 @!p0 $0x88, s6;
	s7 =	simm.s32 @p2 $0x1082  }
0x22: {  	[simem:s7], [sflag:s8] =	dma.local @!p0 [hbm:s6], $0xF7A  }
0x23: {  	s9 =	sor.u32 $0xD0000000, s2;
	s6 =	simm.s32 $0x108;
	_ =	swait.ge @!p0 [sflag:s8], $0x0  }
0x24: {  	s3 =	sadd.s32 $0x88, s3;
	s6 =	simm.s32 @!p1 $0x1082;
	[sflag:s4] =	ssyncset.s32 $0xFFFFF086  }
0x25: {  	[simem:s6], [sflag:s4] =	dma.local [hbm:s3], $0xF7A  }
0x26: {  	[smem:$0x3F88] =	sst s1;
	(tag) =	ssettag s2;
	_ =	strace s9  }
0x27: {  	s1 =	sld [smem:$0x3F98]  }
0x28: {  	s2 =	sld [smem:$0x3F99]  }
0x29: {  	s4 =	sld [smem:$0x3F9B]  }
0x2a: {  	p0 =	seq.s32 s5, $0x0;
	s5 =	sld [smem:$0x3F9C]  }
0x2b: {  	s6 =	sld [smem:$0x3F9D]  }
0x2c: {  	s7 =	sld [smem:$0x3F9E]  }
0x2d: {  	s3 =	simm.s32 $0x108;
	s8 =	sld [smem:$0x3F9F]  }
0x2e: {  	s3 =	simm.s32 @!p0 $0x1082;
	s9 =	sld [smem:$0x3FA0]  }
0x2f: {  	lr =	sadd.s32 s0, s3;
	s0 =	sld [smem:$0x3F97]  }
0x30: {  	s3 =	sld [smem:$0x3F9A]  }
0x31: {  	[smem:$0x3FA3] =	sst s10  }
0x32: {  	s10 =	sld [smem:$0x3FA1];
	_ =	sdelay $0x3  }
0x33: {  	p0 =	seq.s32 s10, $0x1;
	s10 =	sld [smem:$0x3FA3];
	_ =	sdelay $0x3  }
0x34: {  	[smem:$0x3FA3] =	sst s10  }
0x35: {  	s10 =	sld [smem:$0x3FA2];
	_ =	sdelay $0x3  }
0x36: {  	p1 =	seq.s32 s10, $0x1;
	s10 =	sld [smem:$0x3FA3];
	_ =	sdelay $0x3  }
0x37: {  	[smem:$0x3FA3] =	sst s10  }
0x38: {  	s10 =	sld [smem:$0x3FA4]  }
0x39: {  	_ = 	snop;
	(pc) =	sbr.ind lr, $3  }
0x3a: {  	_ = 	snop  }
0x3b: {  	_ = 	snop  }
0x3c: {  	p2 =	seq.s32 s10, $0x1;
	s10 =	sld [smem:$0x3FA3]  }
0x3d: {  	_ =	shalt  }
0x3e: {  	_ =	shalt  }
0x3f: {  	_ =	shalt  }
0x40: {  	_ =	shalt  }
0x41: {  	_ =	shalt  }
0x42: {  	_ =	shalt  }
0x43: {  	_ =	shalt  }
0x44: {  	_ =	shalt  }
0x45: {  	_ =	shalt  }
0x46: {  	_ =	shalt  }
0x47: {  	_ =	shalt  }
0x48: {  	_ =	shalt  }
0x49: {  	_ =	shalt  }
0x4a: {  	_ =	shalt  }
0x4b: {  	_ =	shalt  }
0x4c: {  	_ =	shalt  }
0x4d: {  	_ =	shalt  }
0x4e: {  	_ =	shalt  }
0x4f: {  	_ =	shalt  }
0x50: {  	_ =	shalt  }
0x51: {  	_ =	shalt  }
0x52: {  	_ =	shalt  }
0x53: {  	_ =	shalt  }
0x54: {  	_ =	shalt  }
0x55: {  	_ =	shalt  }
0x56: {  	_ =	shalt  }
0x57: {  	_ =	shalt  }
0x58: {  	_ =	shalt  }
0x59: {  	_ =	shalt  }
0x5a: {  	_ =	shalt  }
0x5b: {  	_ =	shalt  }
0x5c: {  	_ =	shalt  }
0x5d: {  	_ =	shalt  }
0x5e: {  	_ =	shalt  }
0x5f: {  	_ =	shalt  }
0x60: {  	_ =	shalt  }
0x61: {  	_ =	shalt  }
0x62: {  	_ =	shalt  }
0x63: {  	_ =	shalt  }
0x64: {  	_ =	shalt  }
0x65: {  	_ =	shalt  }
0x66: {  	_ =	shalt  }
0x67: {  	_ =	shalt  }
0x68: {  	_ =	shalt  }
0x69: {  	_ =	shalt  }
0x6a: {  	_ =	shalt  }
0x6b: {  	_ =	shalt  }
0x6c: {  	_ =	shalt  }
0x6d: {  	_ =	shalt  }
0x6e: {  	_ =	shalt  }
0x6f: {  	_ =	shalt  }
0x70: {  	_ =	shalt  }
0x71: {  	_ =	shalt  }
0x72: {  	_ =	shalt  }
0x73: {  	_ =	shalt  }
0x74: {  	_ =	shalt  }
0x75: {  	_ =	shalt  }
0x76: {  	_ =	shalt  }
0x77: {  	_ =	shalt  }
0x78: {  	_ =	shalt  }
0x79: {  	_ =	shalt  }
0x7a: {  	_ =	shalt  }
0x7b: {  	_ =	shalt  }
0x7c: {  	_ =	shalt  }
0x7d: {  	_ =	shalt  }
0x7e: {  	_ =	shalt  }
0x7f: {  	_ =	shalt  }
0x80: {  	_ =	shalt  }
0x81: {  	_ =	shalt  }
0x82: {  	_ =	shalt  }
0x83: {  	_ =	shalt  }
0x84: {  	_ =	shalt  }
0x85: {  	_ =	shalt  }
0x86: {  	_ =	shalt  }
0x87: {  	_ =	shalt  }
.Lfunc_end0:
.L_simem_size_0:
called_computation.1_lowered:
.L_overlay_start_0:
0x88: {  	s2 =	sld [smem:$0x3FD9]  }
0x89: {  	s3 =	sld [smem:$0x3FFE];
	_ =	sdelay $0x1  }
0x8a: {  	s1 =	srdreg.scid  }
0x8b: {  	s0 =	sand.u32 $0x1, s1  }
0x8c: {  	s16 =	sshll.u32 s0, $0xA;
	s2 =	sadd.s32 s3, s2  }
0x8d: {  	s2 =	sadd.s32 s2, s16  }
0x8e: {  	[smem:$0x3FAF] =	sst s2  }
0x8f: {  	_ = 	snop  }
0x90: {  	(tm) =	ssettm $0x1  }
0x91: {  	s17 =	sld [smem:$0x3FFB];
	_ =	sdelay $0x3  }
0x92: {  	_ =	strace s17  }
0x93: {  	s2 =	sld [smem:$0x3FFC];
	_ =	sdelay $0x3  }
0x94: {  	_ =	strace s2  }
0x95: {  	s2 =	sld [smem:$0x3FFD];
	_ =	sdelay $0x3  }
0x96: {  	_ =	strace s2  }
0x97: {  	_ =	strace $0x8FFFFFFF  }
0x98: {  	s18 =	sld [smem:$0x3FDB];
	_ =	sdelay $0x1  }
0x99: {  	s19 =	simm.s32 $_scs_section_size  }
0x9a: {  	s4 =	simm.s32 $_size__tile_overlayer_lowered;
	s5 =	simm.s32 $_tile_overlayer_lowered  }
0x9b: {  	s22 =	simm.s32 $0x1BFF;
	s21 =	sshll.u32 s5, $0x1;
	s2 =	sadd.s32 s19, s18  }
0x9c: {  	s6 =	simm.s32 $0x0;
	s20 =	sshll.u32 s4, $0x1;
	s4 =	sadd.s32 s21, s2  }
0x9d: {  	[timem:s6], [sflag:s22] =	dma.local [hbm:s4], s20  }
0x9e: {  	_ =	swait.ge [sflag:s22], s20  }
0x9f: {  	s3 =	ssub.s32 $0x0, s20;
	[sflag:s22] =	ssyncset.done $0x0  }
0xa0: {  	[sflag:s22] =	ssyncadd.s32 s3;
	_ =	sdelay $0x1  }
0xa1: {  	s23 =	simm.s32 $0x1B8B  }
0xa2: {  	_ =	swait.ge [sflag:s23], $0x1  }
0xa3: {  	[sflag:s23] =	ssyncset.done $0x0  }
0xa4: {  	s25 =	simm.s32 $0x1B8E;
	s24 =	sld [smem:$0x3FFE];
	[sflag:s23] =	ssyncadd.s32 $0xFFFFFFFF  }
0xa5: {  	s26 =	simm.s32 $execute0_lowered;
	[smem:$0x3FD2] =	sst s25  }
0xa6: {  	s4 =	sshll.u32 s26, $0x1;
	_ =	strace $0x80000049;
	[dreg:$0x1] =	wrdreg $0xFFFFFFFF  }
0xa7: {  	s28 =	simm.s32 $_size_execute0_lowered;
	s2 =	sadd.s32 s2, s4;
	[dreg:$0x0] =	wrdreg $0x0  }
0xa8: {  	s4 =	sshll.u32 s28, $0x1;
	[dreg:$0x2] =	wrdreg s2  }
0xa9: {  	[dreg:$0x3] =	wrdreg s4  }
0xaa: {  	[dreg:$0x4] =	wrdreg $0xC0  }
0xab: {  	_ =	task [dreg:s6], $0x5FFFF  }
0xac: {  	[dreg:$0x1] =	wrdreg $0xFFFFFFFF  }
0xad: {  	[dreg:$0x0] =	wrdreg $0x60  }
0xae: {  	[dreg:$0x2] =	wrdreg s24  }
0xaf: {  	[dreg:$0x3] =	wrdreg $0xA8000  }
0xb0: {  	[dreg:$0x4] =	wrdreg $0x9  }
0xb1: {  	_ =	task.clear_ibuf [dreg:s6], $0x5FFFF;
	_ =	strace $0x90000049  }
0xb2: {  	s29 =	simm.s32 $0x9;
	_ =	strace $0x8000004B  }
0xb3: {  	_ =	swait.ge [sflag:s29], $0x1  }
0xb4: {  	[sflag:s29] =	ssyncadd.s32 $0xFFFFFFFF  }
0xb5: {  	_ =	strace $0x9000004B  }
0xb6: {  	_ =	sfence  }
0xb7: {  	s30 =	sld [smem:$0x0];
	_ =	sdelay $0x2  }
0xb8: {  	s31 =	sshll.u32 s1, $0xD;
	s1 =	sshrl.u32 s1, $0x2  }
0xb9: {  	s3 =	sand.u32 $0x4000, s31;
	s1 =	sadd.s32 s1, s30  }
0xba: {  	s0 =	sor.u32 s3, s0;
	s1 =	sshll.u32 s1, $0x11  }
0xbb: {  	s0 =	sor.u32 s1, s0  }
0xbc: {  	s0 =	sadd.s32 $0x8F2B, s0  }
0xbd: {  	[sflag:s0] =	ssyncadd.remote.s32 $0x1  }
0xbe: {  	_ =	sfence.sel $0xFFFF  }
0xbf: {  	[dreg:$0x0] =	wrdreg $0xFFFFFFFF;
	(pc) =	sbr.abs _section_cstart, $3  }
0xc0: {  	[dreg:$0x1] =	wrdreg $0xFFFFFFFF  }
0xc1: {  	_ =	task.clear_ibuf [dreg:s6], $0x2FFFF;
	_ =	strace $0x9FFFFFFF  }
0xc2: {  	(tm) =	ssettm $0x7FFFFFFF  }
0xc3: {  	_ =	shalt  }
tec
execute0_lowered:
.L_overlay_start_1:
0x0: {  	(tag) =	ssettag $0x1  }
0x1: {  	s5 =	rddreg [dreg:$0x0]  }
0x2: {  	s1 =	rddreg [dreg:$0x1]  }
0x3: {  	s0 =	rddreg [dreg:$0x2]  }
0x4: {  	s2 =	simm.s32 $0x0;
	s4 =	srdreg.scid;
	s18 =	simm.s32 $0x3  }
0x5: {  	s19 =	simm.s32 $0x1400;
	s20 =	simm.s32 $0x80;
	s21 =	simm.s32 $0x6800  }
0x6: {  	s22 =	simm.s32 $0x1;
	s23 =	simm.s32 $0x2;
	s28 =	simm.s32 $0x2780  }
0x7: {  	[smem:$0x7FF] =	sst s2;
	s6 =	sand.u32 $0x1, s4;
	s4 =	stileid.u32  }
0x8: {  	s3 =	sadd.s32 $0x1A000, s5;
	s15 =	sadd.s32 $0x6000, s5;
	s9 =	smul.u32 $0x50000, s4  }
0x9: {  	s16 =	sadd.s32 $0x10000, s5;
	s10 =	sadd.s32 $0x41200, s5;
	s24 =	smul.u32 $0x138800, s6  }
0xa: {  	_ =	strace $0x8000004A;
	s7 =	ssub.s32 $0x2, s6;
	s29 =	smul.u32 $0x13800, s4  }
0xb: {  	s25 =	sshll.u32 s6, $0x4;
	s30 =	smul.u32 $0x4E000, s4;
	p0 =	sne.s32 s4, $0x0  }
0xc: {  	s8 =	sshrl.u32 s7, $0x1;
	s11 =	sor.u32 s4, s25;
	s25 =	sadd.s32 $0x138000, s1  }
0xd: {  	s8 =	ssub.s32 s7, s8;
	s26 =	sshrl.u32 s9, $0x2;
	s12 =	smul.u32 $0x2800, s11  }
0xe: {  	s9 =	sadd.s32 s29, s24;
	s7 =	sshrl.u32 s24, $0x3;
	s31 =	sshrl.u32 s30, $0x2  }
0xf: {  	s25 =	sshrl.u32 @!p0 s25, $0x3;
	s5 =	sadd.s32 s26, s1;
	s9 =	sshrl.u32 s9, $0x3  }
0x10: {  	s7 =	sadd.s32 s10, s7;
	s24 =	sadd.s32 s31, s1;
	s8 =	smax.u32 s8, $0x1  }
0x11: {  	s26 =	simm.s32 $0x2700;
	s6 =	sadd.s32 s10, s9;
	s7 =	sadd.s32 $0x27000, s7  }
0x12: {  	s9 =	sadd.s32 $0x4000, s5;
	s10 =	sadd.s32 $0x8000, s5;
	s11 =	sadd.s32 $0xC000, s5  }
0x13: {  	s14 =	sshrl.u32 s12, $0x3;
	s12 =	sadd.s32 $0x10000, s5;
	s24 =	sshrl.u32 s24, $0x3  }
0x14: {  	s13 =	sadd.s32 s15, s14;
	s17 =	sadd.s32 $0x280, s14;
	s14 =	sadd.s32 s16, s14  }
0x15: {  	v0 =	vimm.f32 $0.0e+00;
	s15 =	sadd.s32 s15, s17;
	s16 =	sadd.s32 s16, s17;
	s17 =	simm.s32 $0x2800  }
.LBB2_1:
0x16: {  	s29 =	simm.s32 $0x0;
	s30 =	simm.s32 $0x200  }
.LBB2_2:
0x17: {  	p1 =	sne.s32 s30, $0xFE00;
	[tilespmem:s29+$0x2870] =	vst v0  }
0x18: {  	[tilespmem:s29+$0x2800] =	vst v0  }
0x19: {  	[tilespmem:s29+$0x2810] =	vst v0  }
.Ltmp0:
0x1a: {  	[tilespmem:s29+$0x2820] =	vst v0;
	(pc) =	sbr.rel @p1 .LBB2_2-.Ltmp0, $4  }
0x1b: {  	[tilespmem:s29+$0x2830] =	vst v0  }
0x1c: {  	[tilespmem:s29+$0x2840] =	vst v0  }
0x1d: {  	[tilespmem:s29+$0x2850] =	vst v0  }
0x1e: {  	[tilespmem:s29+$0x2860] =	vst v0;
	s29 =	sshra.s32 s30, $0x2;
	s30 =	sadd.s32 $0x200, s30  }
0x1f: {  	[tilespmem:s29+$0x2870] =	vst v0  }
0x20: {  	[tilespmem:s29+$0x2800] =	vst v0  }
0x21: {  	[tilespmem:s29+$0x2810] =	vst v0  }
0x22: {  	[tilespmem:s29+$0x2820] =	vst v0  }
0x23: {  	[tilespmem:s29+$0x2830] =	vst v0  }
0x24: {  	[tilespmem:s29+$0x2840] =	vst v0  }
0x25: {  	[tilespmem:s29+$0x2850] =	vst v0  }
0x26: {  	[tilespmem:s29+$0x2860] =	vst v0  }
0x27: {  	[spmem:s5] =	stream.linear.scatter [tilespmem:s17], [sflag:$0x3], $0x4000, $0x38;
	[tilespmem:$0x1E800] =	vst v63  }
0x28: {  	_ =	swait.ge [sflag:s18], $0x4000  }
0x29: {  	[sflag:s18] =	ssyncset.done $0x0  }
0x2a: {  	[sflag:s18] =	ssyncadd.s32 $0xFFFFC000  }
0x2b: {  	[spmem:s9] =	stream.linear.scatter [tilespmem:s17], [sflag:$0x3], $0x4000, $0x38;
	[tilespmem:$0x1E800] =	vst v63  }
0x2c: {  	_ =	swait.ge [sflag:s18], $0x4000  }
0x2d: {  	[sflag:s18] =	ssyncset.done $0x0  }
0x2e: {  	[sflag:s18] =	ssyncadd.s32 $0xFFFFC000  }
0x2f: {  	[spmem:s10] =	stream.linear.scatter [tilespmem:s17], [sflag:$0x3], $0x4000, $0x38;
	[tilespmem:$0x1E800] =	vst v63  }
0x30: {  	_ =	swait.ge [sflag:s18], $0x4000  }
0x31: {  	[sflag:s18] =	ssyncset.done $0x0  }
0x32: {  	[sflag:s18] =	ssyncadd.s32 $0xFFFFC000  }
0x33: {  	[spmem:s11] =	stream.linear.scatter [tilespmem:s17], [sflag:$0x3], $0x4000, $0x38;
	[tilespmem:$0x1E800] =	vst v63  }
0x34: {  	_ =	swait.ge [sflag:s18], $0x4000  }
0x35: {  	[sflag:s18] =	ssyncset.done $0x0  }
0x36: {  	[sflag:s18] =	ssyncadd.s32 $0xFFFFC000  }
0x37: {  	[spmem:s12] =	stream.linear.scatter [tilespmem:s17], [sflag:$0x3], $0x4000, $0x38;
	[tilespmem:$0x1E800] =	vst v63  }
0x38: {  	_ =	swait.ge [sflag:s18], $0x4000  }
0x39: {  	[sflag:s18] =	ssyncset.done $0x0  }
0x3a: {  	[sflag:s18] =	ssyncadd.s32 $0xFFFFC000  }
0x3b: {  	s29 =	simm.s32 $0x0;
	[bflag:$0x0] =	sbarrier.arrive $0xFFFF  }
0x3c: {  	[tilespmem:s29], [sflag:$0x3] =	stream.linear.gather [hbm4b:s13+s29], $0x1400, $0x38;
	[tilespmem:$0x1E800] =	vst v63  }
0x3d: {  	_ =	swait.ge [sflag:s18], $0x1400  }
0x3e: {  	[sflag:s18] =	ssyncset.done $0x0  }
0x3f: {  	[sflag:s18] =	ssyncadd.s32 $0xFFFFEC00  }
0x40: {  	[tilespmem:s19], [sflag:$0x3] =	stream.linear.gather [hbm4b:s14+s29], $0x1400, $0x38;
	[tilespmem:$0x1E800] =	vst v63  }
0x41: {  	_ =	swait.ge [sflag:s18], $0x1400  }
0x42: {  	[sflag:s18] =	ssyncset.done $0x0  }
0x43: {  	[sflag:s18] =	ssyncadd.s32 $0xFFFFEC00  }
0x44: {  	[tilespmem:s17], [sflag:$0x1] =	stream.indirect.gather [hbm4b:s3+s20], $0x80, s29, s20, $0xb8;
	[tilespmem:$0x1E800] =	vst v63  }
0x45: {  	_ = 	snop  }
0x46: {  	[tilespmem:s21], [sflag:$0x2] =	stream.indirect.gather [hbm4b:s3+s20], $0x80, s20, s20, $0xb8;
	[tilespmem:$0x1E800] =	vst v63  }
0x47: {  	_ =	swait.ge [sflag:s22], $0x4000  }
0x48: {  	[sflag:s22] =	ssyncset.done $0x0  }
0x49: {  	s29 =	simm.s32 $0x1400;
	[sflag:s22] =	ssyncadd.s32 $0xFFFFC000  }
0x4a: {  	[spmem:s1] =	stream.indirect.scatter.add.f32 [tilespmem:s17], [sflag:$0x3], $0x80, s29, s20, $0xb8;
	[tilespmem:$0x1E800] =	vst v63  }
0x4b: {  	_ =	swait.ge [sflag:s18], $0x4000  }
0x4c: {  	[sflag:s18] =	ssyncset.done $0x0  }
0x4d: {  	s29 =	simm.s32 $0x100;
	[sflag:s18] =	ssyncadd.s32 $0xFFFFC000  }
0x4e: {  	[tilespmem:s17], [sflag:$0x1] =	stream.indirect.gather [hbm4b:s3+s20], $0x80, s29, s20, $0xb8;
	[tilespmem:$0x1E800] =	vst v63  }
0x4f: {  	_ =	swait.ge [sflag:s23], $0x4000  }
0x50: {  	[sflag:s23] =	ssyncset.done $0x0  }
0x51: {  	s29 =	simm.s32 $0x1480;
	[sflag:s23] =	ssyncadd.s32 $0xFFFFC000  }
0x52: {  	[spmem:s1] =	stream.indirect.scatter.add.f32 [tilespmem:s21], [sflag:$0x3], $0x80, s29, s20, $0xb8;
	[tilespmem:$0x1E800] =	vst v63  }
0x53: {  	_ =	swait.ge [sflag:s18], $0x4000  }
0x54: {  	[sflag:s18] =	ssyncset.done $0x0  }
0x55: {  	s30 =	simm.s32 $0x180;
	s29 =	simm.s32 $0x400;
	[sflag:s18] =	ssyncadd.s32 $0xFFFFC000  }
.LBB2_4:
0x56: {  	[tilespmem:s21], [sflag:$0x2] =	stream.indirect.gather [hbm4b:s3+s20], $0x80, s30, s20, $0xb8;
	[tilespmem:$0x1E800] =	vst v63  }
0x57: {  	s30 =	smov.u32 s29  }
0x58: {  	p1 =	sne.s32 s29, $0x4800;
	s29 =	sadd.s32 $0x400, s29;
	_ =	swait.ge [sflag:s22], $0x4000  }
0x59: {  	s30 =	sshra.s32 s30, $0x2;
	[sflag:s22] =	ssyncset.done $0x0  }
0x5a: {  	s31 =	sadd.s32 $0x1400, s30;
	[sflag:s22] =	ssyncadd.s32 $0xFFFFC000  }
0x5b: {  	[spmem:s1] =	stream.indirect.scatter.add.f32 [tilespmem:s17], [sflag:$0x3], $0x80, s31, s20, $0xb8;
	[tilespmem:$0x1E800] =	vst v63  }
0x5c: {  	_ =	swait.ge [sflag:s18], $0x4000  }
0x5d: {  	[sflag:s18] =	ssyncset.done $0x0  }
0x5e: {  	s31 =	sadd.s32 $0x100, s30;
	[sflag:s18] =	ssyncadd.s32 $0xFFFFC000  }
0x5f: {  	[tilespmem:s17], [sflag:$0x1] =	stream.indirect.gather [hbm4b:s3+s20], $0x80, s31, s20, $0xb8;
	[tilespmem:$0x1E800] =	vst v63  }
0x60: {  	_ =	swait.ge [sflag:s23], $0x4000  }
0x61: {  	[sflag:s23] =	ssyncset.done $0x0  }
.Ltmp1:
0x62: {  	s31 =	sadd.s32 $0x1480, s30;
	[sflag:s23] =	ssyncadd.s32 $0xFFFFC000;
	(pc) =	sbr.rel @p1 .LBB2_4-.Ltmp1, $4  }
0x63: {  	[spmem:s1] =	stream.indirect.scatter.add.f32 [tilespmem:s21], [sflag:$0x3], $0x80, s31, s20, $0xb8;
	[tilespmem:$0x1E800] =	vst v63  }
0x64: {  	_ =	swait.ge [sflag:s18], $0x4000  }
0x65: {  	[sflag:s18] =	ssyncset.done $0x0  }
0x66: {  	s30 =	sadd.s32 $0x180, s30;
	[sflag:s18] =	ssyncadd.s32 $0xFFFFC000  }
0x67: {  	[tilespmem:s21], [sflag:$0x2] =	stream.indirect.gather [hbm4b:s3+s20], $0x80, s30, s20, $0xb8;
	[tilespmem:$0x1E800] =	vst v63  }
0x68: {  	_ =	swait.ge [sflag:s22], $0x4000  }
0x69: {  	[sflag:s22] =	ssyncset.done $0x0  }
0x6a: {  	[sflag:s22] =	ssyncadd.s32 $0xFFFFC000  }
0x6b: {  	[spmem:s1] =	stream.indirect.scatter.add.f32 [tilespmem:s17], [sflag:$0x3], $0x80, s26, s20, $0xb8;
	[tilespmem:$0x1E800] =	vst v63  }
0x6c: {  	_ =	swait.ge [sflag:s18], $0x4000  }
0x6d: {  	[sflag:s18] =	ssyncset.done $0x0  }
0x6e: {  	[sflag:s18] =	ssyncadd.s32 $0xFFFFC000  }
0x6f: {  	_ =	swait.ge [sflag:s23], $0x4000  }
0x70: {  	[sflag:s23] =	ssyncset.done $0x0  }
0x71: {  	[sflag:s23] =	ssyncadd.s32 $0xFFFFC000  }
0x72: {  	[spmem:s1] =	stream.indirect.scatter.add.f32 [tilespmem:s21], [sflag:$0x3], $0x80, s28, s20, $0xb8;
	[tilespmem:$0x1E800] =	vst v63  }
0x73: {  	_ =	swait.ge [sflag:s18], $0x4000  }
0x74: {  	[sflag:s18] =	ssyncset.done $0x0  }
0x75: {  	s29 =	simm.s32 $0x0;
	[sflag:s18] =	ssyncadd.s32 $0xFFFFC000  }
0x76: {  	[tilespmem:s29], [sflag:$0x3] =	stream.linear.gather [hbm4b:s15+s29], $0x1400, $0x38;
	[tilespmem:$0x1E800] =	vst v63  }
0x77: {  	_ =	swait.ge [sflag:s18], $0x1400  }
0x78: {  	[sflag:s18] =	ssyncset.done $0x0  }
0x79: {  	[sflag:s18] =	ssyncadd.s32 $0xFFFFEC00  }
0x7a: {  	[tilespmem:s19], [sflag:$0x3] =	stream.linear.gather [hbm4b:s16+s29], $0x1400, $0x38;
	[tilespmem:$0x1E800] =	vst v63  }
0x7b: {  	_ =	swait.ge [sflag:s18], $0x1400  }
0x7c: {  	[sflag:s18] =	ssyncset.done $0x0  }
0x7d: {  	[sflag:s18] =	ssyncadd.s32 $0xFFFFEC00  }
0x7e: {  	[tilespmem:s17], [sflag:$0x1] =	stream.indirect.gather [hbm4b:s3+s20], $0x80, s29, s20, $0xb8;
	[tilespmem:$0x1E800] =	vst v63  }
0x7f: {  	_ = 	snop  }
0x80: {  	[tilespmem:s21], [sflag:$0x2] =	stream.indirect.gather [hbm4b:s3+s20], $0x80, s20, s20, $0xb8;
	[tilespmem:$0x1E800] =	vst v63  }
0x81: {  	_ =	swait.ge [sflag:s22], $0x4000  }
0x82: {  	[sflag:s22] =	ssyncset.done $0x0  }
0x83: {  	s29 =	simm.s32 $0x1400;
	[sflag:s22] =	ssyncadd.s32 $0xFFFFC000  }
0x84: {  	[spmem:s1] =	stream.indirect.scatter.add.f32 [tilespmem:s17], [sflag:$0x3], $0x80, s29, s20, $0xb8;
	[tilespmem:$0x1E800] =	vst v63  }
0x85: {  	_ =	swait.ge [sflag:s18], $0x4000  }
0x86: {  	[sflag:s18] =	ssyncset.done $0x0  }
0x87: {  	s29 =	simm.s32 $0x100;
	[sflag:s18] =	ssyncadd.s32 $0xFFFFC000  }
0x88: {  	[tilespmem:s17], [sflag:$0x1] =	stream.indirect.gather [hbm4b:s3+s20], $0x80, s29, s20, $0xb8;
	[tilespmem:$0x1E800] =	vst v63  }
0x89: {  	_ =	swait.ge [sflag:s23], $0x4000  }
0x8a: {  	[sflag:s23] =	ssyncset.done $0x0  }
0x8b: {  	s29 =	simm.s32 $0x1480;
	[sflag:s23] =	ssyncadd.s32 $0xFFFFC000  }
0x8c: {  	[spmem:s1] =	stream.indirect.scatter.add.f32 [tilespmem:s21], [sflag:$0x3], $0x80, s29, s20, $0xb8;
	[tilespmem:$0x1E800] =	vst v63  }
0x8d: {  	_ =	swait.ge [sflag:s18], $0x4000  }
0x8e: {  	[sflag:s18] =	ssyncset.done $0x0  }
0x8f: {  	s30 =	simm.s32 $0x180;
	s29 =	simm.s32 $0x400;
	[sflag:s18] =	ssyncadd.s32 $0xFFFFC000  }
.LBB2_6:
0x90: {  	[tilespmem:s21], [sflag:$0x2] =	stream.indirect.gather [hbm4b:s3+s20], $0x80, s30, s20, $0xb8;
	[tilespmem:$0x1E800] =	vst v63  }
0x91: {  	s30 =	smov.u32 s29  }
0x92: {  	p1 =	sne.s32 s29, $0x4800;
	s29 =	sadd.s32 $0x400, s29;
	_ =	swait.ge [sflag:s22], $0x4000  }
0x93: {  	s30 =	sshra.s32 s30, $0x2;
	[sflag:s22] =	ssyncset.done $0x0  }
0x94: {  	s31 =	sadd.s32 $0x1400, s30;
	[sflag:s22] =	ssyncadd.s32 $0xFFFFC000  }
0x95: {  	[spmem:s1] =	stream.indirect.scatter.add.f32 [tilespmem:s17], [sflag:$0x3], $0x80, s31, s20, $0xb8;
	[tilespmem:$0x1E800] =	vst v63  }
0x96: {  	_ =	swait.ge [sflag:s18], $0x4000  }
0x97: {  	[sflag:s18] =	ssyncset.done $0x0  }
0x98: {  	s31 =	sadd.s32 $0x100, s30;
	[sflag:s18] =	ssyncadd.s32 $0xFFFFC000  }
0x99: {  	[tilespmem:s17], [sflag:$0x1] =	stream.indirect.gather [hbm4b:s3+s20], $0x80, s31, s20, $0xb8;
	[tilespmem:$0x1E800] =	vst v63  }
0x9a: {  	_ =	swait.ge [sflag:s23], $0x4000  }
0x9b: {  	[sflag:s23] =	ssyncset.done $0x0  }
.Ltmp2:
0x9c: {  	s31 =	sadd.s32 $0x1480, s30;
	[sflag:s23] =	ssyncadd.s32 $0xFFFFC000;
	(pc) =	sbr.rel @p1 .LBB2_6-.Ltmp2, $4  }
0x9d: {  	[spmem:s1] =	stream.indirect.scatter.add.f32 [tilespmem:s21], [sflag:$0x3], $0x80, s31, s20, $0xb8;
	[tilespmem:$0x1E800] =	vst v63  }
0x9e: {  	_ =	swait.ge [sflag:s18], $0x4000  }
0x9f: {  	[sflag:s18] =	ssyncset.done $0x0  }
0xa0: {  	s30 =	sadd.s32 $0x180, s30;
	[sflag:s18] =	ssyncadd.s32 $0xFFFFC000  }
0xa1: {  	[tilespmem:s21], [sflag:$0x2] =	stream.indirect.gather [hbm4b:s3+s20], $0x80, s30, s20, $0xb8;
	[tilespmem:$0x1E800] =	vst v63  }
0xa2: {  	_ =	swait.ge [sflag:s22], $0x4000  }
0xa3: {  	[sflag:s22] =	ssyncset.done $0x0  }
0xa4: {  	[sflag:s22] =	ssyncadd.s32 $0xFFFFC000  }
0xa5: {  	[spmem:s1] =	stream.indirect.scatter.add.f32 [tilespmem:s17], [sflag:$0x3], $0x80, s26, s20, $0xb8;
	[tilespmem:$0x1E800] =	vst v63  }
0xa6: {  	_ =	swait.ge [sflag:s18], $0x4000  }
0xa7: {  	[sflag:s18] =	ssyncset.done $0x0  }
0xa8: {  	[sflag:s18] =	ssyncadd.s32 $0xFFFFC000  }
0xa9: {  	_ =	swait.ge [sflag:s23], $0x4000  }
0xaa: {  	[sflag:s23] =	ssyncset.done $0x0  }
0xab: {  	[sflag:s23] =	ssyncadd.s32 $0xFFFFC000  }
0xac: {  	[spmem:s1] =	stream.indirect.scatter.add.f32 [tilespmem:s21], [sflag:$0x3], $0x80, s28, s20, $0xb8;
	[tilespmem:$0x1E800] =	vst v63  }
0xad: {  	_ =	swait.ge [sflag:s18], $0x4000  }
0xae: {  	[sflag:s18] =	ssyncset.done $0x0  }
0xaf: {  	s29 =	sshll.u32 s4, $0x6;
	[sflag:s18] =	ssyncadd.s32 $0xFFFFC000  }
0xb0: {  	s29 =	sor.u32 $0x1C03, s29;
	[bflag:$0x0] =	sbarrier.arrive $0xFFFF  }
0xb1: {  	[hbm:s6], [sflag:s29] =	dma.local [spmem:s24], $0x2700  }
0xb2: {  	_ =	swait.ge [sflag:s18], $0x2700  }
0xb3: {  	s2 =	sadd.s32 $0x1, s2;
	[sflag:s18] =	ssyncset.done $0x0  }
0xb4: {  	p1 =	sne.s32 s2, s8;
	[sflag:s18] =	ssyncadd.s32 $0xFFFFD900  }
0xb5: {  	[hbm:s7], [sflag:s29] =	dma.local @!p0 [spmem:s25], $0x100  }
.Ltmp3:
0xb6: {  	_ = 	snop;
	(pc) =	sbr.rel @p1 .LBB2_1-.Ltmp3, $4  }
0xb7: {  	s29 =	simm.s32 @!p0 $0x3  }
0xb8: {  	_ =	swait.ge @!p0 [sflag:s29], $0x100  }
0xb9: {  	[sflag:s29] =	ssyncset.done @!p0 $0x0  }
0xba: {  	[sflag:s29] =	ssyncadd.s32 @!p0 $0xFFFFFF00  }
0xbb: {  	_ =	sfence.sel $0x180000  }
0xbc: {  	[bflag:$0x0] =	sbarrier.arrive $0xFFFF  }
0xbd: {  	_ =	strace $0x9000004A  }
0xbe: {  	s0 =	sadd.s32 @!p0 $0x100000, s0;
	[bflag:$0x2] =	sbarrier.arrive $0xFFFF  }
0xbf: {  	[sflag:s0] =	ssyncadd.tile.s32 @!p0 $0x1;
	_ =	shalt  }
.Lfunc_end2:
_tile_overlayer_lowered:
.L_overlay_start_2:
0xc0: {  	(tag) =	ssettag $0x2  }
0xc1: {  	s0 =	rddreg [dreg:$0x0];
	s2 =	stileid.u32  }
0xc2: {  	s1 =	rddreg [dreg:$0x1];
	p0 =	sne.s32 s2, $0x0  }
0xc3: {  	s3 =	rddreg [dreg:$0x2];
	[bflag:$0x3] =	sbarrier.arrive $0xFFFF;
	s2 =	simm.s32 @!p0 $0x1C03  }
0xc4: {  	[timem:s3], [sflag:s2] =	dma.local @!p0 [hbm:s0], s1  }
0xc5: {  	s0 =	simm.s32 @!p0 $0x3  }
0xc6: {  	_ =	swait.ge @!p0 [sflag:s0], s1  }
0xc7: {  	s1 =	ssub.s32 @!p0 $0x0, s1;
	[sflag:s0] =	ssyncset.done @!p0 $0x0  }
0xc8: {  	[sflag:s0] =	ssyncadd.s32 @!p0 s1  }
0xc9: {  	[bflag:$0x3] =	sbarrier.arrive $0xFFFF  }
0xca: {  	_ =	shalt  }

// kernel: kernel.18.cloned.1.call-start
scs
__scs_entry_jumppad:
0x0: {  	(pc) =	sbr.rel $0x88, $3  }
0x1: {  	(tag) =	ssettag $0x0;
	lr =	simm.s32 $0x1  }
0x2: {  	[smem:$0x3F88] =	sst lr;
	_ =	strace $0xD0000000  }
0x3: {  	_ = 	snop  }
0x4: {  	_ = 	snop  }
0x5: {  	_ = 	snop  }
0x6: {  	_ = 	snop  }
0x7: {  	_ = 	snop  }
__scs_overlays_trampoline_lowered:
0x8: {  	[smem:$0x3F97] =	sst s0  }
0x9: {  	[smem:$0x3F98] =	sst s1  }
0xa: {  	[smem:$0x3F99] =	sst s2  }
0xb: {  	[smem:$0x3F9A] =	sst s3  }
0xc: {  	[smem:$0x3F9B] =	sst s4  }
0xd: {  	[smem:$0x3F9C] =	sst s5  }
0xe: {  	[smem:$0x3F9D] =	sst s6  }
0xf: {  	[smem:$0x3F9E] =	sst s7  }
0x10: {  	[smem:$0x3F9F] =	sst s8  }
0x11: {  	[smem:$0x3FA0] =	sst s9;
	s0 =	simm.s32 @!p0 $0x0  }
0x12: {  	s1 =	sld [smem:$0x3F86];
	s0 =	simm.s32 @p0 $0x1  }
0x13: {  	[smem:$0x3FA1] =	sst s0;
	s0 =	simm.s32 @!p1 $0x0  }
0x14: {  	s2 =	sld [smem:$0x3F85];
	s0 =	simm.s32 @p1 $0x1  }
0x15: {  	[smem:$0x3FA2] =	sst s0;
	s0 =	simm.s32 @!p2 $0x0  }
0x16: {  	s3 =	sld [smem:$0x3FDB];
	s0 =	simm.s32 @p2 $0x1  }
0x17: {  	s4 =	simm.s32 $0x1BF5;
	[smem:$0x3FA4] =	sst s0  }
0x18: {  	s0 =	sld [smem:$0x3F87];
	_ =	swait.ge [sflag:s4], $0x0  }
0x19: {  	s7 =	sld [smem:$0x3F88]  }
0x1a: {  	s8 =	sadd.s32 $0xFFFFE003, lr  }
0x1b: {  	s9 =	sadd.s32 $0xFFFFFEF7, lr;
	s5 =	simm.s32 $0xFFFFFFFF;
	p2 =	slt.u32 s8, $0xFFFFF086  }
0x1c: {  	p1 =	slt.u32 s9, $0xF7A;
	s5 =	simm.s32 @!p2 $0x0  }
0x1d: {  	s5 =	simm.s32 @p1 $0x1;
	p0 =	seq.s32 s7, s2  }
0x1e: {  	s7 =	smul.u32 @!p0 $0xF7A, s2;
	p2 =	seq.s32 @!p0 s5, $0x0  }
0x1f: {  	s9 =	smul.u32 $0xF7A, s1;
	s8 =	simm.s32 @!p0 $0x1BF5;
	p2 =	por !p2, p0  }
0x20: {  	[sflag:s8] =	ssyncset.s32 @!p0 $0xFFFFF086;
	s6 =	sadd.s32 @!p0 s3, s7;
	s7 =	simm.s32 @!p0 $0x108  }
0x21: {  	s3 =	sadd.s32 s3, s9;
	s6 =	sadd.s32 @!p0 $0x88, s6;
	s7 =	simm.s32 @p2 $0x1082  }
0x22: {  	[simem:s7], [sflag:s8] =	dma.local @!p0 [hbm:s6], $0xF7A  }
0x23: {  	s9 =	sor.u32 $0xD0000000, s2;
	s6 =	simm.s32 $0x108;
	_ =	swait.ge @!p0 [sflag:s8], $0x0  }
0x24: {  	s3 =	sadd.s32 $0x88, s3;
	s6 =	simm.s32 @!p1 $0x1082;
	[sflag:s4] =	ssyncset.s32 $0xFFFFF086  }
0x25: {  	[simem:s6], [sflag:s4] =	dma.local [hbm:s3], $0xF7A  }
0x26: {  	[smem:$0x3F88] =	sst s1;
	(tag) =	ssettag s2;
	_ =	strace s9  }
0x27: {  	s1 =	sld [smem:$0x3F98]  }
0x28: {  	s2 =	sld [smem:$0x3F99]  }
0x29: {  	s4 =	sld [smem:$0x3F9B]  }
0x2a: {  	p0 =	seq.s32 s5, $0x0;
	s5 =	sld [smem:$0x3F9C]  }
0x2b: {  	s6 =	sld [smem:$0x3F9D]  }
0x2c: {  	s7 =	sld [smem:$0x3F9E]  }
0x2d: {  	s3 =	simm.s32 $0x108;
	s8 =	sld [smem:$0x3F9F]  }
0x2e: {  	s3 =	simm.s32 @!p0 $0x1082;
	s9 =	sld [smem:$0x3FA0]  }
0x2f: {  	lr =	sadd.s32 s0, s3;
	s0 =	sld [smem:$0x3F97]  }
0x30: {  	s3 =	sld [smem:$0x3F9A]  }
0x31: {  	[smem:$0x3FA3] =	sst s10  }
0x32: {  	s10 =	sld [smem:$0x3FA1];
	_ =	sdelay $0x3  }
0x33: {  	p0 =	seq.s32 s10, $0x1;
	s10 =	sld [smem:$0x3FA3];
	_ =	sdelay $0x3  }
0x34: {  	[smem:$0x3FA3] =	sst s10  }
0x35: {  	s10 =	sld [smem:$0x3FA2];
	_ =	sdelay $0x3  }
0x36: {  	p1 =	seq.s32 s10, $0x1;
	s10 =	sld [smem:$0x3FA3];
	_ =	sdelay $0x3  }
0x37: {  	[smem:$0x3FA3] =	sst s10  }
0x38: {  	s10 =	sld [smem:$0x3FA4]  }
0x39: {  	_ = 	snop;
	(pc) =	sbr.ind lr, $3  }
0x3a: {  	_ = 	snop  }
0x3b: {  	_ = 	snop  }
0x3c: {  	p2 =	seq.s32 s10, $0x1;
	s10 =	sld [smem:$0x3FA3]  }
0x3d: {  	_ =	shalt  }
0x3e: {  	_ =	shalt  }
0x3f: {  	_ =	shalt  }
0x40: {  	_ =	shalt  }
0x41: {  	_ =	shalt  }
0x42: {  	_ =	shalt  }
0x43: {  	_ =	shalt  }
0x44: {  	_ =	shalt  }
0x45: {  	_ =	shalt  }
0x46: {  	_ =	shalt  }
0x47: {  	_ =	shalt  }
0x48: {  	_ =	shalt  }
0x49: {  	_ =	shalt  }
0x4a: {  	_ =	shalt  }
0x4b: {  	_ =	shalt  }
0x4c: {  	_ =	shalt  }
0x4d: {  	_ =	shalt  }
0x4e: {  	_ =	shalt  }
0x4f: {  	_ =	shalt  }
0x50: {  	_ =	shalt  }
0x51: {  	_ =	shalt  }
0x52: {  	_ =	shalt  }
0x53: {  	_ =	shalt  }
0x54: {  	_ =	shalt  }
0x55: {  	_ =	shalt  }
0x56: {  	_ =	shalt  }
0x57: {  	_ =	shalt  }
0x58: {  	_ =	shalt  }
0x59: {  	_ =	shalt  }
0x5a: {  	_ =	shalt  }
0x5b: {  	_ =	shalt  }
0x5c: {  	_ =	shalt  }
0x5d: {  	_ =	shalt  }
0x5e: {  	_ =	shalt  }
0x5f: {  	_ =	shalt  }
0x60: {  	_ =	shalt  }
0x61: {  	_ =	shalt  }
0x62: {  	_ =	shalt  }
0x63: {  	_ =	shalt  }
0x64: {  	_ =	shalt  }
0x65: {  	_ =	shalt  }
0x66: {  	_ =	shalt  }
0x67: {  	_ =	shalt  }
0x68: {  	_ =	shalt  }
0x69: {  	_ =	shalt  }
0x6a: {  	_ =	shalt  }
0x6b: {  	_ =	shalt  }
0x6c: {  	_ =	shalt  }
0x6d: {  	_ =	shalt  }
0x6e: {  	_ =	shalt  }
0x6f: {  	_ =	shalt  }
0x70: {  	_ =	shalt  }
0x71: {  	_ =	shalt  }
0x72: {  	_ =	shalt  }
0x73: {  	_ =	shalt  }
0x74: {  	_ =	shalt  }
0x75: {  	_ =	shalt  }
0x76: {  	_ =	shalt  }
0x77: {  	_ =	shalt  }
0x78: {  	_ =	shalt  }
0x79: {  	_ =	shalt  }
0x7a: {  	_ =	shalt  }
0x7b: {  	_ =	shalt  }
0x7c: {  	_ =	shalt  }
0x7d: {  	_ =	shalt  }
0x7e: {  	_ =	shalt  }
0x7f: {  	_ =	shalt  }
0x80: {  	_ =	shalt  }
0x81: {  	_ =	shalt  }
0x82: {  	_ =	shalt  }
0x83: {  	_ =	shalt  }
0x84: {  	_ =	shalt  }
0x85: {  	_ =	shalt  }
0x86: {  	_ =	shalt  }
0x87: {  	_ =	shalt  }
.Lfunc_end0:
.L_simem_size_0:
called_computation.2_lowered:
.L_overlay_start_0:
0x88: {  	s2 =	sld [smem:$0x3FD9]  }
0x89: {  	s3 =	sld [smem:$0x3FFE];
	_ =	sdelay $0x1  }
0x8a: {  	s1 =	srdreg.scid  }
0x8b: {  	s0 =	sand.u32 $0x1, s1  }
0x8c: {  	s16 =	sshll.u32 s0, $0xA;
	s2 =	sadd.s32 s3, s2  }
0x8d: {  	s2 =	sadd.s32 s2, s16  }
0x8e: {  	[smem:$0x3FAF] =	sst s2  }
0x8f: {  	_ = 	snop  }
0x90: {  	(tm) =	ssettm $0x1  }
0x91: {  	s17 =	sld [smem:$0x3FFB];
	_ =	sdelay $0x3  }
0x92: {  	_ =	strace s17  }
0x93: {  	s2 =	sld [smem:$0x3FFC];
	_ =	sdelay $0x3  }
0x94: {  	_ =	strace s2  }
0x95: {  	s2 =	sld [smem:$0x3FFD];
	_ =	sdelay $0x3  }
0x96: {  	_ =	strace s2  }
0x97: {  	_ =	strace $0x8FFFFFFF  }
0x98: {  	s18 =	sld [smem:$0x3FDB];
	_ =	sdelay $0x1  }
0x99: {  	s19 =	simm.s32 $_scs_section_size  }
0x9a: {  	s4 =	simm.s32 $_size__tile_overlayer_lowered;
	s5 =	simm.s32 $_tile_overlayer_lowered  }
0x9b: {  	s22 =	simm.s32 $0x1BFF;
	s21 =	sshll.u32 s5, $0x1;
	s2 =	sadd.s32 s19, s18  }
0x9c: {  	s6 =	simm.s32 $0x0;
	s20 =	sshll.u32 s4, $0x1;
	s4 =	sadd.s32 s21, s2  }
0x9d: {  	[timem:s6], [sflag:s22] =	dma.local [hbm:s4], s20  }
0x9e: {  	_ =	swait.ge [sflag:s22], s20  }
0x9f: {  	s3 =	ssub.s32 $0x0, s20;
	[sflag:s22] =	ssyncset.done $0x0  }
0xa0: {  	[sflag:s22] =	ssyncadd.s32 s3;
	_ =	sdelay $0x1  }
0xa1: {  	s23 =	simm.s32 $0x1B8B  }
0xa2: {  	_ =	swait.ge [sflag:s23], $0x1  }
0xa3: {  	[sflag:s23] =	ssyncset.done $0x0  }
0xa4: {  	s25 =	simm.s32 $0x1B8E;
	s24 =	sld [smem:$0x3FFE];
	[sflag:s23] =	ssyncadd.s32 $0xFFFFFFFF  }
0xa5: {  	s26 =	simm.s32 $execute0_lowered;
	[smem:$0x3FD2] =	sst s25  }
0xa6: {  	s4 =	sshll.u32 s26, $0x1;
	_ =	strace $0x8000004C;
	[dreg:$0x1] =	wrdreg $0xFFFFFFFF  }
0xa7: {  	s28 =	simm.s32 $_size_execute0_lowered;
	s2 =	sadd.s32 s2, s4;
	[dreg:$0x0] =	wrdreg $0x0  }
0xa8: {  	s4 =	sshll.u32 s28, $0x1;
	[dreg:$0x2] =	wrdreg s2  }
0xa9: {  	[dreg:$0x3] =	wrdreg s4  }
0xaa: {  	[dreg:$0x4] =	wrdreg $0xC0  }
0xab: {  	_ =	task [dreg:s6], $0x5FFFF  }
0xac: {  	[dreg:$0x1] =	wrdreg $0xFFFFFFFF  }
0xad: {  	[dreg:$0x0] =	wrdreg $0x60  }
0xae: {  	[dreg:$0x2] =	wrdreg s24  }
0xaf: {  	[dreg:$0x3] =	wrdreg $0xA8000  }
0xb0: {  	[dreg:$0x4] =	wrdreg $0x9  }
0xb1: {  	_ =	task.clear_ibuf [dreg:s6], $0x5FFFF;
	_ =	strace $0x9000004C  }
0xb2: {  	s29 =	simm.s32 $0x9;
	_ =	strace $0x8000004E  }
0xb3: {  	_ =	swait.ge [sflag:s29], $0x1  }
0xb4: {  	[sflag:s29] =	ssyncadd.s32 $0xFFFFFFFF  }
0xb5: {  	_ =	strace $0x9000004E  }
0xb6: {  	_ =	sfence  }
0xb7: {  	s30 =	sld [smem:$0x0];
	_ =	sdelay $0x2  }
0xb8: {  	s31 =	sshll.u32 s1, $0xD;
	s1 =	sshrl.u32 s1, $0x2  }
0xb9: {  	s3 =	sand.u32 $0x4000, s31;
	s1 =	sadd.s32 s1, s30  }
0xba: {  	s0 =	sor.u32 s3, s0;
	s1 =	sshll.u32 s1, $0x11  }
0xbb: {  	s0 =	sor.u32 s1, s0  }
0xbc: {  	s0 =	sadd.s32 $0x8F2B, s0  }
0xbd: {  	[sflag:s0] =	ssyncadd.remote.s32 $0x1  }
0xbe: {  	_ =	sfence.sel $0xFFFF  }
0xbf: {  	[dreg:$0x0] =	wrdreg $0xFFFFFFFF;
	(pc) =	sbr.abs _section_cstart, $3  }
0xc0: {  	[dreg:$0x1] =	wrdreg $0xFFFFFFFF  }
0xc1: {  	_ =	task.clear_ibuf [dreg:s6], $0x2FFFF;
	_ =	strace $0x9FFFFFFF  }
0xc2: {  	(tm) =	ssettm $0x7FFFFFFF  }
0xc3: {  	_ =	shalt  }
tec
execute0_lowered:
.L_overlay_start_1:
0x0: {  	(tag) =	ssettag $0x1  }
0x1: {  	s5 =	rddreg [dreg:$0x0]  }
0x2: {  	s1 =	rddreg [dreg:$0x1]  }
0x3: {  	s0 =	rddreg [dreg:$0x2]  }
0x4: {  	s2 =	simm.s32 $0x0;
	s4 =	srdreg.scid;
	s18 =	simm.s32 $0x3  }
0x5: {  	s19 =	simm.s32 $0x1400;
	s20 =	simm.s32 $0x80;
	s21 =	simm.s32 $0x6800  }
0x6: {  	s22 =	simm.s32 $0x1;
	s23 =	simm.s32 $0x2;
	s28 =	simm.s32 $0x2780  }
0x7: {  	[smem:$0x7FF] =	sst s2;
	s6 =	sand.u32 $0x1, s4;
	s4 =	stileid.u32  }
0x8: {  	s3 =	sadd.s32 $0x1A000, s5;
	s15 =	sadd.s32 $0x6000, s5;
	s9 =	smul.u32 $0x50000, s4  }
0x9: {  	s16 =	sadd.s32 $0x10000, s5;
	s10 =	sadd.s32 $0x41200, s5;
	s24 =	smul.u32 $0x138800, s6  }
0xa: {  	_ =	strace $0x8000004D;
	s7 =	ssub.s32 $0x2, s6;
	s29 =	smul.u32 $0x13800, s4  }
0xb: {  	s25 =	sshll.u32 s6, $0x4;
	s30 =	smul.u32 $0x4E000, s4;
	p0 =	sne.s32 s4, $0x0  }
0xc: {  	s8 =	sshrl.u32 s7, $0x1;
	s11 =	sor.u32 s4, s25;
	s25 =	sadd.s32 $0x138000, s1  }
0xd: {  	s8 =	ssub.s32 s7, s8;
	s26 =	sshrl.u32 s9, $0x2;
	s12 =	smul.u32 $0x2800, s11  }
0xe: {  	s9 =	sadd.s32 s29, s24;
	s7 =	sshrl.u32 s24, $0x3;
	s31 =	sshrl.u32 s30, $0x2  }
0xf: {  	s25 =	sshrl.u32 @!p0 s25, $0x3;
	s5 =	sadd.s32 s26, s1;
	s9 =	sshrl.u32 s9, $0x3  }
0x10: {  	s7 =	sadd.s32 s10, s7;
	s24 =	sadd.s32 s31, s1;
	s8 =	smax.u32 s8, $0x1  }
0x11: {  	s26 =	simm.s32 $0x2700;
	s6 =	sadd.s32 s10, s9;
	s7 =	sadd.s32 $0x27000, s7  }
0x12: {  	s9 =	sadd.s32 $0x4000, s5;
	s10 =	sadd.s32 $0x8000, s5;
	s11 =	sadd.s32 $0xC000, s5  }
0x13: {  	s14 =	sshrl.u32 s12, $0x3;
	s12 =	sadd.s32 $0x10000, s5;
	s24 =	sshrl.u32 s24, $0x3  }
0x14: {  	s13 =	sadd.s32 s15, s14;
	s17 =	sadd.s32 $0x280, s14;
	s14 =	sadd.s32 s16, s14  }
0x15: {  	v0 =	vimm.f32 $0.0e+00;
	s15 =	sadd.s32 s15, s17;
	s16 =	sadd.s32 s16, s17;
	s17 =	simm.s32 $0x2800  }
.LBB2_1:
0x16: {  	s29 =	simm.s32 $0x0;
	s30 =	simm.s32 $0x200  }
.LBB2_2:
0x17: {  	p1 =	sne.s32 s30, $0xFE00;
	[tilespmem:s29+$0x2870] =	vst v0  }
0x18: {  	[tilespmem:s29+$0x2800] =	vst v0  }
0x19: {  	[tilespmem:s29+$0x2810] =	vst v0  }
.Ltmp0:
0x1a: {  	[tilespmem:s29+$0x2820] =	vst v0;
	(pc) =	sbr.rel @p1 .LBB2_2-.Ltmp0, $4  }
0x1b: {  	[tilespmem:s29+$0x2830] =	vst v0  }
0x1c: {  	[tilespmem:s29+$0x2840] =	vst v0  }
0x1d: {  	[tilespmem:s29+$0x2850] =	vst v0  }
0x1e: {  	[tilespmem:s29+$0x2860] =	vst v0;
	s29 =	sshra.s32 s30, $0x2;
	s30 =	sadd.s32 $0x200, s30  }
0x1f: {  	[tilespmem:s29+$0x2870] =	vst v0  }
0x20: {  	[tilespmem:s29+$0x2800] =	vst v0  }
0x21: {  	[tilespmem:s29+$0x2810] =	vst v0  }
0x22: {  	[tilespmem:s29+$0x2820] =	vst v0  }
0x23: {  	[tilespmem:s29+$0x2830] =	vst v0  }
0x24: {  	[tilespmem:s29+$0x2840] =	vst v0  }
0x25: {  	[tilespmem:s29+$0x2850] =	vst v0  }
0x26: {  	[tilespmem:s29+$0x2860] =	vst v0  }
0x27: {  	[spmem:s5] =	stream.linear.scatter [tilespmem:s17], [sflag:$0x3], $0x4000, $0x38;
	[tilespmem:$0x1E800] =	vst v63  }
0x28: {  	_ =	swait.ge [sflag:s18], $0x4000  }
0x29: {  	[sflag:s18] =	ssyncset.done $0x0  }
0x2a: {  	[sflag:s18] =	ssyncadd.s32 $0xFFFFC000  }
0x2b: {  	[spmem:s9] =	stream.linear.scatter [tilespmem:s17], [sflag:$0x3], $0x4000, $0x38;
	[tilespmem:$0x1E800] =	vst v63  }
0x2c: {  	_ =	swait.ge [sflag:s18], $0x4000  }
0x2d: {  	[sflag:s18] =	ssyncset.done $0x0  }
0x2e: {  	[sflag:s18] =	ssyncadd.s32 $0xFFFFC000  }
0x2f: {  	[spmem:s10] =	stream.linear.scatter [tilespmem:s17], [sflag:$0x3], $0x4000, $0x38;
	[tilespmem:$0x1E800] =	vst v63  }
0x30: {  	_ =	swait.ge [sflag:s18], $0x4000  }
0x31: {  	[sflag:s18] =	ssyncset.done $0x0  }
0x32: {  	[sflag:s18] =	ssyncadd.s32 $0xFFFFC000  }
0x33: {  	[spmem:s11] =	stream.linear.scatter [tilespmem:s17], [sflag:$0x3], $0x4000, $0x38;
	[tilespmem:$0x1E800] =	vst v63  }
0x34: {  	_ =	swait.ge [sflag:s18], $0x4000  }
0x35: {  	[sflag:s18] =	ssyncset.done $0x0  }
0x36: {  	[sflag:s18] =	ssyncadd.s32 $0xFFFFC000  }
0x37: {  	[spmem:s12] =	stream.linear.scatter [tilespmem:s17], [sflag:$0x3], $0x4000, $0x38;
	[tilespmem:$0x1E800] =	vst v63  }
0x38: {  	_ =	swait.ge [sflag:s18], $0x4000  }
0x39: {  	[sflag:s18] =	ssyncset.done $0x0  }
0x3a: {  	[sflag:s18] =	ssyncadd.s32 $0xFFFFC000  }
0x3b: {  	s29 =	simm.s32 $0x0;
	[bflag:$0x0] =	sbarrier.arrive $0xFFFF  }
0x3c: {  	[tilespmem:s29], [sflag:$0x3] =	stream.linear.gather [hbm4b:s13+s29], $0x1400, $0x38;
	[tilespmem:$0x1E800] =	vst v63  }
0x3d: {  	_ =	swait.ge [sflag:s18], $0x1400  }
0x3e: {  	[sflag:s18] =	ssyncset.done $0x0  }
0x3f: {  	[sflag:s18] =	ssyncadd.s32 $0xFFFFEC00  }
0x40: {  	[tilespmem:s19], [sflag:$0x3] =	stream.linear.gather [hbm4b:s14+s29], $0x1400, $0x38;
	[tilespmem:$0x1E800] =	vst v63  }
0x41: {  	_ =	swait.ge [sflag:s18], $0x1400  }
0x42: {  	[sflag:s18] =	ssyncset.done $0x0  }
0x43: {  	[sflag:s18] =	ssyncadd.s32 $0xFFFFEC00  }
0x44: {  	[tilespmem:s17], [sflag:$0x1] =	stream.indirect.gather [hbm4b:s3+s20], $0x80, s29, s20, $0xb8;
	[tilespmem:$0x1E800] =	vst v63  }
0x45: {  	_ = 	snop  }
0x46: {  	[tilespmem:s21], [sflag:$0x2] =	stream.indirect.gather [hbm4b:s3+s20], $0x80, s20, s20, $0xb8;
	[tilespmem:$0x1E800] =	vst v63  }
0x47: {  	_ =	swait.ge [sflag:s22], $0x4000  }
0x48: {  	[sflag:s22] =	ssyncset.done $0x0  }
0x49: {  	s29 =	simm.s32 $0x1400;
	[sflag:s22] =	ssyncadd.s32 $0xFFFFC000  }
0x4a: {  	[spmem:s1] =	stream.indirect.scatter.add.f32 [tilespmem:s17], [sflag:$0x3], $0x80, s29, s20, $0xb8;
	[tilespmem:$0x1E800] =	vst v63  }
0x4b: {  	_ =	swait.ge [sflag:s18], $0x4000  }
0x4c: {  	[sflag:s18] =	ssyncset.done $0x0  }
0x4d: {  	s29 =	simm.s32 $0x100;
	[sflag:s18] =	ssyncadd.s32 $0xFFFFC000  }
0x4e: {  	[tilespmem:s17], [sflag:$0x1] =	stream.indirect.gather [hbm4b:s3+s20], $0x80, s29, s20, $0xb8;
	[tilespmem:$0x1E800] =	vst v63  }
0x4f: {  	_ =	swait.ge [sflag:s23], $0x4000  }
0x50: {  	[sflag:s23] =	ssyncset.done $0x0  }
0x51: {  	s29 =	simm.s32 $0x1480;
	[sflag:s23] =	ssyncadd.s32 $0xFFFFC000  }
0x52: {  	[spmem:s1] =	stream.indirect.scatter.add.f32 [tilespmem:s21], [sflag:$0x3], $0x80, s29, s20, $0xb8;
	[tilespmem:$0x1E800] =	vst v63  }
0x53: {  	_ =	swait.ge [sflag:s18], $0x4000  }
0x54: {  	[sflag:s18] =	ssyncset.done $0x0  }
0x55: {  	s30 =	simm.s32 $0x180;
	s29 =	simm.s32 $0x400;
	[sflag:s18] =	ssyncadd.s32 $0xFFFFC000  }
.LBB2_4:
0x56: {  	[tilespmem:s21], [sflag:$0x2] =	stream.indirect.gather [hbm4b:s3+s20], $0x80, s30, s20, $0xb8;
	[tilespmem:$0x1E800] =	vst v63  }
0x57: {  	s30 =	smov.u32 s29  }
0x58: {  	p1 =	sne.s32 s29, $0x4800;
	s29 =	sadd.s32 $0x400, s29;
	_ =	swait.ge [sflag:s22], $0x4000  }
0x59: {  	s30 =	sshra.s32 s30, $0x2;
	[sflag:s22] =	ssyncset.done $0x0  }
0x5a: {  	s31 =	sadd.s32 $0x1400, s30;
	[sflag:s22] =	ssyncadd.s32 $0xFFFFC000  }
0x5b: {  	[spmem:s1] =	stream.indirect.scatter.add.f32 [tilespmem:s17], [sflag:$0x3], $0x80, s31, s20, $0xb8;
	[tilespmem:$0x1E800] =	vst v63  }
0x5c: {  	_ =	swait.ge [sflag:s18], $0x4000  }
0x5d: {  	[sflag:s18] =	ssyncset.done $0x0  }
0x5e: {  	s31 =	sadd.s32 $0x100, s30;
	[sflag:s18] =	ssyncadd.s32 $0xFFFFC000  }
0x5f: {  	[tilespmem:s17], [sflag:$0x1] =	stream.indirect.gather [hbm4b:s3+s20], $0x80, s31, s20, $0xb8;
	[tilespmem:$0x1E800] =	vst v63  }
0x60: {  	_ =	swait.ge [sflag:s23], $0x4000  }
0x61: {  	[sflag:s23] =	ssyncset.done $0x0  }
.Ltmp1:
0x62: {  	s31 =	sadd.s32 $0x1480, s30;
	[sflag:s23] =	ssyncadd.s32 $0xFFFFC000;
	(pc) =	sbr.rel @p1 .LBB2_4-.Ltmp1, $4  }
0x63: {  	[spmem:s1] =	stream.indirect.scatter.add.f32 [tilespmem:s21], [sflag:$0x3], $0x80, s31, s20, $0xb8;
	[tilespmem:$0x1E800] =	vst v63  }
0x64: {  	_ =	swait.ge [sflag:s18], $0x4000  }
0x65: {  	[sflag:s18] =	ssyncset.done $0x0  }
0x66: {  	s30 =	sadd.s32 $0x180, s30;
	[sflag:s18] =	ssyncadd.s32 $0xFFFFC000  }
0x67: {  	[tilespmem:s21], [sflag:$0x2] =	stream.indirect.gather [hbm4b:s3+s20], $0x80, s30, s20, $0xb8;
	[tilespmem:$0x1E800] =	vst v63  }
0x68: {  	_ =	swait.ge [sflag:s22], $0x4000  }
0x69: {  	[sflag:s22] =	ssyncset.done $0x0  }
0x6a: {  	[sflag:s22] =	ssyncadd.s32 $0xFFFFC000  }
0x6b: {  	[spmem:s1] =	stream.indirect.scatter.add.f32 [tilespmem:s17], [sflag:$0x3], $0x80, s26, s20, $0xb8;
	[tilespmem:$0x1E800] =	vst v63  }
0x6c: {  	_ =	swait.ge [sflag:s18], $0x4000  }
0x6d: {  	[sflag:s18] =	ssyncset.done $0x0  }
0x6e: {  	[sflag:s18] =	ssyncadd.s32 $0xFFFFC000  }
0x6f: {  	_ =	swait.ge [sflag:s23], $0x4000  }
0x70: {  	[sflag:s23] =	ssyncset.done $0x0  }
0x71: {  	[sflag:s23] =	ssyncadd.s32 $0xFFFFC000  }
0x72: {  	[spmem:s1] =	stream.indirect.scatter.add.f32 [tilespmem:s21], [sflag:$0x3], $0x80, s28, s20, $0xb8;
	[tilespmem:$0x1E800] =	vst v63  }
0x73: {  	_ =	swait.ge [sflag:s18], $0x4000  }
0x74: {  	[sflag:s18] =	ssyncset.done $0x0  }
0x75: {  	s29 =	simm.s32 $0x0;
	[sflag:s18] =	ssyncadd.s32 $0xFFFFC000  }
0x76: {  	[tilespmem:s29], [sflag:$0x3] =	stream.linear.gather [hbm4b:s15+s29], $0x1400, $0x38;
	[tilespmem:$0x1E800] =	vst v63  }
0x77: {  	_ =	swait.ge [sflag:s18], $0x1400  }
0x78: {  	[sflag:s18] =	ssyncset.done $0x0  }
0x79: {  	[sflag:s18] =	ssyncadd.s32 $0xFFFFEC00  }
0x7a: {  	[tilespmem:s19], [sflag:$0x3] =	stream.linear.gather [hbm4b:s16+s29], $0x1400, $0x38;
	[tilespmem:$0x1E800] =	vst v63  }
0x7b: {  	_ =	swait.ge [sflag:s18], $0x1400  }
0x7c: {  	[sflag:s18] =	ssyncset.done $0x0  }
0x7d: {  	[sflag:s18] =	ssyncadd.s32 $0xFFFFEC00  }
0x7e: {  	[tilespmem:s17], [sflag:$0x1] =	stream.indirect.gather [hbm4b:s3+s20], $0x80, s29, s20, $0xb8;
	[tilespmem:$0x1E800] =	vst v63  }
0x7f: {  	_ = 	snop  }
0x80: {  	[tilespmem:s21], [sflag:$0x2] =	stream.indirect.gather [hbm4b:s3+s20], $0x80, s20, s20, $0xb8;
	[tilespmem:$0x1E800] =	vst v63  }
0x81: {  	_ =	swait.ge [sflag:s22], $0x4000  }
0x82: {  	[sflag:s22] =	ssyncset.done $0x0  }
0x83: {  	s29 =	simm.s32 $0x1400;
	[sflag:s22] =	ssyncadd.s32 $0xFFFFC000  }
0x84: {  	[spmem:s1] =	stream.indirect.scatter.add.f32 [tilespmem:s17], [sflag:$0x3], $0x80, s29, s20, $0xb8;
	[tilespmem:$0x1E800] =	vst v63  }
0x85: {  	_ =	swait.ge [sflag:s18], $0x4000  }
0x86: {  	[sflag:s18] =	ssyncset.done $0x0  }
0x87: {  	s29 =	simm.s32 $0x100;
	[sflag:s18] =	ssyncadd.s32 $0xFFFFC000  }
0x88: {  	[tilespmem:s17], [sflag:$0x1] =	stream.indirect.gather [hbm4b:s3+s20], $0x80, s29, s20, $0xb8;
	[tilespmem:$0x1E800] =	vst v63  }
0x89: {  	_ =	swait.ge [sflag:s23], $0x4000  }
0x8a: {  	[sflag:s23] =	ssyncset.done $0x0  }
0x8b: {  	s29 =	simm.s32 $0x1480;
	[sflag:s23] =	ssyncadd.s32 $0xFFFFC000  }
0x8c: {  	[spmem:s1] =	stream.indirect.scatter.add.f32 [tilespmem:s21], [sflag:$0x3], $0x80, s29, s20, $0xb8;
	[tilespmem:$0x1E800] =	vst v63  }
0x8d: {  	_ =	swait.ge [sflag:s18], $0x4000  }
0x8e: {  	[sflag:s18] =	ssyncset.done $0x0  }
0x8f: {  	s30 =	simm.s32 $0x180;
	s29 =	simm.s32 $0x400;
	[sflag:s18] =	ssyncadd.s32 $0xFFFFC000  }
.LBB2_6:
0x90: {  	[tilespmem:s21], [sflag:$0x2] =	stream.indirect.gather [hbm4b:s3+s20], $0x80, s30, s20, $0xb8;
	[tilespmem:$0x1E800] =	vst v63  }
0x91: {  	s30 =	smov.u32 s29  }
0x92: {  	p1 =	sne.s32 s29, $0x4800;
	s29 =	sadd.s32 $0x400, s29;
	_ =	swait.ge [sflag:s22], $0x4000  }
0x93: {  	s30 =	sshra.s32 s30, $0x2;
	[sflag:s22] =	ssyncset.done $0x0  }
0x94: {  	s31 =	sadd.s32 $0x1400, s30;
	[sflag:s22] =	ssyncadd.s32 $0xFFFFC000  }
0x95: {  	[spmem:s1] =	stream.indirect.scatter.add.f32 [tilespmem:s17], [sflag:$0x3], $0x80, s31, s20, $0xb8;
	[tilespmem:$0x1E800] =	vst v63  }
0x96: {  	_ =	swait.ge [sflag:s18], $0x4000  }
0x97: {  	[sflag:s18] =	ssyncset.done $0x0  }
0x98: {  	s31 =	sadd.s32 $0x100, s30;
	[sflag:s18] =	ssyncadd.s32 $0xFFFFC000  }
0x99: {  	[tilespmem:s17], [sflag:$0x1] =	stream.indirect.gather [hbm4b:s3+s20], $0x80, s31, s20, $0xb8;
	[tilespmem:$0x1E800] =	vst v63  }
0x9a: {  	_ =	swait.ge [sflag:s23], $0x4000  }
0x9b: {  	[sflag:s23] =	ssyncset.done $0x0  }
.Ltmp2:
0x9c: {  	s31 =	sadd.s32 $0x1480, s30;
	[sflag:s23] =	ssyncadd.s32 $0xFFFFC000;
	(pc) =	sbr.rel @p1 .LBB2_6-.Ltmp2, $4  }
0x9d: {  	[spmem:s1] =	stream.indirect.scatter.add.f32 [tilespmem:s21], [sflag:$0x3], $0x80, s31, s20, $0xb8;
	[tilespmem:$0x1E800] =	vst v63  }
0x9e: {  	_ =	swait.ge [sflag:s18], $0x4000  }
0x9f: {  	[sflag:s18] =	ssyncset.done $0x0  }
0xa0: {  	s30 =	sadd.s32 $0x180, s30;
	[sflag:s18] =	ssyncadd.s32 $0xFFFFC000  }
0xa1: {  	[tilespmem:s21], [sflag:$0x2] =	stream.indirect.gather [hbm4b:s3+s20], $0x80, s30, s20, $0xb8;
	[tilespmem:$0x1E800] =	vst v63  }
0xa2: {  	_ =	swait.ge [sflag:s22], $0x4000  }
0xa3: {  	[sflag:s22] =	ssyncset.done $0x0  }
0xa4: {  	[sflag:s22] =	ssyncadd.s32 $0xFFFFC000  }
0xa5: {  	[spmem:s1] =	stream.indirect.scatter.add.f32 [tilespmem:s17], [sflag:$0x3], $0x80, s26, s20, $0xb8;
	[tilespmem:$0x1E800] =	vst v63  }
0xa6: {  	_ =	swait.ge [sflag:s18], $0x4000  }
0xa7: {  	[sflag:s18] =	ssyncset.done $0x0  }
0xa8: {  	[sflag:s18] =	ssyncadd.s32 $0xFFFFC000  }
0xa9: {  	_ =	swait.ge [sflag:s23], $0x4000  }
0xaa: {  	[sflag:s23] =	ssyncset.done $0x0  }
0xab: {  	[sflag:s23] =	ssyncadd.s32 $0xFFFFC000  }
0xac: {  	[spmem:s1] =	stream.indirect.scatter.add.f32 [tilespmem:s21], [sflag:$0x3], $0x80, s28, s20, $0xb8;
	[tilespmem:$0x1E800] =	vst v63  }
0xad: {  	_ =	swait.ge [sflag:s18], $0x4000  }
0xae: {  	[sflag:s18] =	ssyncset.done $0x0  }
0xaf: {  	s29 =	sshll.u32 s4, $0x6;
	[sflag:s18] =	ssyncadd.s32 $0xFFFFC000  }
0xb0: {  	s29 =	sor.u32 $0x1C03, s29;
	[bflag:$0x0] =	sbarrier.arrive $0xFFFF  }
0xb1: {  	[hbm:s6], [sflag:s29] =	dma.local [spmem:s24], $0x2700  }
0xb2: {  	_ =	swait.ge [sflag:s18], $0x2700  }
0xb3: {  	s2 =	sadd.s32 $0x1, s2;
	[sflag:s18] =	ssyncset.done $0x0  }
0xb4: {  	p1 =	sne.s32 s2, s8;
	[sflag:s18] =	ssyncadd.s32 $0xFFFFD900  }
0xb5: {  	[hbm:s7], [sflag:s29] =	dma.local @!p0 [spmem:s25], $0x100  }
.Ltmp3:
0xb6: {  	_ = 	snop;
	(pc) =	sbr.rel @p1 .LBB2_1-.Ltmp3, $4  }
0xb7: {  	s29 =	simm.s32 @!p0 $0x3  }
0xb8: {  	_ =	swait.ge @!p0 [sflag:s29], $0x100  }
0xb9: {  	[sflag:s29] =	ssyncset.done @!p0 $0x0  }
0xba: {  	[sflag:s29] =	ssyncadd.s32 @!p0 $0xFFFFFF00  }
0xbb: {  	_ =	sfence.sel $0x180000  }
0xbc: {  	[bflag:$0x0] =	sbarrier.arrive $0xFFFF  }
0xbd: {  	_ =	strace $0x9000004D  }
0xbe: {  	s0 =	sadd.s32 @!p0 $0x100000, s0;
	[bflag:$0x2] =	sbarrier.arrive $0xFFFF  }
0xbf: {  	[sflag:s0] =	ssyncadd.tile.s32 @!p0 $0x1;
	_ =	shalt  }
.Lfunc_end2:
_tile_overlayer_lowered:
.L_overlay_start_2:
0xc0: {  	(tag) =	ssettag $0x2  }
0xc1: {  	s0 =	rddreg [dreg:$0x0];
	s2 =	stileid.u32  }
0xc2: {  	s1 =	rddreg [dreg:$0x1];
	p0 =	sne.s32 s2, $0x0  }
0xc3: {  	s3 =	rddreg [dreg:$0x2];
	[bflag:$0x3] =	sbarrier.arrive $0xFFFF;
	s2 =	simm.s32 @!p0 $0x1C03  }
0xc4: {  	[timem:s3], [sflag:s2] =	dma.local @!p0 [hbm:s0], s1  }
0xc5: {  	s0 =	simm.s32 @!p0 $0x3  }
0xc6: {  	_ =	swait.ge @!p0 [sflag:s0], s1  }
0xc7: {  	s1 =	ssub.s32 @!p0 $0x0, s1;
	[sflag:s0] =	ssyncset.done @!p0 $0x0  }
0xc8: {  	[sflag:s0] =	ssyncadd.s32 @!p0 s1  }
0xc9: {  	[bflag:$0x3] =	sbarrier.arrive $0xFFFF  }
0xca: {  	_ =	shalt  }

</sc_bundles>
